<compile_context>
chip_gen: v7x
topology: tpu7x:2x2x1
jax: 0.10.2.dev20260603
libtpu: 0.0.44.dev20260713+nightly
codegen_flags: <defaults>
</compile_context>

<pallas_src>
import functools

import jax
import jax.numpy as jnp
from jax import lax
from jax.experimental import pallas as pl
from jax.experimental.pallas import tpu as pltpu
from jax.experimental.pallas import tpu_sc as plsc

_CORES = 2
_TILES = 16
_K = 128
_GRID = 8


def _round_up(a: int, b: int) -> int:
    return (a + b - 1) // b * b


def _mesh():
    return plsc.VectorSubcoreMesh(
        core_axis_name="c", subcore_axis_name="s",
        num_cores=_CORES, num_subcores=_TILES)


@functools.lru_cache(maxsize=None)
def _deg_kernel(n_pad: int, ept: int, nchunk: int):
    rpt = n_pad // _TILES

    @functools.partial(
        pl.kernel,
        out_type=jax.ShapeDtypeStruct((_CORES * n_pad, 16), jnp.float32),
        mesh=_mesh(),
        scratch_types=[
            pltpu.VMEM((_K,), jnp.int32),
            pltpu.VMEM((_K, 16), jnp.float32),
            pltpu.VMEM_SHARED((n_pad, 16), jnp.float32),
        ],
    )
    def deg_k(dst_hbm, ones_hbm, zeros_hbm, out_hbm, dst_v, ones_v, acc_sh):
        c = lax.axis_index("c")
        s = lax.axis_index("s")
        pltpu.sync_copy(zeros_hbm, acc_sh.at[pl.ds(s * rpt, rpt)])
        pltpu.sync_copy(ones_hbm, ones_v)
        plsc.subcore_barrier()

        def body(i, carry):
            base = c * (ept * _TILES) + s * ept + i * _K
            pltpu.sync_copy(dst_hbm.at[pl.ds(base, _K)], dst_v)
            pltpu.sync_copy(ones_v, acc_sh.at[dst_v], add=True)
            return carry

        lax.fori_loop(0, nchunk, body, 0)
        plsc.subcore_barrier()
        pltpu.sync_copy(acc_sh.at[pl.ds(s * rpt, rpt)],
                        out_hbm.at[pl.ds(c * n_pad + s * rpt, rpt)])
        plsc.subcore_barrier()

    return deg_k


@functools.lru_cache(maxsize=None)
def _scatter_kernel(n_pad: int, d: int, ept: int, nchunk: int):
    rpt = n_pad // _TILES

    @functools.partial(
        pl.kernel,
        out_type=jax.ShapeDtypeStruct((_CORES * n_pad, d), jnp.float32),
        mesh=_mesh(),
        scratch_types=[
            pltpu.VMEM((_K,), jnp.int32),
            pltpu.VMEM((_K,), jnp.int32),
            pltpu.VMEM((_K, d), jnp.float32),
            pltpu.VMEM_SHARED((n_pad, d), jnp.float32),
            pltpu.SemaphoreType.DMA,
        ],
    )
    def scat_k(src_hbm, dst_hbm, table_hbm, zeros_hbm, out_hbm,
               src_v, dst_v, rows_v, acc_sh, sem):
        c = lax.axis_index("c")
        s = lax.axis_index("s")
        pltpu.sync_copy(zeros_hbm, acc_sh.at[pl.ds(s * rpt, rpt)])
        plsc.subcore_barrier()
        base0 = c * (ept * _TILES) + s * ept

        def body(i, carry):
            base = base0 + i * _K
            pltpu.sync_copy(src_hbm.at[pl.ds(base, _K)], src_v)
            pltpu.sync_copy(dst_hbm.at[pl.ds(base, _K)], dst_v)
            pltpu.async_copy(table_hbm.at[src_v], rows_v, sem).wait()
            pltpu.sync_copy(rows_v, acc_sh.at[dst_v], add=True)
            return carry

        lax.fori_loop(0, nchunk, body, 0)
        plsc.subcore_barrier()
        pltpu.sync_copy(acc_sh.at[pl.ds(s * rpt, rpt)],
                        out_hbm.at[pl.ds(c * n_pad + s * rpt, rpt)])
        plsc.subcore_barrier()

    return scat_k


def _tc0_body(n, r_blk, dega, degb, x, w_in, b_in, w0, hws_ref, dis_ref):
    i = pl.program_id(0)
    deg = dega[...] + degb[...] + 1.0
    dis = jnp.max(lax.rsqrt(deg), axis=1, keepdims=True)
    ridx = lax.broadcasted_iota(jnp.int32, (r_blk, 1), 0) + i * r_blk
    dis = jnp.where(ridx < n, dis, 0.0)
    h0 = jnp.dot(x[...], w_in[...], preferred_element_type=jnp.float32)
    h0 = h0 + b_in[...]
    hws_ref[...] = jnp.dot(h0, w0[...],
                           preferred_element_type=jnp.float32) * dis
    dis_ref[...] = dis


def _tcl_body(acc0, acc1, hws_p, dis, b, w, out_ref):
    d = dis[...]
    h = jnp.maximum((acc0[...] + acc1[...] + hws_p[...]) * d + b[...], 0.0)
    out_ref[...] = jnp.dot(h, w[...], preferred_element_type=jnp.float32) * d


def _tc6_body(n, r_blk, acc0, acc1, hws_p, dis, b, w1, b1, w2, b2,
              out_ref, acc_s):
    i = pl.program_id(0)
    h = jnp.maximum(
        (acc0[...] + acc1[...] + hws_p[...]) * dis[...] + b[...], 0.0)
    ridx = lax.broadcasted_iota(jnp.int32, (r_blk, 1), 0) + i * r_blk
    h = jnp.where(ridx < n, h, 0.0)
    psum = jnp.sum(h, axis=0, keepdims=True)

    @pl.when(i == 0)
    def _():
        acc_s[...] = psum

    @pl.when(i > 0)
    def _():
        acc_s[...] = acc_s[...] + psum

    @pl.when(i == _GRID - 1)
    def _():
        pooled = acc_s[...] * (1.0 / n)
        hid = jnp.maximum(
            jnp.dot(pooled, w1[...],
                    preferred_element_type=jnp.float32) + b1[...], 0.0)
        out_ref[...] = jnp.dot(hid, w2[...],
                               preferred_element_type=jnp.float32) + b2[...]


def kernel(x, edge_index, W_in, b_in, gcn_W, gcn_b, W1, b1, W2, b2):
    n, d = x.shape
    e = edge_index.shape[1]
    nl = gcn_W.shape[0]
    nt = W2.shape[1]
    f32 = jnp.float32

    n_pad = _round_up(n + 1, 1024)
    e_pad = _round_up(e, _CORES * _TILES * _K)
    ept = e_pad // (_CORES * _TILES)
    nchunk = ept // _K
    rpt = n_pad // _TILES
    r_blk = n_pad // _GRID

    pad_e = jnp.full((e_pad - e,), n, edge_index.dtype)
    src = jnp.concatenate([edge_index[0], pad_e])
    dst = jnp.concatenate([edge_index[1], pad_e])
    x_pad = jnp.pad(x, ((0, n_pad - n), (0, 0)))
    ones16 = jnp.ones((_K, 16), f32)
    zeros16 = jnp.zeros((rpt, 16), f32)
    zeros_d = jnp.zeros((rpt, d), f32)
    b_in2 = b_in.reshape(1, d)

    deg2 = _deg_kernel(n_pad, ept, nchunk)(dst, ones16, zeros16)

    row_spec = pl.BlockSpec((r_blk, d), lambda i: (i, 0))
    dis_spec = pl.BlockSpec((r_blk, 1), lambda i: (i, 0))
    acc0_spec = pl.BlockSpec((r_blk, d), lambda i: (i, 0))
    acc1_spec = pl.BlockSpec((r_blk, d), lambda i: (i + _GRID, 0))
    w_spec = pl.BlockSpec((d, d), lambda i: (0, 0))
    b_spec = pl.BlockSpec((1, d), lambda i: (0, 0))

    hws, dis = pl.pallas_call(
        functools.partial(_tc0_body, n, r_blk),
        grid=(_GRID,),
        in_specs=[
            pl.BlockSpec((r_blk, 16), lambda i: (i, 0)),
            pl.BlockSpec((r_blk, 16), lambda i: (i + _GRID, 0)),
            row_spec, w_spec, b_spec, w_spec,
        ],
        out_specs=[row_spec, dis_spec],
        out_shape=[
            jax.ShapeDtypeStruct((n_pad, d), f32),
            jax.ShapeDtypeStruct((n_pad, 1), f32),
        ],
    )(deg2, deg2, x_pad, W_in, b_in2, gcn_W[0])

    scat = _scatter_kernel(n_pad, d, ept, nchunk)
    tcl = pl.pallas_call(
        _tcl_body,
        grid=(_GRID,),
        in_specs=[acc0_spec, acc1_spec, row_spec, dis_spec, b_spec, w_spec],
        out_specs=row_spec,
        out_shape=jax.ShapeDtypeStruct((n_pad, d), f32),
    )

    for l in range(1, nl):
        acc = scat(src, dst, hws, zeros_d)
        hws = tcl(acc, acc, hws, dis, gcn_b[l - 1].reshape(1, d), gcn_W[l])

    acc = scat(src, dst, hws, zeros_d)

    w2p = jnp.pad(W2, ((0, 0), (0, d - nt)))
    b2p = jnp.pad(b2, (0, d - nt)).reshape(1, d)
    outp = pl.pallas_call(
        functools.partial(_tc6_body, n, r_blk),
        grid=(_GRID,),
        in_specs=[acc0_spec, acc1_spec, row_spec, dis_spec, b_spec,
                  w_spec, b_spec, w_spec, b_spec],
        out_specs=pl.BlockSpec((1, d), lambda i: (0, 0)),
        out_shape=jax.ShapeDtypeStruct((1, d), f32),
        scratch_shapes=[pltpu.VMEM((1, d), f32)],
    )(acc, acc, hws, dis, gcn_b[nl - 1].reshape(1, d),
      W1, b1.reshape(1, d), w2p, b2p)

    return outp[:, :nt]

# --- scband reference (transcript-rebuilt; emitter-appended) ---
"""Pipeline reference for scband-multi-scale-gnn-5059471475395 (READ-ONLY COPY).

The authoritative reference and input builder live on the scoring server;
editing this copy changes nothing except your own understanding.
"""

import jax, jax.numpy as jnp
import numpy as np

N = 10000
E = 320000
D = 128
NL = 6
NT = 13


def setup_inputs(seed: int = 0) -> dict:
    key = jax.random.key(seed)
    ks = jax.random.split(key, 8)
    s = 0.05
    return {
        "x": jax.random.normal(ks[0], (N, D), dtype=jnp.float32),
        "edge_index": jax.random.randint(ks[1], (2, E), 0, N, dtype=jnp.int32),
        "W_in": jax.random.normal(ks[2], (D, D), dtype=jnp.float32) * s,
        "b_in": jnp.zeros((D,), jnp.float32),
        "gcn_W": jax.random.normal(ks[3], (NL, D, D), dtype=jnp.float32) * s,
        "gcn_b": jnp.zeros((NL, D), jnp.float32),
        "W1": jax.random.normal(ks[4], (D, D), dtype=jnp.float32) * s,
        "b1": jnp.zeros((D,), jnp.float32),
        "W2": jax.random.normal(ks[5], (D, NT), dtype=jnp.float32) * s,
        "b2": jnp.zeros((NT,), jnp.float32),
    }


def reference(x, edge_index, W_in, b_in, gcn_W, gcn_b, W1, b1, W2, b2):
    # input projection
    n = x.shape[0]
    # GCNConv normalization (PyG gcn_norm with added self-loops)
    loop = jnp.arange(n, dtype=edge_index.dtype)
    src = jnp.concatenate([edge_index[0], loop])
    dst = jnp.concatenate([edge_index[1], loop])
    deg = jnp.zeros((n,), x.dtype).at[dst].add(1.0)
    dis = jnp.where(deg > 0, 1.0 / jnp.sqrt(deg), 0.0)
    norm = (dis[src] * dis[dst])[:, None]

    h = x @ W_in + b_in
    # single scale (scales=[1]); num_layers GCN layers with relu (dropout is no-op in eval)
    for l in range(NL):
        hw = h @ gcn_W[l]
        msg = hw[src] * norm
        h = jnp.zeros_like(hw).at[dst].add(msg) + gcn_b[l]
        h = jax.nn.relu(h)
    # batch is None -> global mean over nodes
    pooled = h.mean(axis=0, keepdims=True)
    # single scale -> attention fusion branch skipped
    hid = jax.nn.relu(pooled @ W1 + b1)
    out = hid @ W2 + b2
    return out

if __name__ == "__main__":
    import jax
    _d = setup_inputs()
    print(jax.jit(kernel)(*tuple(_d.values())))

</pallas_src>

<mosaic_0001>
#map = affine_map<(d0, d1) -> (0)>
#map1 = affine_map<(d0, d1) -> (0, 0)>
module attributes {stable_mosaic.version = 14 : i64} {
  func.func @scat_k(%arg0: i32, %arg1: i32, %arg2: memref<323584xi32, #tpu.memory_space<hbm>>, %arg3: memref<323584xi32, #tpu.memory_space<hbm>>, %arg4: memref<10240x128xf32, #tpu.memory_space<hbm>>, %arg5: memref<640x128xf32, #tpu.memory_space<hbm>>, %arg6: memref<20480x128xf32, #tpu.memory_space<hbm>>, %arg7: memref<128xi32, #tpu.memory_space<vmem>>, %arg8: memref<128xi32, #tpu.memory_space<vmem>>, %arg9: memref<128x128xf32, #tpu.memory_space<vmem>>, %arg10: memref<10240x128xf32, #tpu.memory_space<vmem_shared>>, %arg11: memref<!tpu.dma_semaphore, #tpu.memory_space<semaphore_mem>>) attributes {dimension_semantics = [#tpu.dimension_semantics<core_parallel>, #tpu.dimension_semantics<subcore_parallel>], iteration_bounds = array<i64: 2, 16>, scalar_prefetch = 0 : i64, scratch_operands = 5 : i64, tpu.core_type = #tpu.core_type<sc_vector_subcore>, window_params = [{transform_indices = #map}, {transform_indices = #map}, {transform_indices = #map1}, {transform_indices = #map1}, {transform_indices = #map1}]} {
    %mul3A = arith.constant 640 : i32
    %mul3A_0 = arith.muli %arg1, %mul3A : i32
    "tpu.region"() ({
      %run_scoped3A = tpu.sem_alloc : memref<!tpu.dma_semaphore, #tpu.memory_space<semaphore_mem>>
      %dma_start3A = arith.constant 0 : i32
      %dma_start3A_19 = tpu.memref_slice %arg10[%mul3A_0, %dma_start3A] : memref<10240x128xf32, #tpu.memory_space<vmem_shared>> -> memref<640x128xf32, #tpu.memory_space<vmem_shared>>
      tpu.enqueue_dma source(%arg5 : memref<640x128xf32, #tpu.memory_space<hbm>>) target(%dma_start3A_19 : memref<640x128xf32, #tpu.memory_space<vmem_shared>>) target_semaphore(%run_scoped3A : memref<!tpu.dma_semaphore, #tpu.memory_space<semaphore_mem>>)
      %dma_wait3A = arith.constant 0 : i32
      %dma_wait3A_20 = tpu.memref_slice %arg10[%mul3A_0, %dma_wait3A] : memref<10240x128xf32, #tpu.memory_space<vmem_shared>> -> memref<640x128xf32, #tpu.memory_space<vmem_shared>>
      tpu.wait_dma2 semaphore(%run_scoped3A : memref<!tpu.dma_semaphore, #tpu.memory_space<semaphore_mem>>) src(%arg5 : memref<640x128xf32, #tpu.memory_space<hbm>>) dst(%dma_wait3A_20 : memref<640x128xf32, #tpu.memory_space<vmem_shared>>)
      tpu.yield
    }) : () -> ()
    %barrier3A = arith.constant 0 : index
    tpu.barrier barrier_id(%barrier3A)
    %mul3A_1 = arith.constant 161792 : i32
    %mul3A_2 = arith.muli %arg0, %mul3A_1 : i32
    %mul3A_3 = arith.constant 10112 : i32
    %mul3A_4 = arith.muli %arg1, %mul3A_3 : i32
    %add3A = arith.addi %mul3A_2, %mul3A_4 : i32
    %scan3A = arith.constant 0 : i32
    %scan3A_5 = arith.constant 0 : i32
    %scan3A_6 = arith.constant 79 : i32
    %scan3A_7 = arith.addi %scan3A_5, %scan3A_6 : i32
    %scan3A_8 = arith.constant 1 : i32
    scf.for %scan3A_19 = %scan3A_5 to %scan3A_7 step %scan3A_8  : i32 {
      %mul3A_20 = arith.constant 128 : i32
      %mul3A_21 = arith.muli %scan3A_19, %mul3A_20 : i32
      %add3A_22 = arith.addi %add3A, %mul3A_21 : i32
      "tpu.region"() ({
        %run_scoped3A = tpu.sem_alloc : memref<!tpu.dma_semaphore, #tpu.memory_space<semaphore_mem>>
        %dma_start3A_27 = tpu.memref_slice %arg2[%add3A_22] : memref<323584xi32, #tpu.memory_space<hbm>> -> memref<128xi32, #tpu.memory_space<hbm>>
        %dma_start3A_28 = tpu.memref_slice %arg2[%add3A_22] : memref<323584xi32, #tpu.memory_space<hbm>> -> memref<128xi32, #tpu.memory_space<hbm>>
        tpu.enqueue_dma source(%dma_start3A_28 : memref<128xi32, #tpu.memory_space<hbm>>) target(%arg7 : memref<128xi32, #tpu.memory_space<vmem>>) target_semaphore(%run_scoped3A : memref<!tpu.dma_semaphore, #tpu.memory_space<semaphore_mem>>)
        %dma_wait3A_29 = tpu.memref_slice %arg2[%add3A_22] : memref<323584xi32, #tpu.memory_space<hbm>> -> memref<128xi32, #tpu.memory_space<hbm>>
        %dma_wait3A_30 = tpu.memref_slice %arg2[%add3A_22] : memref<323584xi32, #tpu.memory_space<hbm>> -> memref<128xi32, #tpu.memory_space<hbm>>
        tpu.wait_dma2 semaphore(%run_scoped3A : memref<!tpu.dma_semaphore, #tpu.memory_space<semaphore_mem>>) src(%dma_wait3A_30 : memref<128xi32, #tpu.memory_space<hbm>>) dst(%arg7 : memref<128xi32, #tpu.memory_space<vmem>>)
        tpu.yield
      }) : () -> ()
      "tpu.region"() ({
        %run_scoped3A = tpu.sem_alloc : memref<!tpu.dma_semaphore, #tpu.memory_space<semaphore_mem>>
        %dma_start3A_27 = tpu.memref_slice %arg3[%add3A_22] : memref<323584xi32, #tpu.memory_space<hbm>> -> memref<128xi32, #tpu.memory_space<hbm>>
        %dma_start3A_28 = tpu.memref_slice %arg3[%add3A_22] : memref<323584xi32, #tpu.memory_space<hbm>> -> memref<128xi32, #tpu.memory_space<hbm>>
        tpu.enqueue_dma source(%dma_start3A_28 : memref<128xi32, #tpu.memory_space<hbm>>) target(%arg8 : memref<128xi32, #tpu.memory_space<vmem>>) target_semaphore(%run_scoped3A : memref<!tpu.dma_semaphore, #tpu.memory_space<semaphore_mem>>)
        %dma_wait3A_29 = tpu.memref_slice %arg3[%add3A_22] : memref<323584xi32, #tpu.memory_space<hbm>> -> memref<128xi32, #tpu.memory_space<hbm>>
        %dma_wait3A_30 = tpu.memref_slice %arg3[%add3A_22] : memref<323584xi32, #tpu.memory_space<hbm>> -> memref<128xi32, #tpu.memory_space<hbm>>
        tpu.wait_dma2 semaphore(%run_scoped3A : memref<!tpu.dma_semaphore, #tpu.memory_space<semaphore_mem>>) src(%dma_wait3A_30 : memref<128xi32, #tpu.memory_space<hbm>>) dst(%arg8 : memref<128xi32, #tpu.memory_space<vmem>>)
        tpu.yield
      }) : () -> ()
      %dma_start3A = arith.constant 0 : i32
      %dma_start3A_23 = arith.constant 0 : i32
      %dma_start3A_24 = tpu.memref_slice %arg4[%dma_start3A, %dma_start3A_23] : memref<10240x128xf32, #tpu.memory_space<hbm>> -> memref<10240x128xf32, #tpu.memory_space<hbm>>
      tpu.enqueue_indirect_dma source(%dma_start3A_24 : memref<10240x128xf32, #tpu.memory_space<hbm>>) target(%arg9 : memref<128x128xf32, #tpu.memory_space<vmem>>) offsets(%arg7 : memref<128xi32, #tpu.memory_space<vmem>>) semaphore(%arg11 : memref<!tpu.dma_semaphore, #tpu.memory_space<semaphore_mem>>)
      %dma_wait3A = arith.constant 0 : i32
      %dma_wait3A_25 = arith.constant 0 : i32
      %dma_wait3A_26 = tpu.memref_slice %arg4[%dma_wait3A, %dma_wait3A_25] : memref<10240x128xf32, #tpu.memory_space<hbm>> -> memref<10240x128xf32, #tpu.memory_space<hbm>>
      tpu.wait_indirect_dma semaphore(%arg11 : memref<!tpu.dma_semaphore, #tpu.memory_space<semaphore_mem>>) src(%dma_wait3A_26 : memref<10240x128xf32, #tpu.memory_space<hbm>>) dst(%arg9 : memref<128x128xf32, #tpu.memory_space<vmem>>)
      "tpu.region"() ({
        %run_scoped3A = tpu.sem_alloc : memref<!tpu.dma_semaphore, #tpu.memory_space<semaphore_mem>>
        %dma_start3A_27 = arith.constant 0 : i32
        %dma_start3A_28 = arith.constant 0 : i32
        %dma_start3A_29 = tpu.memref_slice %arg10[%dma_start3A_27, %dma_start3A_28] : memref<10240x128xf32, #tpu.memory_space<vmem_shared>> -> memref<10240x128xf32, #tpu.memory_space<vmem_shared>>
        tpu.enqueue_indirect_dma source(%arg9 : memref<128x128xf32, #tpu.memory_space<vmem>>) target(%dma_start3A_29 : memref<10240x128xf32, #tpu.memory_space<vmem_shared>>) offsets(%arg8 : memref<128xi32, #tpu.memory_space<vmem>>) semaphore(%run_scoped3A : memref<!tpu.dma_semaphore, #tpu.memory_space<semaphore_mem>>) {add = true}
        %dma_wait3A_30 = arith.constant 0 : i32
        %dma_wait3A_31 = arith.constant 0 : i32
        %dma_wait3A_32 = tpu.memref_slice %arg10[%dma_wait3A_30, %dma_wait3A_31] : memref<10240x128xf32, #tpu.memory_space<vmem_shared>> -> memref<10240x128xf32, #tpu.memory_space<vmem_shared>>
        tpu.wait_indirect_dma semaphore(%run_scoped3A : memref<!tpu.dma_semaphore, #tpu.memory_space<semaphore_mem>>) src(%arg9 : memref<128x128xf32, #tpu.memory_space<vmem>>) dst(%dma_wait3A_32 : memref<10240x128xf32, #tpu.memory_space<vmem_shared>>)
        tpu.yield
      }) : () -> ()
    }
    %scan3A_9 = arith.constant 79 : i32
    %barrier3A_10 = arith.constant 0 : index
    tpu.barrier barrier_id(%barrier3A_10)
    %mul3A_11 = arith.constant 640 : i32
    %mul3A_12 = arith.muli %arg1, %mul3A_11 : i32
    %mul3A_13 = arith.constant 10240 : i32
    %mul3A_14 = arith.muli %arg0, %mul3A_13 : i32
    %mul3A_15 = arith.constant 640 : i32
    %mul3A_16 = arith.muli %arg1, %mul3A_15 : i32
    %add3A_17 = arith.addi %mul3A_14, %mul3A_16 : i32
    "tpu.region"() ({
      %run_scoped3A = tpu.sem_alloc : memref<!tpu.dma_semaphore, #tpu.memory_space<semaphore_mem>>
      %dma_start3A = arith.constant 0 : i32
      %dma_start3A_19 = tpu.memref_slice %arg6[%add3A_17, %dma_start3A] : memref<20480x128xf32, #tpu.memory_space<hbm>> -> memref<640x128xf32, #tpu.memory_space<hbm>>
      %dma_start3A_20 = arith.constant 0 : i32
      %dma_start3A_21 = tpu.memref_slice %arg10[%mul3A_12, %dma_start3A_20] : memref<10240x128xf32, #tpu.memory_space<vmem_shared>> -> memref<640x128xf32, #tpu.memory_space<vmem_shared>>
      tpu.enqueue_dma source(%dma_start3A_21 : memref<640x128xf32, #tpu.memory_space<vmem_shared>>) target(%dma_start3A_19 : memref<640x128xf32, #tpu.memory_space<hbm>>) target_semaphore(%run_scoped3A : memref<!tpu.dma_semaphore, #tpu.memory_space<semaphore_mem>>)
      %dma_wait3A = arith.constant 0 : i32
      %dma_wait3A_22 = tpu.memref_slice %arg6[%add3A_17, %dma_wait3A] : memref<20480x128xf32, #tpu.memory_space<hbm>> -> memref<640x128xf32, #tpu.memory_space<hbm>>
      %dma_wait3A_23 = arith.constant 0 : i32
      %dma_wait3A_24 = tpu.memref_slice %arg10[%mul3A_12, %dma_wait3A_23] : memref<10240x128xf32, #tpu.memory_space<vmem_shared>> -> memref<640x128xf32, #tpu.memory_space<vmem_shared>>
      tpu.wait_dma2 semaphore(%run_scoped3A : memref<!tpu.dma_semaphore, #tpu.memory_space<semaphore_mem>>) src(%dma_wait3A_24 : memref<640x128xf32, #tpu.memory_space<vmem_shared>>) dst(%dma_wait3A_22 : memref<640x128xf32, #tpu.memory_space<hbm>>)
      tpu.yield
    }) : () -> ()
    %barrier3A_18 = arith.constant 0 : index
    tpu.barrier barrier_id(%barrier3A_18)
    return
  }
}

#map = affine_map<(d0, d1) -> (0)>
#map1 = affine_map<(d0, d1) -> (0, 0)>
module attributes {stable_mosaic.version = 14 : i64} {
  func.func @deg_k(%arg0: i32, %arg1: i32, %arg2: memref<323584xi32, #tpu.memory_space<hbm>>, %arg3: memref<128x16xf32, #tpu.memory_space<hbm>>, %arg4: memref<640x16xf32, #tpu.memory_space<hbm>>, %arg5: memref<20480x16xf32, #tpu.memory_space<hbm>>, %arg6: memref<128xi32, #tpu.memory_space<vmem>>, %arg7: memref<128x16xf32, #tpu.memory_space<vmem>>, %arg8: memref<10240x16xf32, #tpu.memory_space<vmem_shared>>) attributes {dimension_semantics = [#tpu.dimension_semantics<core_parallel>, #tpu.dimension_semantics<subcore_parallel>], iteration_bounds = array<i64: 2, 16>, scalar_prefetch = 0 : i64, scratch_operands = 3 : i64, tpu.core_type = #tpu.core_type<sc_vector_subcore>, window_params = [{transform_indices = #map}, {transform_indices = #map1}, {transform_indices = #map1}, {transform_indices = #map1}]} {
    %mul3A = arith.constant 640 : i32
    %mul3A_0 = arith.muli %arg1, %mul3A : i32
    "tpu.region"() ({
      %run_scoped3A = tpu.sem_alloc : memref<!tpu.dma_semaphore, #tpu.memory_space<semaphore_mem>>
      %dma_start3A = arith.constant 0 : i32
      %dma_start3A_14 = tpu.memref_slice %arg8[%mul3A_0, %dma_start3A] : memref<10240x16xf32, #tpu.memory_space<vmem_shared>> -> memref<640x16xf32, #tpu.memory_space<vmem_shared>>
      tpu.enqueue_dma source(%arg4 : memref<640x16xf32, #tpu.memory_space<hbm>>) target(%dma_start3A_14 : memref<640x16xf32, #tpu.memory_space<vmem_shared>>) target_semaphore(%run_scoped3A : memref<!tpu.dma_semaphore, #tpu.memory_space<semaphore_mem>>)
      %dma_wait3A = arith.constant 0 : i32
      %dma_wait3A_15 = tpu.memref_slice %arg8[%mul3A_0, %dma_wait3A] : memref<10240x16xf32, #tpu.memory_space<vmem_shared>> -> memref<640x16xf32, #tpu.memory_space<vmem_shared>>
      tpu.wait_dma2 semaphore(%run_scoped3A : memref<!tpu.dma_semaphore, #tpu.memory_space<semaphore_mem>>) src(%arg4 : memref<640x16xf32, #tpu.memory_space<hbm>>) dst(%dma_wait3A_15 : memref<640x16xf32, #tpu.memory_space<vmem_shared>>)
      tpu.yield
    }) : () -> ()
    "tpu.region"() ({
      %run_scoped3A = tpu.sem_alloc : memref<!tpu.dma_semaphore, #tpu.memory_space<semaphore_mem>>
      tpu.enqueue_dma source(%arg3 : memref<128x16xf32, #tpu.memory_space<hbm>>) target(%arg7 : memref<128x16xf32, #tpu.memory_space<vmem>>) target_semaphore(%run_scoped3A : memref<!tpu.dma_semaphore, #tpu.memory_space<semaphore_mem>>)
      tpu.wait_dma2 semaphore(%run_scoped3A : memref<!tpu.dma_semaphore, #tpu.memory_space<semaphore_mem>>) src(%arg3 : memref<128x16xf32, #tpu.memory_space<hbm>>) dst(%arg7 : memref<128x16xf32, #tpu.memory_space<vmem>>)
      tpu.yield
    }) : () -> ()
    %barrier3A = arith.constant 0 : index
    tpu.barrier barrier_id(%barrier3A)
    %scan3A = arith.constant 0 : i32
    %scan3A_1 = arith.constant 0 : i32
    %scan3A_2 = arith.constant 79 : i32
    %scan3A_3 = arith.addi %scan3A_1, %scan3A_2 : i32
    %scan3A_4 = arith.constant 1 : i32
    scf.for %scan3A_14 = %scan3A_1 to %scan3A_3 step %scan3A_4  : i32 {
      %mul3A_15 = arith.constant 161792 : i32
      %mul3A_16 = arith.muli %arg0, %mul3A_15 : i32
      %mul3A_17 = arith.constant 10112 : i32
      %mul3A_18 = arith.muli %arg1, %mul3A_17 : i32
      %add3A_19 = arith.addi %mul3A_16, %mul3A_18 : i32
      %mul3A_20 = arith.constant 128 : i32
      %mul3A_21 = arith.muli %scan3A_14, %mul3A_20 : i32
      %add3A_22 = arith.addi %add3A_19, %mul3A_21 : i32
      "tpu.region"() ({
        %run_scoped3A = tpu.sem_alloc : memref<!tpu.dma_semaphore, #tpu.memory_space<semaphore_mem>>
        %dma_start3A = tpu.memref_slice %arg2[%add3A_22] : memref<323584xi32, #tpu.memory_space<hbm>> -> memref<128xi32, #tpu.memory_space<hbm>>
        %dma_start3A_23 = tpu.memref_slice %arg2[%add3A_22] : memref<323584xi32, #tpu.memory_space<hbm>> -> memref<128xi32, #tpu.memory_space<hbm>>
        tpu.enqueue_dma source(%dma_start3A_23 : memref<128xi32, #tpu.memory_space<hbm>>) target(%arg6 : memref<128xi32, #tpu.memory_space<vmem>>) target_semaphore(%run_scoped3A : memref<!tpu.dma_semaphore, #tpu.memory_space<semaphore_mem>>)
        %dma_wait3A = tpu.memref_slice %arg2[%add3A_22] : memref<323584xi32, #tpu.memory_space<hbm>> -> memref<128xi32, #tpu.memory_space<hbm>>
        %dma_wait3A_24 = tpu.memref_slice %arg2[%add3A_22] : memref<323584xi32, #tpu.memory_space<hbm>> -> memref<128xi32, #tpu.memory_space<hbm>>
        tpu.wait_dma2 semaphore(%run_scoped3A : memref<!tpu.dma_semaphore, #tpu.memory_space<semaphore_mem>>) src(%dma_wait3A_24 : memref<128xi32, #tpu.memory_space<hbm>>) dst(%arg6 : memref<128xi32, #tpu.memory_space<vmem>>)
        tpu.yield
      }) : () -> ()
      "tpu.region"() ({
        %run_scoped3A = tpu.sem_alloc : memref<!tpu.dma_semaphore, #tpu.memory_space<semaphore_mem>>
        %dma_start3A = arith.constant 0 : i32
        %dma_start3A_23 = arith.constant 0 : i32
        %dma_start3A_24 = tpu.memref_slice %arg8[%dma_start3A, %dma_start3A_23] : memref<10240x16xf32, #tpu.memory_space<vmem_shared>> -> memref<10240x16xf32, #tpu.memory_space<vmem_shared>>
        tpu.enqueue_indirect_dma source(%arg7 : memref<128x16xf32, #tpu.memory_space<vmem>>) target(%dma_start3A_24 : memref<10240x16xf32, #tpu.memory_space<vmem_shared>>) offsets(%arg6 : memref<128xi32, #tpu.memory_space<vmem>>) semaphore(%run_scoped3A : memref<!tpu.dma_semaphore, #tpu.memory_space<semaphore_mem>>) {add = true}
        %dma_wait3A = arith.constant 0 : i32
        %dma_wait3A_25 = arith.constant 0 : i32
        %dma_wait3A_26 = tpu.memref_slice %arg8[%dma_wait3A, %dma_wait3A_25] : memref<10240x16xf32, #tpu.memory_space<vmem_shared>> -> memref<10240x16xf32, #tpu.memory_space<vmem_shared>>
        tpu.wait_indirect_dma semaphore(%run_scoped3A : memref<!tpu.dma_semaphore, #tpu.memory_space<semaphore_mem>>) src(%arg7 : memref<128x16xf32, #tpu.memory_space<vmem>>) dst(%dma_wait3A_26 : memref<10240x16xf32, #tpu.memory_space<vmem_shared>>)
        tpu.yield
      }) : () -> ()
    }
    %scan3A_5 = arith.constant 79 : i32
    %barrier3A_6 = arith.constant 0 : index
    tpu.barrier barrier_id(%barrier3A_6)
    %mul3A_7 = arith.constant 640 : i32
    %mul3A_8 = arith.muli %arg1, %mul3A_7 : i32
    %mul3A_9 = arith.constant 10240 : i32
    %mul3A_10 = arith.muli %arg0, %mul3A_9 : i32
    %mul3A_11 = arith.constant 640 : i32
    %mul3A_12 = arith.muli %arg1, %mul3A_11 : i32
    %add3A = arith.addi %mul3A_10, %mul3A_12 : i32
    "tpu.region"() ({
      %run_scoped3A = tpu.sem_alloc : memref<!tpu.dma_semaphore, #tpu.memory_space<semaphore_mem>>
      %dma_start3A = arith.constant 0 : i32
      %dma_start3A_14 = tpu.memref_slice %arg5[%add3A, %dma_start3A] : memref<20480x16xf32, #tpu.memory_space<hbm>> -> memref<640x16xf32, #tpu.memory_space<hbm>>
      %dma_start3A_15 = arith.constant 0 : i32
      %dma_start3A_16 = tpu.memref_slice %arg8[%mul3A_8, %dma_start3A_15] : memref<10240x16xf32, #tpu.memory_space<vmem_shared>> -> memref<640x16xf32, #tpu.memory_space<vmem_shared>>
      tpu.enqueue_dma source(%dma_start3A_16 : memref<640x16xf32, #tpu.memory_space<vmem_shared>>) target(%dma_start3A_14 : memref<640x16xf32, #tpu.memory_space<hbm>>) target_semaphore(%run_scoped3A : memref<!tpu.dma_semaphore, #tpu.memory_space<semaphore_mem>>)
      %dma_wait3A = arith.constant 0 : i32
      %dma_wait3A_17 = tpu.memref_slice %arg5[%add3A, %dma_wait3A] : memref<20480x16xf32, #tpu.memory_space<hbm>> -> memref<640x16xf32, #tpu.memory_space<hbm>>
      %dma_wait3A_18 = arith.constant 0 : i32
      %dma_wait3A_19 = tpu.memref_slice %arg8[%mul3A_8, %dma_wait3A_18] : memref<10240x16xf32, #tpu.memory_space<vmem_shared>> -> memref<640x16xf32, #tpu.memory_space<vmem_shared>>
      tpu.wait_dma2 semaphore(%run_scoped3A : memref<!tpu.dma_semaphore, #tpu.memory_space<semaphore_mem>>) src(%dma_wait3A_19 : memref<640x16xf32, #tpu.memory_space<vmem_shared>>) dst(%dma_wait3A_17 : memref<640x16xf32, #tpu.memory_space<hbm>>)
      tpu.yield
    }) : () -> ()
    %barrier3A_13 = arith.constant 0 : index
    tpu.barrier barrier_id(%barrier3A_13)
    return
  }
}

#map = affine_map<(d0, d1) -> (0)>
#map1 = affine_map<(d0, d1) -> (0, 0)>
module attributes {stable_mosaic.version = 14 : i64} {
  func.func @scat_k(%arg0: i32, %arg1: i32, %arg2: memref<323584xi32, #tpu.memory_space<hbm>>, %arg3: memref<323584xi32, #tpu.memory_space<hbm>>, %arg4: memref<10240x128xf32, #tpu.memory_space<hbm>>, %arg5: memref<640x128xf32, #tpu.memory_space<hbm>>, %arg6: memref<20480x128xf32, #tpu.memory_space<hbm>>, %arg7: memref<128xi32, #tpu.memory_space<vmem>>, %arg8: memref<128xi32, #tpu.memory_space<vmem>>, %arg9: memref<128x128xf32, #tpu.memory_space<vmem>>, %arg10: memref<10240x128xf32, #tpu.memory_space<vmem_shared>>, %arg11: memref<!tpu.dma_semaphore, #tpu.memory_space<semaphore_mem>>) attributes {dimension_semantics = [#tpu.dimension_semantics<core_parallel>, #tpu.dimension_semantics<subcore_parallel>], iteration_bounds = array<i64: 2, 16>, scalar_prefetch = 0 : i64, scratch_operands = 5 : i64, tpu.core_type = #tpu.core_type<sc_vector_subcore>, window_params = [{transform_indices = #map}, {transform_indices = #map}, {transform_indices = #map1}, {transform_indices = #map1}, {transform_indices = #map1}]} {
    %mul3A = arith.constant 640 : i32
    %mul3A_0 = arith.muli %arg1, %mul3A : i32
    "tpu.region"() ({
      %run_scoped3A = tpu.sem_alloc : memref<!tpu.dma_semaphore, #tpu.memory_space<semaphore_mem>>
      %dma_start3A = arith.constant 0 : i32
      %dma_start3A_19 = tpu.memref_slice %arg10[%mul3A_0, %dma_start3A] : memref<10240x128xf32, #tpu.memory_space<vmem_shared>> -> memref<640x128xf32, #tpu.memory_space<vmem_shared>>
      tpu.enqueue_dma source(%arg5 : memref<640x128xf32, #tpu.memory_space<hbm>>) target(%dma_start3A_19 : memref<640x128xf32, #tpu.memory_space<vmem_shared>>) target_semaphore(%run_scoped3A : memref<!tpu.dma_semaphore, #tpu.memory_space<semaphore_mem>>)
      %dma_wait3A = arith.constant 0 : i32
      %dma_wait3A_20 = tpu.memref_slice %arg10[%mul3A_0, %dma_wait3A] : memref<10240x128xf32, #tpu.memory_space<vmem_shared>> -> memref<640x128xf32, #tpu.memory_space<vmem_shared>>
      tpu.wait_dma2 semaphore(%run_scoped3A : memref<!tpu.dma_semaphore, #tpu.memory_space<semaphore_mem>>) src(%arg5 : memref<640x128xf32, #tpu.memory_space<hbm>>) dst(%dma_wait3A_20 : memref<640x128xf32, #tpu.memory_space<vmem_shared>>)
      tpu.yield
    }) : () -> ()
    %barrier3A = arith.constant 0 : index
    tpu.barrier barrier_id(%barrier3A)
    %mul3A_1 = arith.constant 161792 : i32
    %mul3A_2 = arith.muli %arg0, %mul3A_1 : i32
    %mul3A_3 = arith.constant 10112 : i32
    %mul3A_4 = arith.muli %arg1, %mul3A_3 : i32
    %add3A = arith.addi %mul3A_2, %mul3A_4 : i32
    %scan3A = arith.constant 0 : i32
    %scan3A_5 = arith.constant 0 : i32
    %scan3A_6 = arith.constant 79 : i32
    %scan3A_7 = arith.addi %scan3A_5, %scan3A_6 : i32
    %scan3A_8 = arith.constant 1 : i32
    scf.for %scan3A_19 = %scan3A_5 to %scan3A_7 step %scan3A_8  : i32 {
      %mul3A_20 = arith.constant 128 : i32
      %mul3A_21 = arith.muli %scan3A_19, %mul3A_20 : i32
      %add3A_22 = arith.addi %add3A, %mul3A_21 : i32
      "tpu.region"() ({
        %run_scoped3A = tpu.sem_alloc : memref<!tpu.dma_semaphore, #tpu.memory_space<semaphore_mem>>
        %dma_start3A_27 = tpu.memref_slice %arg2[%add3A_22] : memref<323584xi32, #tpu.memory_space<hbm>> -> memref<128xi32, #tpu.memory_space<hbm>>
        %dma_start3A_28 = tpu.memref_slice %arg2[%add3A_22] : memref<323584xi32, #tpu.memory_space<hbm>> -> memref<128xi32, #tpu.memory_space<hbm>>
        tpu.enqueue_dma source(%dma_start3A_28 : memref<128xi32, #tpu.memory_space<hbm>>) target(%arg7 : memref<128xi32, #tpu.memory_space<vmem>>) target_semaphore(%run_scoped3A : memref<!tpu.dma_semaphore, #tpu.memory_space<semaphore_mem>>)
        %dma_wait3A_29 = tpu.memref_slice %arg2[%add3A_22] : memref<323584xi32, #tpu.memory_space<hbm>> -> memref<128xi32, #tpu.memory_space<hbm>>
        %dma_wait3A_30 = tpu.memref_slice %arg2[%add3A_22] : memref<323584xi32, #tpu.memory_space<hbm>> -> memref<128xi32, #tpu.memory_space<hbm>>
        tpu.wait_dma2 semaphore(%run_scoped3A : memref<!tpu.dma_semaphore, #tpu.memory_space<semaphore_mem>>) src(%dma_wait3A_30 : memref<128xi32, #tpu.memory_space<hbm>>) dst(%arg7 : memref<128xi32, #tpu.memory_space<vmem>>)
        tpu.yield
      }) : () -> ()
      "tpu.region"() ({
        %run_scoped3A = tpu.sem_alloc : memref<!tpu.dma_semaphore, #tpu.memory_space<semaphore_mem>>
        %dma_start3A_27 = tpu.memref_slice %arg3[%add3A_22] : memref<323584xi32, #tpu.memory_space<hbm>> -> memref<128xi32, #tpu.memory_space<hbm>>
        %dma_start3A_28 = tpu.memref_slice %arg3[%add3A_22] : memref<323584xi32, #tpu.memory_space<hbm>> -> memref<128xi32, #tpu.memory_space<hbm>>
        tpu.enqueue_dma source(%dma_start3A_28 : memref<128xi32, #tpu.memory_space<hbm>>) target(%arg8 : memref<128xi32, #tpu.memory_space<vmem>>) target_semaphore(%run_scoped3A : memref<!tpu.dma_semaphore, #tpu.memory_space<semaphore_mem>>)
        %dma_wait3A_29 = tpu.memref_slice %arg3[%add3A_22] : memref<323584xi32, #tpu.memory_space<hbm>> -> memref<128xi32, #tpu.memory_space<hbm>>
        %dma_wait3A_30 = tpu.memref_slice %arg3[%add3A_22] : memref<323584xi32, #tpu.memory_space<hbm>> -> memref<128xi32, #tpu.memory_space<hbm>>
        tpu.wait_dma2 semaphore(%run_scoped3A : memref<!tpu.dma_semaphore, #tpu.memory_space<semaphore_mem>>) src(%dma_wait3A_30 : memref<128xi32, #tpu.memory_space<hbm>>) dst(%arg8 : memref<128xi32, #tpu.memory_space<vmem>>)
        tpu.yield
      }) : () -> ()
      %dma_start3A = arith.constant 0 : i32
      %dma_start3A_23 = arith.constant 0 : i32
      %dma_start3A_24 = tpu.memref_slice %arg4[%dma_start3A, %dma_start3A_23] : memref<10240x128xf32, #tpu.memory_space<hbm>> -> memref<10240x128xf32, #tpu.memory_space<hbm>>
      tpu.enqueue_indirect_dma source(%dma_start3A_24 : memref<10240x128xf32, #tpu.memory_space<hbm>>) target(%arg9 : memref<128x128xf32, #tpu.memory_space<vmem>>) offsets(%arg7 : memref<128xi32, #tpu.memory_space<vmem>>) semaphore(%arg11 : memref<!tpu.dma_semaphore, #tpu.memory_space<semaphore_mem>>)
      %dma_wait3A = arith.constant 0 : i32
      %dma_wait3A_25 = arith.constant 0 : i32
      %dma_wait3A_26 = tpu.memref_slice %arg4[%dma_wait3A, %dma_wait3A_25] : memref<10240x128xf32, #tpu.memory_space<hbm>> -> memref<10240x128xf32, #tpu.memory_space<hbm>>
      tpu.wait_indirect_dma semaphore(%arg11 : memref<!tpu.dma_semaphore, #tpu.memory_space<semaphore_mem>>) src(%dma_wait3A_26 : memref<10240x128xf32, #tpu.memory_space<hbm>>) dst(%arg9 : memref<128x128xf32, #tpu.memory_space<vmem>>)
      "tpu.region"() ({
        %run_scoped3A = tpu.sem_alloc : memref<!tpu.dma_semaphore, #tpu.memory_space<semaphore_mem>>
        %dma_start3A_27 = arith.constant 0 : i32
        %dma_start3A_28 = arith.constant 0 : i32
        %dma_start3A_29 = tpu.memref_slice %arg10[%dma_start3A_27, %dma_start3A_28] : memref<10240x128xf32, #tpu.memory_space<vmem_shared>> -> memref<10240x128xf32, #tpu.memory_space<vmem_shared>>
        tpu.enqueue_indirect_dma source(%arg9 : memref<128x128xf32, #tpu.memory_space<vmem>>) target(%dma_start3A_29 : memref<10240x128xf32, #tpu.memory_space<vmem_shared>>) offsets(%arg8 : memref<128xi32, #tpu.memory_space<vmem>>) semaphore(%run_scoped3A : memref<!tpu.dma_semaphore, #tpu.memory_space<semaphore_mem>>) {add = true}
        %dma_wait3A_30 = arith.constant 0 : i32
        %dma_wait3A_31 = arith.constant 0 : i32
        %dma_wait3A_32 = tpu.memref_slice %arg10[%dma_wait3A_30, %dma_wait3A_31] : memref<10240x128xf32, #tpu.memory_space<vmem_shared>> -> memref<10240x128xf32, #tpu.memory_space<vmem_shared>>
        tpu.wait_indirect_dma semaphore(%run_scoped3A : memref<!tpu.dma_semaphore, #tpu.memory_space<semaphore_mem>>) src(%arg9 : memref<128x128xf32, #tpu.memory_space<vmem>>) dst(%dma_wait3A_32 : memref<10240x128xf32, #tpu.memory_space<vmem_shared>>)
        tpu.yield
      }) : () -> ()
    }
    %scan3A_9 = arith.constant 79 : i32
    %barrier3A_10 = arith.constant 0 : index
    tpu.barrier barrier_id(%barrier3A_10)
    %mul3A_11 = arith.constant 640 : i32
    %mul3A_12 = arith.muli %arg1, %mul3A_11 : i32
    %mul3A_13 = arith.constant 10240 : i32
    %mul3A_14 = arith.muli %arg0, %mul3A_13 : i32
    %mul3A_15 = arith.constant 640 : i32
    %mul3A_16 = arith.muli %arg1, %mul3A_15 : i32
    %add3A_17 = arith.addi %mul3A_14, %mul3A_16 : i32
    "tpu.region"() ({
      %run_scoped3A = tpu.sem_alloc : memref<!tpu.dma_semaphore, #tpu.memory_space<semaphore_mem>>
      %dma_start3A = arith.constant 0 : i32
      %dma_start3A_19 = tpu.memref_slice %arg6[%add3A_17, %dma_start3A] : memref<20480x128xf32, #tpu.memory_space<hbm>> -> memref<640x128xf32, #tpu.memory_space<hbm>>
      %dma_start3A_20 = arith.constant 0 : i32
      %dma_start3A_21 = tpu.memref_slice %arg10[%mul3A_12, %dma_start3A_20] : memref<10240x128xf32, #tpu.memory_space<vmem_shared>> -> memref<640x128xf32, #tpu.memory_space<vmem_shared>>
      tpu.enqueue_dma source(%dma_start3A_21 : memref<640x128xf32, #tpu.memory_space<vmem_shared>>) target(%dma_start3A_19 : memref<640x128xf32, #tpu.memory_space<hbm>>) target_semaphore(%run_scoped3A : memref<!tpu.dma_semaphore, #tpu.memory_space<semaphore_mem>>)
      %dma_wait3A = arith.constant 0 : i32
      %dma_wait3A_22 = tpu.memref_slice %arg6[%add3A_17, %dma_wait3A] : memref<20480x128xf32, #tpu.memory_space<hbm>> -> memref<640x128xf32, #tpu.memory_space<hbm>>
      %dma_wait3A_23 = arith.constant 0 : i32
      %dma_wait3A_24 = tpu.memref_slice %arg10[%mul3A_12, %dma_wait3A_23] : memref<10240x128xf32, #tpu.memory_space<vmem_shared>> -> memref<640x128xf32, #tpu.memory_space<vmem_shared>>
      tpu.wait_dma2 semaphore(%run_scoped3A : memref<!tpu.dma_semaphore, #tpu.memory_space<semaphore_mem>>) src(%dma_wait3A_24 : memref<640x128xf32, #tpu.memory_space<vmem_shared>>) dst(%dma_wait3A_22 : memref<640x128xf32, #tpu.memory_space<hbm>>)
      tpu.yield
    }) : () -> ()
    %barrier3A_18 = arith.constant 0 : index
    tpu.barrier barrier_id(%barrier3A_18)
    return
  }
}

#map = affine_map<(d0, d1) -> (0)>
#map1 = affine_map<(d0, d1) -> (0, 0)>
module attributes {stable_mosaic.version = 14 : i64} {
  func.func @scat_k(%arg0: i32, %arg1: i32, %arg2: memref<323584xi32, #tpu.memory_space<hbm>>, %arg3: memref<323584xi32, #tpu.memory_space<hbm>>, %arg4: memref<10240x128xf32, #tpu.memory_space<hbm>>, %arg5: memref<640x128xf32, #tpu.memory_space<hbm>>, %arg6: memref<20480x128xf32, #tpu.memory_space<hbm>>, %arg7: memref<128xi32, #tpu.memory_space<vmem>>, %arg8: memref<128xi32, #tpu.memory_space<vmem>>, %arg9: memref<128x128xf32, #tpu.memory_space<vmem>>, %arg10: memref<10240x128xf32, #tpu.memory_space<vmem_shared>>, %arg11: memref<!tpu.dma_semaphore, #tpu.memory_space<semaphore_mem>>) attributes {dimension_semantics = [#tpu.dimension_semantics<core_parallel>, #tpu.dimension_semantics<subcore_parallel>], iteration_bounds = array<i64: 2, 16>, scalar_prefetch = 0 : i64, scratch_operands = 5 : i64, tpu.core_type = #tpu.core_type<sc_vector_subcore>, window_params = [{transform_indices = #map}, {transform_indices = #map}, {transform_indices = #map1}, {transform_indices = #map1}, {transform_indices = #map1}]} {
    %mul3A = arith.constant 640 : i32
    %mul3A_0 = arith.muli %arg1, %mul3A : i32
    "tpu.region"() ({
      %run_scoped3A = tpu.sem_alloc : memref<!tpu.dma_semaphore, #tpu.memory_space<semaphore_mem>>
      %dma_start3A = arith.constant 0 : i32
      %dma_start3A_19 = tpu.memref_slice %arg10[%mul3A_0, %dma_start3A] : memref<10240x128xf32, #tpu.memory_space<vmem_shared>> -> memref<640x128xf32, #tpu.memory_space<vmem_shared>>
      tpu.enqueue_dma source(%arg5 : memref<640x128xf32, #tpu.memory_space<hbm>>) target(%dma_start3A_19 : memref<640x128xf32, #tpu.memory_space<vmem_shared>>) target_semaphore(%run_scoped3A : memref<!tpu.dma_semaphore, #tpu.memory_space<semaphore_mem>>)
      %dma_wait3A = arith.constant 0 : i32
      %dma_wait3A_20 = tpu.memref_slice %arg10[%mul3A_0, %dma_wait3A] : memref<10240x128xf32, #tpu.memory_space<vmem_shared>> -> memref<640x128xf32, #tpu.memory_space<vmem_shared>>
      tpu.wait_dma2 semaphore(%run_scoped3A : memref<!tpu.dma_semaphore, #tpu.memory_space<semaphore_mem>>) src(%arg5 : memref<640x128xf32, #tpu.memory_space<hbm>>) dst(%dma_wait3A_20 : memref<640x128xf32, #tpu.memory_space<vmem_shared>>)
      tpu.yield
    }) : () -> ()
    %barrier3A = arith.constant 0 : index
    tpu.barrier barrier_id(%barrier3A)
    %mul3A_1 = arith.constant 161792 : i32
    %mul3A_2 = arith.muli %arg0, %mul3A_1 : i32
    %mul3A_3 = arith.constant 10112 : i32
    %mul3A_4 = arith.muli %arg1, %mul3A_3 : i32
    %add3A = arith.addi %mul3A_2, %mul3A_4 : i32
    %scan3A = arith.constant 0 : i32
    %scan3A_5 = arith.constant 0 : i32
    %scan3A_6 = arith.constant 79 : i32
    %scan3A_7 = arith.addi %scan3A_5, %scan3A_6 : i32
    %scan3A_8 = arith.constant 1 : i32
    scf.for %scan3A_19 = %scan3A_5 to %scan3A_7 step %scan3A_8  : i32 {
      %mul3A_20 = arith.constant 128 : i32
      %mul3A_21 = arith.muli %scan3A_19, %mul3A_20 : i32
      %add3A_22 = arith.addi %add3A, %mul3A_21 : i32
      "tpu.region"() ({
        %run_scoped3A = tpu.sem_alloc : memref<!tpu.dma_semaphore, #tpu.memory_space<semaphore_mem>>
        %dma_start3A_27 = tpu.memref_slice %arg2[%add3A_22] : memref<323584xi32, #tpu.memory_space<hbm>> -> memref<128xi32, #tpu.memory_space<hbm>>
        %dma_start3A_28 = tpu.memref_slice %arg2[%add3A_22] : memref<323584xi32, #tpu.memory_space<hbm>> -> memref<128xi32, #tpu.memory_space<hbm>>
        tpu.enqueue_dma source(%dma_start3A_28 : memref<128xi32, #tpu.memory_space<hbm>>) target(%arg7 : memref<128xi32, #tpu.memory_space<vmem>>) target_semaphore(%run_scoped3A : memref<!tpu.dma_semaphore, #tpu.memory_space<semaphore_mem>>)
        %dma_wait3A_29 = tpu.memref_slice %arg2[%add3A_22] : memref<323584xi32, #tpu.memory_space<hbm>> -> memref<128xi32, #tpu.memory_space<hbm>>
        %dma_wait3A_30 = tpu.memref_slice %arg2[%add3A_22] : memref<323584xi32, #tpu.memory_space<hbm>> -> memref<128xi32, #tpu.memory_space<hbm>>
        tpu.wait_dma2 semaphore(%run_scoped3A : memref<!tpu.dma_semaphore, #tpu.memory_space<semaphore_mem>>) src(%dma_wait3A_30 : memref<128xi32, #tpu.memory_space<hbm>>) dst(%arg7 : memref<128xi32, #tpu.memory_space<vmem>>)
        tpu.yield
      }) : () -> ()
      "tpu.region"() ({
        %run_scoped3A = tpu.sem_alloc : memref<!tpu.dma_semaphore, #tpu.memory_space<semaphore_mem>>
        %dma_start3A_27 = tpu.memref_slice %arg3[%add3A_22] : memref<323584xi32, #tpu.memory_space<hbm>> -> memref<128xi32, #tpu.memory_space<hbm>>
        %dma_start3A_28 = tpu.memref_slice %arg3[%add3A_22] : memref<323584xi32, #tpu.memory_space<hbm>> -> memref<128xi32, #tpu.memory_space<hbm>>
        tpu.enqueue_dma source(%dma_start3A_28 : memref<128xi32, #tpu.memory_space<hbm>>) target(%arg8 : memref<128xi32, #tpu.memory_space<vmem>>) target_semaphore(%run_scoped3A : memref<!tpu.dma_semaphore, #tpu.memory_space<semaphore_mem>>)
        %dma_wait3A_29 = tpu.memref_slice %arg3[%add3A_22] : memref<323584xi32, #tpu.memory_space<hbm>> -> memref<128xi32, #tpu.memory_space<hbm>>
        %dma_wait3A_30 = tpu.memref_slice %arg3[%add3A_22] : memref<323584xi32, #tpu.memory_space<hbm>> -> memref<128xi32, #tpu.memory_space<hbm>>
        tpu.wait_dma2 semaphore(%run_scoped3A : memref<!tpu.dma_semaphore, #tpu.memory_space<semaphore_mem>>) src(%dma_wait3A_30 : memref<128xi32, #tpu.memory_space<hbm>>) dst(%arg8 : memref<128xi32, #tpu.memory_space<vmem>>)
        tpu.yield
      }) : () -> ()
      %dma_start3A = arith.constant 0 : i32
      %dma_start3A_23 = arith.constant 0 : i32
      %dma_start3A_24 = tpu.memref_slice %arg4[%dma_start3A, %dma_start3A_23] : memref<10240x128xf32, #tpu.memory_space<hbm>> -> memref<10240x128xf32, #tpu.memory_space<hbm>>
      tpu.enqueue_indirect_dma source(%dma_start3A_24 : memref<10240x128xf32, #tpu.memory_space<hbm>>) target(%arg9 : memref<128x128xf32, #tpu.memory_space<vmem>>) offsets(%arg7 : memref<128xi32, #tpu.memory_space<vmem>>) semaphore(%arg11 : memref<!tpu.dma_semaphore, #tpu.memory_space<semaphore_mem>>)
      %dma_wait3A = arith.constant 0 : i32
      %dma_wait3A_25 = arith.constant 0 : i32
      %dma_wait3A_26 = tpu.memref_slice %arg4[%dma_wait3A, %dma_wait3A_25] : memref<10240x128xf32, #tpu.memory_space<hbm>> -> memref<10240x128xf32, #tpu.memory_space<hbm>>
      tpu.wait_indirect_dma semaphore(%arg11 : memref<!tpu.dma_semaphore, #tpu.memory_space<semaphore_mem>>) src(%dma_wait3A_26 : memref<10240x128xf32, #tpu.memory_space<hbm>>) dst(%arg9 : memref<128x128xf32, #tpu.memory_space<vmem>>)
      "tpu.region"() ({
        %run_scoped3A = tpu.sem_alloc : memref<!tpu.dma_semaphore, #tpu.memory_space<semaphore_mem>>
        %dma_start3A_27 = arith.constant 0 : i32
        %dma_start3A_28 = arith.constant 0 : i32
        %dma_start3A_29 = tpu.memref_slice %arg10[%dma_start3A_27, %dma_start3A_28] : memref<10240x128xf32, #tpu.memory_space<vmem_shared>> -> memref<10240x128xf32, #tpu.memory_space<vmem_shared>>
        tpu.enqueue_indirect_dma source(%arg9 : memref<128x128xf32, #tpu.memory_space<vmem>>) target(%dma_start3A_29 : memref<10240x128xf32, #tpu.memory_space<vmem_shared>>) offsets(%arg8 : memref<128xi32, #tpu.memory_space<vmem>>) semaphore(%run_scoped3A : memref<!tpu.dma_semaphore, #tpu.memory_space<semaphore_mem>>) {add = true}
        %dma_wait3A_30 = arith.constant 0 : i32
        %dma_wait3A_31 = arith.constant 0 : i32
        %dma_wait3A_32 = tpu.memref_slice %arg10[%dma_wait3A_30, %dma_wait3A_31] : memref<10240x128xf32, #tpu.memory_space<vmem_shared>> -> memref<10240x128xf32, #tpu.memory_space<vmem_shared>>
        tpu.wait_indirect_dma semaphore(%run_scoped3A : memref<!tpu.dma_semaphore, #tpu.memory_space<semaphore_mem>>) src(%arg9 : memref<128x128xf32, #tpu.memory_space<vmem>>) dst(%dma_wait3A_32 : memref<10240x128xf32, #tpu.memory_space<vmem_shared>>)
        tpu.yield
      }) : () -> ()
    }
    %scan3A_9 = arith.constant 79 : i32
    %barrier3A_10 = arith.constant 0 : index
    tpu.barrier barrier_id(%barrier3A_10)
    %mul3A_11 = arith.constant 640 : i32
    %mul3A_12 = arith.muli %arg1, %mul3A_11 : i32
    %mul3A_13 = arith.constant 10240 : i32
    %mul3A_14 = arith.muli %arg0, %mul3A_13 : i32
    %mul3A_15 = arith.constant 640 : i32
    %mul3A_16 = arith.muli %arg1, %mul3A_15 : i32
    %add3A_17 = arith.addi %mul3A_14, %mul3A_16 : i32
    "tpu.region"() ({
      %run_scoped3A = tpu.sem_alloc : memref<!tpu.dma_semaphore, #tpu.memory_space<semaphore_mem>>
      %dma_start3A = arith.constant 0 : i32
      %dma_start3A_19 = tpu.memref_slice %arg6[%add3A_17, %dma_start3A] : memref<20480x128xf32, #tpu.memory_space<hbm>> -> memref<640x128xf32, #tpu.memory_space<hbm>>
      %dma_start3A_20 = arith.constant 0 : i32
      %dma_start3A_21 = tpu.memref_slice %arg10[%mul3A_12, %dma_start3A_20] : memref<10240x128xf32, #tpu.memory_space<vmem_shared>> -> memref<640x128xf32, #tpu.memory_space<vmem_shared>>
      tpu.enqueue_dma source(%dma_start3A_21 : memref<640x128xf32, #tpu.memory_space<vmem_shared>>) target(%dma_start3A_19 : memref<640x128xf32, #tpu.memory_space<hbm>>) target_semaphore(%run_scoped3A : memref<!tpu.dma_semaphore, #tpu.memory_space<semaphore_mem>>)
      %dma_wait3A = arith.constant 0 : i32
      %dma_wait3A_22 = tpu.memref_slice %arg6[%add3A_17, %dma_wait3A] : memref<20480x128xf32, #tpu.memory_space<hbm>> -> memref<640x128xf32, #tpu.memory_space<hbm>>
      %dma_wait3A_23 = arith.constant 0 : i32
      %dma_wait3A_24 = tpu.memref_slice %arg10[%mul3A_12, %dma_wait3A_23] : memref<10240x128xf32, #tpu.memory_space<vmem_shared>> -> memref<640x128xf32, #tpu.memory_space<vmem_shared>>
      tpu.wait_dma2 semaphore(%run_scoped3A : memref<!tpu.dma_semaphore, #tpu.memory_space<semaphore_mem>>) src(%dma_wait3A_24 : memref<640x128xf32, #tpu.memory_space<vmem_shared>>) dst(%dma_wait3A_22 : memref<640x128xf32, #tpu.memory_space<hbm>>)
      tpu.yield
    }) : () -> ()
    %barrier3A_18 = arith.constant 0 : index
    tpu.barrier barrier_id(%barrier3A_18)
    return
  }
}

#map = affine_map<(d0, d1) -> (0)>
#map1 = affine_map<(d0, d1) -> (0, 0)>
module attributes {stable_mosaic.version = 14 : i64} {
  func.func @scat_k(%arg0: i32, %arg1: i32, %arg2: memref<323584xi32, #tpu.memory_space<hbm>>, %arg3: memref<323584xi32, #tpu.memory_space<hbm>>, %arg4: memref<10240x128xf32, #tpu.memory_space<hbm>>, %arg5: memref<640x128xf32, #tpu.memory_space<hbm>>, %arg6: memref<20480x128xf32, #tpu.memory_space<hbm>>, %arg7: memref<128xi32, #tpu.memory_space<vmem>>, %arg8: memref<128xi32, #tpu.memory_space<vmem>>, %arg9: memref<128x128xf32, #tpu.memory_space<vmem>>, %arg10: memref<10240x128xf32, #tpu.memory_space<vmem_shared>>, %arg11: memref<!tpu.dma_semaphore, #tpu.memory_space<semaphore_mem>>) attributes {dimension_semantics = [#tpu.dimension_semantics<core_parallel>, #tpu.dimension_semantics<subcore_parallel>], iteration_bounds = array<i64: 2, 16>, scalar_prefetch = 0 : i64, scratch_operands = 5 : i64, tpu.core_type = #tpu.core_type<sc_vector_subcore>, window_params = [{transform_indices = #map}, {transform_indices = #map}, {transform_indices = #map1}, {transform_indices = #map1}, {transform_indices = #map1}]} {
    %mul3A = arith.constant 640 : i32
    %mul3A_0 = arith.muli %arg1, %mul3A : i32
    "tpu.region"() ({
      %run_scoped3A = tpu.sem_alloc : memref<!tpu.dma_semaphore, #tpu.memory_space<semaphore_mem>>
      %dma_start3A = arith.constant 0 : i32
      %dma_start3A_19 = tpu.memref_slice %arg10[%mul3A_0, %dma_start3A] : memref<10240x128xf32, #tpu.memory_space<vmem_shared>> -> memref<640x128xf32, #tpu.memory_space<vmem_shared>>
      tpu.enqueue_dma source(%arg5 : memref<640x128xf32, #tpu.memory_space<hbm>>) target(%dma_start3A_19 : memref<640x128xf32, #tpu.memory_space<vmem_shared>>) target_semaphore(%run_scoped3A : memref<!tpu.dma_semaphore, #tpu.memory_space<semaphore_mem>>)
      %dma_wait3A = arith.constant 0 : i32
      %dma_wait3A_20 = tpu.memref_slice %arg10[%mul3A_0, %dma_wait3A] : memref<10240x128xf32, #tpu.memory_space<vmem_shared>> -> memref<640x128xf32, #tpu.memory_space<vmem_shared>>
      tpu.wait_dma2 semaphore(%run_scoped3A : memref<!tpu.dma_semaphore, #tpu.memory_space<semaphore_mem>>) src(%arg5 : memref<640x128xf32, #tpu.memory_space<hbm>>) dst(%dma_wait3A_20 : memref<640x128xf32, #tpu.memory_space<vmem_shared>>)
      tpu.yield
    }) : () -> ()
    %barrier3A = arith.constant 0 : index
    tpu.barrier barrier_id(%barrier3A)
    %mul3A_1 = arith.constant 161792 : i32
    %mul3A_2 = arith.muli %arg0, %mul3A_1 : i32
    %mul3A_3 = arith.constant 10112 : i32
    %mul3A_4 = arith.muli %arg1, %mul3A_3 : i32
    %add3A = arith.addi %mul3A_2, %mul3A_4 : i32
    %scan3A = arith.constant 0 : i32
    %scan3A_5 = arith.constant 0 : i32
    %scan3A_6 = arith.constant 79 : i32
    %scan3A_7 = arith.addi %scan3A_5, %scan3A_6 : i32
    %scan3A_8 = arith.constant 1 : i32
    scf.for %scan3A_19 = %scan3A_5 to %scan3A_7 step %scan3A_8  : i32 {
      %mul3A_20 = arith.constant 128 : i32
      %mul3A_21 = arith.muli %scan3A_19, %mul3A_20 : i32
      %add3A_22 = arith.addi %add3A, %mul3A_21 : i32
      "tpu.region"() ({
        %run_scoped3A = tpu.sem_alloc : memref<!tpu.dma_semaphore, #tpu.memory_space<semaphore_mem>>
        %dma_start3A_27 = tpu.memref_slice %arg2[%add3A_22] : memref<323584xi32, #tpu.memory_space<hbm>> -> memref<128xi32, #tpu.memory_space<hbm>>
        %dma_start3A_28 = tpu.memref_slice %arg2[%add3A_22] : memref<323584xi32, #tpu.memory_space<hbm>> -> memref<128xi32, #tpu.memory_space<hbm>>
        tpu.enqueue_dma source(%dma_start3A_28 : memref<128xi32, #tpu.memory_space<hbm>>) target(%arg7 : memref<128xi32, #tpu.memory_space<vmem>>) target_semaphore(%run_scoped3A : memref<!tpu.dma_semaphore, #tpu.memory_space<semaphore_mem>>)
        %dma_wait3A_29 = tpu.memref_slice %arg2[%add3A_22] : memref<323584xi32, #tpu.memory_space<hbm>> -> memref<128xi32, #tpu.memory_space<hbm>>
        %dma_wait3A_30 = tpu.memref_slice %arg2[%add3A_22] : memref<323584xi32, #tpu.memory_space<hbm>> -> memref<128xi32, #tpu.memory_space<hbm>>
        tpu.wait_dma2 semaphore(%run_scoped3A : memref<!tpu.dma_semaphore, #tpu.memory_space<semaphore_mem>>) src(%dma_wait3A_30 : memref<128xi32, #tpu.memory_space<hbm>>) dst(%arg7 : memref<128xi32, #tpu.memory_space<vmem>>)
        tpu.yield
      }) : () -> ()
      "tpu.region"() ({
        %run_scoped3A = tpu.sem_alloc : memref<!tpu.dma_semaphore, #tpu.memory_space<semaphore_mem>>
        %dma_start3A_27 = tpu.memref_slice %arg3[%add3A_22] : memref<323584xi32, #tpu.memory_space<hbm>> -> memref<128xi32, #tpu.memory_space<hbm>>
        %dma_start3A_28 = tpu.memref_slice %arg3[%add3A_22] : memref<323584xi32, #tpu.memory_space<hbm>> -> memref<128xi32, #tpu.memory_space<hbm>>
        tpu.enqueue_dma source(%dma_start3A_28 : memref<128xi32, #tpu.memory_space<hbm>>) target(%arg8 : memref<128xi32, #tpu.memory_space<vmem>>) target_semaphore(%run_scoped3A : memref<!tpu.dma_semaphore, #tpu.memory_space<semaphore_mem>>)
        %dma_wait3A_29 = tpu.memref_slice %arg3[%add3A_22] : memref<323584xi32, #tpu.memory_space<hbm>> -> memref<128xi32, #tpu.memory_space<hbm>>
        %dma_wait3A_30 = tpu.memref_slice %arg3[%add3A_22] : memref<323584xi32, #tpu.memory_space<hbm>> -> memref<128xi32, #tpu.memory_space<hbm>>
        tpu.wait_dma2 semaphore(%run_scoped3A : memref<!tpu.dma_semaphore, #tpu.memory_space<semaphore_mem>>) src(%dma_wait3A_30 : memref<128xi32, #tpu.memory_space<hbm>>) dst(%arg8 : memref<128xi32, #tpu.memory_space<vmem>>)
        tpu.yield
      }) : () -> ()
      %dma_start3A = arith.constant 0 : i32
      %dma_start3A_23 = arith.constant 0 : i32
      %dma_start3A_24 = tpu.memref_slice %arg4[%dma_start3A, %dma_start3A_23] : memref<10240x128xf32, #tpu.memory_space<hbm>> -> memref<10240x128xf32, #tpu.memory_space<hbm>>
      tpu.enqueue_indirect_dma source(%dma_start3A_24 : memref<10240x128xf32, #tpu.memory_space<hbm>>) target(%arg9 : memref<128x128xf32, #tpu.memory_space<vmem>>) offsets(%arg7 : memref<128xi32, #tpu.memory_space<vmem>>) semaphore(%arg11 : memref<!tpu.dma_semaphore, #tpu.memory_space<semaphore_mem>>)
      %dma_wait3A = arith.constant 0 : i32
      %dma_wait3A_25 = arith.constant 0 : i32
      %dma_wait3A_26 = tpu.memref_slice %arg4[%dma_wait3A, %dma_wait3A_25] : memref<10240x128xf32, #tpu.memory_space<hbm>> -> memref<10240x128xf32, #tpu.memory_space<hbm>>
      tpu.wait_indirect_dma semaphore(%arg11 : memref<!tpu.dma_semaphore, #tpu.memory_space<semaphore_mem>>) src(%dma_wait3A_26 : memref<10240x128xf32, #tpu.memory_space<hbm>>) dst(%arg9 : memref<128x128xf32, #tpu.memory_space<vmem>>)
      "tpu.region"() ({
        %run_scoped3A = tpu.sem_alloc : memref<!tpu.dma_semaphore, #tpu.memory_space<semaphore_mem>>
        %dma_start3A_27 = arith.constant 0 : i32
        %dma_start3A_28 = arith.constant 0 : i32
        %dma_start3A_29 = tpu.memref_slice %arg10[%dma_start3A_27, %dma_start3A_28] : memref<10240x128xf32, #tpu.memory_space<vmem_shared>> -> memref<10240x128xf32, #tpu.memory_space<vmem_shared>>
        tpu.enqueue_indirect_dma source(%arg9 : memref<128x128xf32, #tpu.memory_space<vmem>>) target(%dma_start3A_29 : memref<10240x128xf32, #tpu.memory_space<vmem_shared>>) offsets(%arg8 : memref<128xi32, #tpu.memory_space<vmem>>) semaphore(%run_scoped3A : memref<!tpu.dma_semaphore, #tpu.memory_space<semaphore_mem>>) {add = true}
        %dma_wait3A_30 = arith.constant 0 : i32
        %dma_wait3A_31 = arith.constant 0 : i32
        %dma_wait3A_32 = tpu.memref_slice %arg10[%dma_wait3A_30, %dma_wait3A_31] : memref<10240x128xf32, #tpu.memory_space<vmem_shared>> -> memref<10240x128xf32, #tpu.memory_space<vmem_shared>>
        tpu.wait_indirect_dma semaphore(%run_scoped3A : memref<!tpu.dma_semaphore, #tpu.memory_space<semaphore_mem>>) src(%arg9 : memref<128x128xf32, #tpu.memory_space<vmem>>) dst(%dma_wait3A_32 : memref<10240x128xf32, #tpu.memory_space<vmem_shared>>)
        tpu.yield
      }) : () -> ()
    }
    %scan3A_9 = arith.constant 79 : i32
    %barrier3A_10 = arith.constant 0 : index
    tpu.barrier barrier_id(%barrier3A_10)
    %mul3A_11 = arith.constant 640 : i32
    %mul3A_12 = arith.muli %arg1, %mul3A_11 : i32
    %mul3A_13 = arith.constant 10240 : i32
    %mul3A_14 = arith.muli %arg0, %mul3A_13 : i32
    %mul3A_15 = arith.constant 640 : i32
    %mul3A_16 = arith.muli %arg1, %mul3A_15 : i32
    %add3A_17 = arith.addi %mul3A_14, %mul3A_16 : i32
    "tpu.region"() ({
      %run_scoped3A = tpu.sem_alloc : memref<!tpu.dma_semaphore, #tpu.memory_space<semaphore_mem>>
      %dma_start3A = arith.constant 0 : i32
      %dma_start3A_19 = tpu.memref_slice %arg6[%add3A_17, %dma_start3A] : memref<20480x128xf32, #tpu.memory_space<hbm>> -> memref<640x128xf32, #tpu.memory_space<hbm>>
      %dma_start3A_20 = arith.constant 0 : i32
      %dma_start3A_21 = tpu.memref_slice %arg10[%mul3A_12, %dma_start3A_20] : memref<10240x128xf32, #tpu.memory_space<vmem_shared>> -> memref<640x128xf32, #tpu.memory_space<vmem_shared>>
      tpu.enqueue_dma source(%dma_start3A_21 : memref<640x128xf32, #tpu.memory_space<vmem_shared>>) target(%dma_start3A_19 : memref<640x128xf32, #tpu.memory_space<hbm>>) target_semaphore(%run_scoped3A : memref<!tpu.dma_semaphore, #tpu.memory_space<semaphore_mem>>)
      %dma_wait3A = arith.constant 0 : i32
      %dma_wait3A_22 = tpu.memref_slice %arg6[%add3A_17, %dma_wait3A] : memref<20480x128xf32, #tpu.memory_space<hbm>> -> memref<640x128xf32, #tpu.memory_space<hbm>>
      %dma_wait3A_23 = arith.constant 0 : i32
      %dma_wait3A_24 = tpu.memref_slice %arg10[%mul3A_12, %dma_wait3A_23] : memref<10240x128xf32, #tpu.memory_space<vmem_shared>> -> memref<640x128xf32, #tpu.memory_space<vmem_shared>>
      tpu.wait_dma2 semaphore(%run_scoped3A : memref<!tpu.dma_semaphore, #tpu.memory_space<semaphore_mem>>) src(%dma_wait3A_24 : memref<640x128xf32, #tpu.memory_space<vmem_shared>>) dst(%dma_wait3A_22 : memref<640x128xf32, #tpu.memory_space<hbm>>)
      tpu.yield
    }) : () -> ()
    %barrier3A_18 = arith.constant 0 : index
    tpu.barrier barrier_id(%barrier3A_18)
    return
  }
}

#map = affine_map<(d0, d1) -> (0)>
#map1 = affine_map<(d0, d1) -> (0, 0)>
module attributes {stable_mosaic.version = 14 : i64} {
  func.func @scat_k(%arg0: i32, %arg1: i32, %arg2: memref<323584xi32, #tpu.memory_space<hbm>>, %arg3: memref<323584xi32, #tpu.memory_space<hbm>>, %arg4: memref<10240x128xf32, #tpu.memory_space<hbm>>, %arg5: memref<640x128xf32, #tpu.memory_space<hbm>>, %arg6: memref<20480x128xf32, #tpu.memory_space<hbm>>, %arg7: memref<128xi32, #tpu.memory_space<vmem>>, %arg8: memref<128xi32, #tpu.memory_space<vmem>>, %arg9: memref<128x128xf32, #tpu.memory_space<vmem>>, %arg10: memref<10240x128xf32, #tpu.memory_space<vmem_shared>>, %arg11: memref<!tpu.dma_semaphore, #tpu.memory_space<semaphore_mem>>) attributes {dimension_semantics = [#tpu.dimension_semantics<core_parallel>, #tpu.dimension_semantics<subcore_parallel>], iteration_bounds = array<i64: 2, 16>, scalar_prefetch = 0 : i64, scratch_operands = 5 : i64, tpu.core_type = #tpu.core_type<sc_vector_subcore>, window_params = [{transform_indices = #map}, {transform_indices = #map}, {transform_indices = #map1}, {transform_indices = #map1}, {transform_indices = #map1}]} {
    %mul3A = arith.constant 640 : i32
    %mul3A_0 = arith.muli %arg1, %mul3A : i32
    "tpu.region"() ({
      %run_scoped3A = tpu.sem_alloc : memref<!tpu.dma_semaphore, #tpu.memory_space<semaphore_mem>>
      %dma_start3A = arith.constant 0 : i32
      %dma_start3A_19 = tpu.memref_slice %arg10[%mul3A_0, %dma_start3A] : memref<10240x128xf32, #tpu.memory_space<vmem_shared>> -> memref<640x128xf32, #tpu.memory_space<vmem_shared>>
      tpu.enqueue_dma source(%arg5 : memref<640x128xf32, #tpu.memory_space<hbm>>) target(%dma_start3A_19 : memref<640x128xf32, #tpu.memory_space<vmem_shared>>) target_semaphore(%run_scoped3A : memref<!tpu.dma_semaphore, #tpu.memory_space<semaphore_mem>>)
      %dma_wait3A = arith.constant 0 : i32
      %dma_wait3A_20 = tpu.memref_slice %arg10[%mul3A_0, %dma_wait3A] : memref<10240x128xf32, #tpu.memory_space<vmem_shared>> -> memref<640x128xf32, #tpu.memory_space<vmem_shared>>
      tpu.wait_dma2 semaphore(%run_scoped3A : memref<!tpu.dma_semaphore, #tpu.memory_space<semaphore_mem>>) src(%arg5 : memref<640x128xf32, #tpu.memory_space<hbm>>) dst(%dma_wait3A_20 : memref<640x128xf32, #tpu.memory_space<vmem_shared>>)
      tpu.yield
    }) : () -> ()
    %barrier3A = arith.constant 0 : index
    tpu.barrier barrier_id(%barrier3A)
    %mul3A_1 = arith.constant 161792 : i32
    %mul3A_2 = arith.muli %arg0, %mul3A_1 : i32
    %mul3A_3 = arith.constant 10112 : i32
    %mul3A_4 = arith.muli %arg1, %mul3A_3 : i32
    %add3A = arith.addi %mul3A_2, %mul3A_4 : i32
    %scan3A = arith.constant 0 : i32
    %scan3A_5 = arith.constant 0 : i32
    %scan3A_6 = arith.constant 79 : i32
    %scan3A_7 = arith.addi %scan3A_5, %scan3A_6 : i32
    %scan3A_8 = arith.constant 1 : i32
    scf.for %scan3A_19 = %scan3A_5 to %scan3A_7 step %scan3A_8  : i32 {
      %mul3A_20 = arith.constant 128 : i32
      %mul3A_21 = arith.muli %scan3A_19, %mul3A_20 : i32
      %add3A_22 = arith.addi %add3A, %mul3A_21 : i32
      "tpu.region"() ({
        %run_scoped3A = tpu.sem_alloc : memref<!tpu.dma_semaphore, #tpu.memory_space<semaphore_mem>>
        %dma_start3A_27 = tpu.memref_slice %arg2[%add3A_22] : memref<323584xi32, #tpu.memory_space<hbm>> -> memref<128xi32, #tpu.memory_space<hbm>>
        %dma_start3A_28 = tpu.memref_slice %arg2[%add3A_22] : memref<323584xi32, #tpu.memory_space<hbm>> -> memref<128xi32, #tpu.memory_space<hbm>>
        tpu.enqueue_dma source(%dma_start3A_28 : memref<128xi32, #tpu.memory_space<hbm>>) target(%arg7 : memref<128xi32, #tpu.memory_space<vmem>>) target_semaphore(%run_scoped3A : memref<!tpu.dma_semaphore, #tpu.memory_space<semaphore_mem>>)
        %dma_wait3A_29 = tpu.memref_slice %arg2[%add3A_22] : memref<323584xi32, #tpu.memory_space<hbm>> -> memref<128xi32, #tpu.memory_space<hbm>>
        %dma_wait3A_30 = tpu.memref_slice %arg2[%add3A_22] : memref<323584xi32, #tpu.memory_space<hbm>> -> memref<128xi32, #tpu.memory_space<hbm>>
        tpu.wait_dma2 semaphore(%run_scoped3A : memref<!tpu.dma_semaphore, #tpu.memory_space<semaphore_mem>>) src(%dma_wait3A_30 : memref<128xi32, #tpu.memory_space<hbm>>) dst(%arg7 : memref<128xi32, #tpu.memory_space<vmem>>)
        tpu.yield
      }) : () -> ()
      "tpu.region"() ({
        %run_scoped3A = tpu.sem_alloc : memref<!tpu.dma_semaphore, #tpu.memory_space<semaphore_mem>>
        %dma_start3A_27 = tpu.memref_slice %arg3[%add3A_22] : memref<323584xi32, #tpu.memory_space<hbm>> -> memref<128xi32, #tpu.memory_space<hbm>>
        %dma_start3A_28 = tpu.memref_slice %arg3[%add3A_22] : memref<323584xi32, #tpu.memory_space<hbm>> -> memref<128xi32, #tpu.memory_space<hbm>>
        tpu.enqueue_dma source(%dma_start3A_28 : memref<128xi32, #tpu.memory_space<hbm>>) target(%arg8 : memref<128xi32, #tpu.memory_space<vmem>>) target_semaphore(%run_scoped3A : memref<!tpu.dma_semaphore, #tpu.memory_space<semaphore_mem>>)
        %dma_wait3A_29 = tpu.memref_slice %arg3[%add3A_22] : memref<323584xi32, #tpu.memory_space<hbm>> -> memref<128xi32, #tpu.memory_space<hbm>>
        %dma_wait3A_30 = tpu.memref_slice %arg3[%add3A_22] : memref<323584xi32, #tpu.memory_space<hbm>> -> memref<128xi32, #tpu.memory_space<hbm>>
        tpu.wait_dma2 semaphore(%run_scoped3A : memref<!tpu.dma_semaphore, #tpu.memory_space<semaphore_mem>>) src(%dma_wait3A_30 : memref<128xi32, #tpu.memory_space<hbm>>) dst(%arg8 : memref<128xi32, #tpu.memory_space<vmem>>)
        tpu.yield
      }) : () -> ()
      %dma_start3A = arith.constant 0 : i32
      %dma_start3A_23 = arith.constant 0 : i32
      %dma_start3A_24 = tpu.memref_slice %arg4[%dma_start3A, %dma_start3A_23] : memref<10240x128xf32, #tpu.memory_space<hbm>> -> memref<10240x128xf32, #tpu.memory_space<hbm>>
      tpu.enqueue_indirect_dma source(%dma_start3A_24 : memref<10240x128xf32, #tpu.memory_space<hbm>>) target(%arg9 : memref<128x128xf32, #tpu.memory_space<vmem>>) offsets(%arg7 : memref<128xi32, #tpu.memory_space<vmem>>) semaphore(%arg11 : memref<!tpu.dma_semaphore, #tpu.memory_space<semaphore_mem>>)
      %dma_wait3A = arith.constant 0 : i32
      %dma_wait3A_25 = arith.constant 0 : i32
      %dma_wait3A_26 = tpu.memref_slice %arg4[%dma_wait3A, %dma_wait3A_25] : memref<10240x128xf32, #tpu.memory_space<hbm>> -> memref<10240x128xf32, #tpu.memory_space<hbm>>
      tpu.wait_indirect_dma semaphore(%arg11 : memref<!tpu.dma_semaphore, #tpu.memory_space<semaphore_mem>>) src(%dma_wait3A_26 : memref<10240x128xf32, #tpu.memory_space<hbm>>) dst(%arg9 : memref<128x128xf32, #tpu.memory_space<vmem>>)
      "tpu.region"() ({
        %run_scoped3A = tpu.sem_alloc : memref<!tpu.dma_semaphore, #tpu.memory_space<semaphore_mem>>
        %dma_start3A_27 = arith.constant 0 : i32
        %dma_start3A_28 = arith.constant 0 : i32
        %dma_start3A_29 = tpu.memref_slice %arg10[%dma_start3A_27, %dma_start3A_28] : memref<10240x128xf32, #tpu.memory_space<vmem_shared>> -> memref<10240x128xf32, #tpu.memory_space<vmem_shared>>
        tpu.enqueue_indirect_dma source(%arg9 : memref<128x128xf32, #tpu.memory_space<vmem>>) target(%dma_start3A_29 : memref<10240x128xf32, #tpu.memory_space<vmem_shared>>) offsets(%arg8 : memref<128xi32, #tpu.memory_space<vmem>>) semaphore(%run_scoped3A : memref<!tpu.dma_semaphore, #tpu.memory_space<semaphore_mem>>) {add = true}
        %dma_wait3A_30 = arith.constant 0 : i32
        %dma_wait3A_31 = arith.constant 0 : i32
        %dma_wait3A_32 = tpu.memref_slice %arg10[%dma_wait3A_30, %dma_wait3A_31] : memref<10240x128xf32, #tpu.memory_space<vmem_shared>> -> memref<10240x128xf32, #tpu.memory_space<vmem_shared>>
        tpu.wait_indirect_dma semaphore(%run_scoped3A : memref<!tpu.dma_semaphore, #tpu.memory_space<semaphore_mem>>) src(%arg9 : memref<128x128xf32, #tpu.memory_space<vmem>>) dst(%dma_wait3A_32 : memref<10240x128xf32, #tpu.memory_space<vmem_shared>>)
        tpu.yield
      }) : () -> ()
    }
    %scan3A_9 = arith.constant 79 : i32
    %barrier3A_10 = arith.constant 0 : index
    tpu.barrier barrier_id(%barrier3A_10)
    %mul3A_11 = arith.constant 640 : i32
    %mul3A_12 = arith.muli %arg1, %mul3A_11 : i32
    %mul3A_13 = arith.constant 10240 : i32
    %mul3A_14 = arith.muli %arg0, %mul3A_13 : i32
    %mul3A_15 = arith.constant 640 : i32
    %mul3A_16 = arith.muli %arg1, %mul3A_15 : i32
    %add3A_17 = arith.addi %mul3A_14, %mul3A_16 : i32
    "tpu.region"() ({
      %run_scoped3A = tpu.sem_alloc : memref<!tpu.dma_semaphore, #tpu.memory_space<semaphore_mem>>
      %dma_start3A = arith.constant 0 : i32
      %dma_start3A_19 = tpu.memref_slice %arg6[%add3A_17, %dma_start3A] : memref<20480x128xf32, #tpu.memory_space<hbm>> -> memref<640x128xf32, #tpu.memory_space<hbm>>
      %dma_start3A_20 = arith.constant 0 : i32
      %dma_start3A_21 = tpu.memref_slice %arg10[%mul3A_12, %dma_start3A_20] : memref<10240x128xf32, #tpu.memory_space<vmem_shared>> -> memref<640x128xf32, #tpu.memory_space<vmem_shared>>
      tpu.enqueue_dma source(%dma_start3A_21 : memref<640x128xf32, #tpu.memory_space<vmem_shared>>) target(%dma_start3A_19 : memref<640x128xf32, #tpu.memory_space<hbm>>) target_semaphore(%run_scoped3A : memref<!tpu.dma_semaphore, #tpu.memory_space<semaphore_mem>>)
      %dma_wait3A = arith.constant 0 : i32
      %dma_wait3A_22 = tpu.memref_slice %arg6[%add3A_17, %dma_wait3A] : memref<20480x128xf32, #tpu.memory_space<hbm>> -> memref<640x128xf32, #tpu.memory_space<hbm>>
      %dma_wait3A_23 = arith.constant 0 : i32
      %dma_wait3A_24 = tpu.memref_slice %arg10[%mul3A_12, %dma_wait3A_23] : memref<10240x128xf32, #tpu.memory_space<vmem_shared>> -> memref<640x128xf32, #tpu.memory_space<vmem_shared>>
      tpu.wait_dma2 semaphore(%run_scoped3A : memref<!tpu.dma_semaphore, #tpu.memory_space<semaphore_mem>>) src(%dma_wait3A_24 : memref<640x128xf32, #tpu.memory_space<vmem_shared>>) dst(%dma_wait3A_22 : memref<640x128xf32, #tpu.memory_space<hbm>>)
      tpu.yield
    }) : () -> ()
    %barrier3A_18 = arith.constant 0 : index
    tpu.barrier barrier_id(%barrier3A_18)
    return
  }
}

#map = affine_map<(d0, d1) -> (0)>
#map1 = affine_map<(d0, d1) -> (0, 0)>
module attributes {stable_mosaic.version = 14 : i64} {
  func.func @scat_k(%arg0: i32, %arg1: i32, %arg2: memref<323584xi32, #tpu.memory_space<hbm>>, %arg3: memref<323584xi32, #tpu.memory_space<hbm>>, %arg4: memref<10240x128xf32, #tpu.memory_space<hbm>>, %arg5: memref<640x128xf32, #tpu.memory_space<hbm>>, %arg6: memref<20480x128xf32, #tpu.memory_space<hbm>>, %arg7: memref<128xi32, #tpu.memory_space<vmem>>, %arg8: memref<128xi32, #tpu.memory_space<vmem>>, %arg9: memref<128x128xf32, #tpu.memory_space<vmem>>, %arg10: memref<10240x128xf32, #tpu.memory_space<vmem_shared>>, %arg11: memref<!tpu.dma_semaphore, #tpu.memory_space<semaphore_mem>>) attributes {dimension_semantics = [#tpu.dimension_semantics<core_parallel>, #tpu.dimension_semantics<subcore_parallel>], iteration_bounds = array<i64: 2, 16>, scalar_prefetch = 0 : i64, scratch_operands = 5 : i64, tpu.core_type = #tpu.core_type<sc_vector_subcore>, window_params = [{transform_indices = #map}, {transform_indices = #map}, {transform_indices = #map1}, {transform_indices = #map1}, {transform_indices = #map1}]} {
    %mul3A = arith.constant 640 : i32
    %mul3A_0 = arith.muli %arg1, %mul3A : i32
    "tpu.region"() ({
      %run_scoped3A = tpu.sem_alloc : memref<!tpu.dma_semaphore, #tpu.memory_space<semaphore_mem>>
      %dma_start3A = arith.constant 0 : i32
      %dma_start3A_19 = tpu.memref_slice %arg10[%mul3A_0, %dma_start3A] : memref<10240x128xf32, #tpu.memory_space<vmem_shared>> -> memref<640x128xf32, #tpu.memory_space<vmem_shared>>
      tpu.enqueue_dma source(%arg5 : memref<640x128xf32, #tpu.memory_space<hbm>>) target(%dma_start3A_19 : memref<640x128xf32, #tpu.memory_space<vmem_shared>>) target_semaphore(%run_scoped3A : memref<!tpu.dma_semaphore, #tpu.memory_space<semaphore_mem>>)
      %dma_wait3A = arith.constant 0 : i32
      %dma_wait3A_20 = tpu.memref_slice %arg10[%mul3A_0, %dma_wait3A] : memref<10240x128xf32, #tpu.memory_space<vmem_shared>> -> memref<640x128xf32, #tpu.memory_space<vmem_shared>>
      tpu.wait_dma2 semaphore(%run_scoped3A : memref<!tpu.dma_semaphore, #tpu.memory_space<semaphore_mem>>) src(%arg5 : memref<640x128xf32, #tpu.memory_space<hbm>>) dst(%dma_wait3A_20 : memref<640x128xf32, #tpu.memory_space<vmem_shared>>)
      tpu.yield
    }) : () -> ()
    %barrier3A = arith.constant 0 : index
    tpu.barrier barrier_id(%barrier3A)
    %mul3A_1 = arith.constant 161792 : i32
    %mul3A_2 = arith.muli %arg0, %mul3A_1 : i32
    %mul3A_3 = arith.constant 10112 : i32
    %mul3A_4 = arith.muli %arg1, %mul3A_3 : i32
    %add3A = arith.addi %mul3A_2, %mul3A_4 : i32
    %scan3A = arith.constant 0 : i32
    %scan3A_5 = arith.constant 0 : i32
    %scan3A_6 = arith.constant 79 : i32
    %scan3A_7 = arith.addi %scan3A_5, %scan3A_6 : i32
    %scan3A_8 = arith.constant 1 : i32
    scf.for %scan3A_19 = %scan3A_5 to %scan3A_7 step %scan3A_8  : i32 {
      %mul3A_20 = arith.constant 128 : i32
      %mul3A_21 = arith.muli %scan3A_19, %mul3A_20 : i32
      %add3A_22 = arith.addi %add3A, %mul3A_21 : i32
      "tpu.region"() ({
        %run_scoped3A = tpu.sem_alloc : memref<!tpu.dma_semaphore, #tpu.memory_space<semaphore_mem>>
        %dma_start3A_27 = tpu.memref_slice %arg2[%add3A_22] : memref<323584xi32, #tpu.memory_space<hbm>> -> memref<128xi32, #tpu.memory_space<hbm>>
        %dma_start3A_28 = tpu.memref_slice %arg2[%add3A_22] : memref<323584xi32, #tpu.memory_space<hbm>> -> memref<128xi32, #tpu.memory_space<hbm>>
        tpu.enqueue_dma source(%dma_start3A_28 : memref<128xi32, #tpu.memory_space<hbm>>) target(%arg7 : memref<128xi32, #tpu.memory_space<vmem>>) target_semaphore(%run_scoped3A : memref<!tpu.dma_semaphore, #tpu.memory_space<semaphore_mem>>)
        %dma_wait3A_29 = tpu.memref_slice %arg2[%add3A_22] : memref<323584xi32, #tpu.memory_space<hbm>> -> memref<128xi32, #tpu.memory_space<hbm>>
        %dma_wait3A_30 = tpu.memref_slice %arg2[%add3A_22] : memref<323584xi32, #tpu.memory_space<hbm>> -> memref<128xi32, #tpu.memory_space<hbm>>
        tpu.wait_dma2 semaphore(%run_scoped3A : memref<!tpu.dma_semaphore, #tpu.memory_space<semaphore_mem>>) src(%dma_wait3A_30 : memref<128xi32, #tpu.memory_space<hbm>>) dst(%arg7 : memref<128xi32, #tpu.memory_space<vmem>>)
        tpu.yield
      }) : () -> ()
      "tpu.region"() ({
        %run_scoped3A = tpu.sem_alloc : memref<!tpu.dma_semaphore, #tpu.memory_space<semaphore_mem>>
        %dma_start3A_27 = tpu.memref_slice %arg3[%add3A_22] : memref<323584xi32, #tpu.memory_space<hbm>> -> memref<128xi32, #tpu.memory_space<hbm>>
        %dma_start3A_28 = tpu.memref_slice %arg3[%add3A_22] : memref<323584xi32, #tpu.memory_space<hbm>> -> memref<128xi32, #tpu.memory_space<hbm>>
        tpu.enqueue_dma source(%dma_start3A_28 : memref<128xi32, #tpu.memory_space<hbm>>) target(%arg8 : memref<128xi32, #tpu.memory_space<vmem>>) target_semaphore(%run_scoped3A : memref<!tpu.dma_semaphore, #tpu.memory_space<semaphore_mem>>)
        %dma_wait3A_29 = tpu.memref_slice %arg3[%add3A_22] : memref<323584xi32, #tpu.memory_space<hbm>> -> memref<128xi32, #tpu.memory_space<hbm>>
        %dma_wait3A_30 = tpu.memref_slice %arg3[%add3A_22] : memref<323584xi32, #tpu.memory_space<hbm>> -> memref<128xi32, #tpu.memory_space<hbm>>
        tpu.wait_dma2 semaphore(%run_scoped3A : memref<!tpu.dma_semaphore, #tpu.memory_space<semaphore_mem>>) src(%dma_wait3A_30 : memref<128xi32, #tpu.memory_space<hbm>>) dst(%arg8 : memref<128xi32, #tpu.memory_space<vmem>>)
        tpu.yield
      }) : () -> ()
      %dma_start3A = arith.constant 0 : i32
      %dma_start3A_23 = arith.constant 0 : i32
      %dma_start3A_24 = tpu.memref_slice %arg4[%dma_start3A, %dma_start3A_23] : memref<10240x128xf32, #tpu.memory_space<hbm>> -> memref<10240x128xf32, #tpu.memory_space<hbm>>
      tpu.enqueue_indirect_dma source(%dma_start3A_24 : memref<10240x128xf32, #tpu.memory_space<hbm>>) target(%arg9 : memref<128x128xf32, #tpu.memory_space<vmem>>) offsets(%arg7 : memref<128xi32, #tpu.memory_space<vmem>>) semaphore(%arg11 : memref<!tpu.dma_semaphore, #tpu.memory_space<semaphore_mem>>)
      %dma_wait3A = arith.constant 0 : i32
      %dma_wait3A_25 = arith.constant 0 : i32
      %dma_wait3A_26 = tpu.memref_slice %arg4[%dma_wait3A, %dma_wait3A_25] : memref<10240x128xf32, #tpu.memory_space<hbm>> -> memref<10240x128xf32, #tpu.memory_space<hbm>>
      tpu.wait_indirect_dma semaphore(%arg11 : memref<!tpu.dma_semaphore, #tpu.memory_space<semaphore_mem>>) src(%dma_wait3A_26 : memref<10240x128xf32, #tpu.memory_space<hbm>>) dst(%arg9 : memref<128x128xf32, #tpu.memory_space<vmem>>)
      "tpu.region"() ({
        %run_scoped3A = tpu.sem_alloc : memref<!tpu.dma_semaphore, #tpu.memory_space<semaphore_mem>>
        %dma_start3A_27 = arith.constant 0 : i32
        %dma_start3A_28 = arith.constant 0 : i32
        %dma_start3A_29 = tpu.memref_slice %arg10[%dma_start3A_27, %dma_start3A_28] : memref<10240x128xf32, #tpu.memory_space<vmem_shared>> -> memref<10240x128xf32, #tpu.memory_space<vmem_shared>>
        tpu.enqueue_indirect_dma source(%arg9 : memref<128x128xf32, #tpu.memory_space<vmem>>) target(%dma_start3A_29 : memref<10240x128xf32, #tpu.memory_space<vmem_shared>>) offsets(%arg8 : memref<128xi32, #tpu.memory_space<vmem>>) semaphore(%run_scoped3A : memref<!tpu.dma_semaphore, #tpu.memory_space<semaphore_mem>>) {add = true}
        %dma_wait3A_30 = arith.constant 0 : i32
        %dma_wait3A_31 = arith.constant 0 : i32
        %dma_wait3A_32 = tpu.memref_slice %arg10[%dma_wait3A_30, %dma_wait3A_31] : memref<10240x128xf32, #tpu.memory_space<vmem_shared>> -> memref<10240x128xf32, #tpu.memory_space<vmem_shared>>
        tpu.wait_indirect_dma semaphore(%run_scoped3A : memref<!tpu.dma_semaphore, #tpu.memory_space<semaphore_mem>>) src(%arg9 : memref<128x128xf32, #tpu.memory_space<vmem>>) dst(%dma_wait3A_32 : memref<10240x128xf32, #tpu.memory_space<vmem_shared>>)
        tpu.yield
      }) : () -> ()
    }
    %scan3A_9 = arith.constant 79 : i32
    %barrier3A_10 = arith.constant 0 : index
    tpu.barrier barrier_id(%barrier3A_10)
    %mul3A_11 = arith.constant 640 : i32
    %mul3A_12 = arith.muli %arg1, %mul3A_11 : i32
    %mul3A_13 = arith.constant 10240 : i32
    %mul3A_14 = arith.muli %arg0, %mul3A_13 : i32
    %mul3A_15 = arith.constant 640 : i32
    %mul3A_16 = arith.muli %arg1, %mul3A_15 : i32
    %add3A_17 = arith.addi %mul3A_14, %mul3A_16 : i32
    "tpu.region"() ({
      %run_scoped3A = tpu.sem_alloc : memref<!tpu.dma_semaphore, #tpu.memory_space<semaphore_mem>>
      %dma_start3A = arith.constant 0 : i32
      %dma_start3A_19 = tpu.memref_slice %arg6[%add3A_17, %dma_start3A] : memref<20480x128xf32, #tpu.memory_space<hbm>> -> memref<640x128xf32, #tpu.memory_space<hbm>>
      %dma_start3A_20 = arith.constant 0 : i32
      %dma_start3A_21 = tpu.memref_slice %arg10[%mul3A_12, %dma_start3A_20] : memref<10240x128xf32, #tpu.memory_space<vmem_shared>> -> memref<640x128xf32, #tpu.memory_space<vmem_shared>>
      tpu.enqueue_dma source(%dma_start3A_21 : memref<640x128xf32, #tpu.memory_space<vmem_shared>>) target(%dma_start3A_19 : memref<640x128xf32, #tpu.memory_space<hbm>>) target_semaphore(%run_scoped3A : memref<!tpu.dma_semaphore, #tpu.memory_space<semaphore_mem>>)
      %dma_wait3A = arith.constant 0 : i32
      %dma_wait3A_22 = tpu.memref_slice %arg6[%add3A_17, %dma_wait3A] : memref<20480x128xf32, #tpu.memory_space<hbm>> -> memref<640x128xf32, #tpu.memory_space<hbm>>
      %dma_wait3A_23 = arith.constant 0 : i32
      %dma_wait3A_24 = tpu.memref_slice %arg10[%mul3A_12, %dma_wait3A_23] : memref<10240x128xf32, #tpu.memory_space<vmem_shared>> -> memref<640x128xf32, #tpu.memory_space<vmem_shared>>
      tpu.wait_dma2 semaphore(%run_scoped3A : memref<!tpu.dma_semaphore, #tpu.memory_space<semaphore_mem>>) src(%dma_wait3A_24 : memref<640x128xf32, #tpu.memory_space<vmem_shared>>) dst(%dma_wait3A_22 : memref<640x128xf32, #tpu.memory_space<hbm>>)
      tpu.yield
    }) : () -> ()
    %barrier3A_18 = arith.constant 0 : index
    tpu.barrier barrier_id(%barrier3A_18)
    return
  }
}

module attributes {stable_mosaic.version = 14 : i64} {
  func.func @_tc0_body(%arg0: i32, %arg1: memref<1280x16xf32, #tpu.memory_space<vmem>>, %arg2: memref<1280x16xf32, #tpu.memory_space<vmem>>, %arg3: memref<1280x128xf32, #tpu.memory_space<vmem>>, %arg4: memref<128x128xf32, #tpu.memory_space<vmem>>, %arg5: memref<1x128xf32, #tpu.memory_space<vmem>>, %arg6: memref<128x128xf32, #tpu.memory_space<vmem>>, %arg7: memref<1280x128xf32, #tpu.memory_space<vmem>>, %arg8: memref<1280x1xf32, #tpu.memory_space<vmem>>) attributes {dimension_semantics = [#tpu.dimension_semantics<arbitrary>], iteration_bounds = array<i64: 8>, scalar_prefetch = 0 : i64, scratch_operands = 0 : i64, tpu.core_type = #tpu.core_type<tc>, window_params = [{transform_indices = @transform_0, window_bounds = array<i64: 1280, 16>}, {transform_indices = @transform_1, window_bounds = array<i64: 1280, 16>}, {transform_indices = @transform_2, window_bounds = array<i64: 1280, 128>}, {pipeline_mode = #tpu.pipeline_mode<synchronous>, transform_indices = @transform_3, window_bounds = array<i64: 128, 128>}, {pipeline_mode = #tpu.pipeline_mode<synchronous>, transform_indices = @transform_4, window_bounds = array<i64: 1, 128>}, {pipeline_mode = #tpu.pipeline_mode<synchronous>, transform_indices = @transform_5, window_bounds = array<i64: 128, 128>}, {transform_indices = @transform_6, window_bounds = array<i64: 1280, 128>}, {transform_indices = @transform_7, window_bounds = array<i64: 1280, 1>}]} {
    %get3A = arith.constant 0 : index
    %get3A_0 = arith.constant 0 : index
    %get3A_1 = vector.load %arg1[%get3A, %get3A_0] : memref<1280x16xf32, #tpu.memory_space<vmem>>, vector<1280x16xf32>
    %get3A_2 = arith.constant 0 : index
    %get3A_3 = arith.constant 0 : index
    %get3A_4 = vector.load %arg2[%get3A_2, %get3A_3] : memref<1280x16xf32, #tpu.memory_space<vmem>>, vector<1280x16xf32>
    %add3A = arith.addf %get3A_1, %get3A_4 : vector<1280x16xf32>
    %add3A_5 = arith.constant 1.000000e+00 : f32
    %add3A_6 = vector.broadcast %add3A_5 : f32 to vector<1280x16xf32>
    %add3A_7 = arith.addf %add3A, %add3A_6 : vector<1280x16xf32>
    %rsqrt3A = math.rsqrt %add3A_7 : vector<1280x16xf32>
    %reduce_max3A = arith.constant dense<0xFF800000> : vector<1280xf32>
    %reduce_max3A_8 = vector.multi_reduction <maximumf>, %rsqrt3A, %reduce_max3A [1] : vector<1280x16xf32> to vector<1280xf32>
    %broadcast_in_dim3A = vector.shape_cast %reduce_max3A_8 : vector<1280xf32> to vector<1280x1xf32>
    %iota3A = tpu.iota {dimensions = array<i32: 0>} : vector<1280x1xi32>
    %mul3A = arith.constant 1280 : i32
    %mul3A_9 = arith.muli %arg0, %mul3A : i32
    %add3A_10 = vector.broadcast %mul3A_9 : i32 to vector<1280x1xi32>
    %add3A_11 = arith.addi %iota3A, %add3A_10 : vector<1280x1xi32>
    %lt3A = arith.constant 10000 : i32
    %lt3A_12 = vector.broadcast %lt3A : i32 to vector<1280x1xi32>
    %lt3A_13 = arith.cmpi slt, %add3A_11, %lt3A_12 : vector<1280x1xi32>
    %jit3A = arith.constant 0.000000e+00 : f32
    %broadcast_in_dim3A_14 = vector.broadcast %jit3A : f32 to vector<1280x1xf32>
    %select_n3A = arith.select %lt3A_13, %broadcast_in_dim3A, %broadcast_in_dim3A_14 : vector<1280x1xi1>, vector<1280x1xf32>
    %get3A_15 = arith.constant 0 : index
    %get3A_16 = arith.constant 0 : index
    %get3A_17 = vector.load %arg3[%get3A_15, %get3A_16] : memref<1280x128xf32, #tpu.memory_space<vmem>>, vector<1280x128xf32>
    %get3A_18 = arith.constant 0 : index
    %get3A_19 = arith.constant 0 : index
    %get3A_20 = vector.load %arg4[%get3A_18, %get3A_19] : memref<128x128xf32, #tpu.memory_space<vmem>>, vector<128x128xf32>
    %dot_general3A = arith.constant dense<0.000000e+00> : vector<1280x128xf32>
    %dot_general3A_21 = tpu.matmul %get3A_17, %get3A_20, %dot_general3A {dimension_numbers = #tpu.dot_dimension_numbers<[1], [0], [0], [1], [0, 0, 1, 1], [], []>, transpose_lhs_hint = false} : vector<1280x128xf32>, vector<128x128xf32>, vector<1280x128xf32> -> vector<1280x128xf32>
    %get3A_22 = arith.constant 0 : index
    %get3A_23 = arith.constant 0 : index
    %get3A_24 = vector.load %arg5[%get3A_22, %get3A_23] : memref<1x128xf32, #tpu.memory_space<vmem>>, vector<1x128xf32>
    %add3A_25 = vector.broadcast %get3A_24 : vector<1x128xf32> to vector<1280x128xf32>
    %add3A_26 = arith.addf %dot_general3A_21, %add3A_25 : vector<1280x128xf32>
    %get3A_27 = arith.constant 0 : index
    %get3A_28 = arith.constant 0 : index
    %get3A_29 = vector.load %arg6[%get3A_27, %get3A_28] : memref<128x128xf32, #tpu.memory_space<vmem>>, vector<128x128xf32>
    %dot_general3A_30 = arith.constant dense<0.000000e+00> : vector<1280x128xf32>
    %dot_general3A_31 = tpu.matmul %add3A_26, %get3A_29, %dot_general3A_30 {dimension_numbers = #tpu.dot_dimension_numbers<[1], [0], [0], [1], [0, 0, 1, 1], [], []>, transpose_lhs_hint = false} : vector<1280x128xf32>, vector<128x128xf32>, vector<1280x128xf32> -> vector<1280x128xf32>
    %mul3A_32 = vector.broadcast %select_n3A : vector<1280x1xf32> to vector<1280x128xf32>
    %mul3A_33 = arith.mulf %dot_general3A_31, %mul3A_32 : vector<1280x128xf32>
    %swap3A = arith.constant 0 : index
    %swap3A_34 = arith.constant 0 : index
    %swap3A_35 = vector.load %arg7[%swap3A, %swap3A_34] : memref<1280x128xf32, #tpu.memory_space<vmem>>, vector<1280x128xf32>
    tpu.vector_store %arg7[%swap3A, %swap3A_34], %mul3A_33 {strides = array<i32>} : memref<1280x128xf32, #tpu.memory_space<vmem>>, vector<1280x128xf32>,
    %swap3A_36 = arith.constant 0 : index
    %swap3A_37 = arith.constant 0 : index
    %swap3A_38 = vector.load %arg8[%swap3A_36, %swap3A_37] : memref<1280x1xf32, #tpu.memory_space<vmem>>, vector<1280x1xf32>
    tpu.vector_store %arg8[%swap3A_36, %swap3A_37], %select_n3A {strides = array<i32>} : memref<1280x1xf32, #tpu.memory_space<vmem>>, vector<1280x1xf32>,
    return
  }
  func.func @transform_0(%arg0: i32) -> (i32, i32) {
    %c0_i32 = arith.constant 0 : i32
    %c0_i32_0 = arith.constant 0 : i32
    return %arg0, %c0_i32 : i32, i32
  }
  func.func @transform_1(%arg0: i32) -> (i32, i32) {
    %add3A = arith.constant 8 : i32
    %add3A_0 = arith.addi %arg0, %add3A : i32
    %c0_i32 = arith.constant 0 : i32
    %c0_i32_1 = arith.constant 0 : i32
    return %add3A_0, %c0_i32 : i32, i32
  }
  func.func @transform_2(%arg0: i32) -> (i32, i32) {
    %c0_i32 = arith.constant 0 : i32
    %c0_i32_0 = arith.constant 0 : i32
    return %arg0, %c0_i32 : i32, i32
  }
  func.func @transform_3(%arg0: i32) -> (i32, i32) {
    %c0_i32 = arith.constant 0 : i32
    %c0_i32_0 = arith.constant 0 : i32
    %c0_i32_1 = arith.constant 0 : i32
    return %c0_i32, %c0_i32_0 : i32, i32
  }
  func.func @transform_4(%arg0: i32) -> (i32, i32) {
    %c0_i32 = arith.constant 0 : i32
    %c0_i32_0 = arith.constant 0 : i32
    %c0_i32_1 = arith.constant 0 : i32
    return %c0_i32, %c0_i32_0 : i32, i32
  }
  func.func @transform_5(%arg0: i32) -> (i32, i32) {
    %c0_i32 = arith.constant 0 : i32
    %c0_i32_0 = arith.constant 0 : i32
    %c0_i32_1 = arith.constant 0 : i32
    return %c0_i32, %c0_i32_0 : i32, i32
  }
  func.func @transform_6(%arg0: i32) -> (i32, i32) {
    %c0_i32 = arith.constant 0 : i32
    %c0_i32_0 = arith.constant 0 : i32
    return %arg0, %c0_i32 : i32, i32
  }
  func.func @transform_7(%arg0: i32) -> (i32, i32) {
    %c0_i32 = arith.constant 0 : i32
    %c0_i32_0 = arith.constant 0 : i32
    return %arg0, %c0_i32 : i32, i32
  }
}

module attributes {stable_mosaic.version = 14 : i64} {
  func.func @_tcl_body(%arg0: i32, %arg1: memref<1280x128xf32, #tpu.memory_space<vmem>>, %arg2: memref<1280x128xf32, #tpu.memory_space<vmem>>, %arg3: memref<1280x128xf32, #tpu.memory_space<vmem>>, %arg4: memref<1280x1xf32, #tpu.memory_space<vmem>>, %arg5: memref<1x128xf32, #tpu.memory_space<vmem>>, %arg6: memref<128x128xf32, #tpu.memory_space<vmem>>, %arg7: memref<1280x128xf32, #tpu.memory_space<vmem>>) attributes {dimension_semantics = [#tpu.dimension_semantics<arbitrary>], iteration_bounds = array<i64: 8>, scalar_prefetch = 0 : i64, scratch_operands = 0 : i64, tpu.core_type = #tpu.core_type<tc>, window_params = [{transform_indices = @transform_0, window_bounds = array<i64: 1280, 128>}, {transform_indices = @transform_1, window_bounds = array<i64: 1280, 128>}, {transform_indices = @transform_2, window_bounds = array<i64: 1280, 128>}, {transform_indices = @transform_3, window_bounds = array<i64: 1280, 1>}, {pipeline_mode = #tpu.pipeline_mode<synchronous>, transform_indices = @transform_4, window_bounds = array<i64: 1, 128>}, {pipeline_mode = #tpu.pipeline_mode<synchronous>, transform_indices = @transform_5, window_bounds = array<i64: 128, 128>}, {transform_indices = @transform_6, window_bounds = array<i64: 1280, 128>}]} {
    %get3A = arith.constant 0 : index
    %get3A_0 = arith.constant 0 : index
    %get3A_1 = vector.load %arg4[%get3A, %get3A_0] : memref<1280x1xf32, #tpu.memory_space<vmem>>, vector<1280x1xf32>
    %get3A_2 = arith.constant 0 : index
    %get3A_3 = arith.constant 0 : index
    %get3A_4 = vector.load %arg1[%get3A_2, %get3A_3] : memref<1280x128xf32, #tpu.memory_space<vmem>>, vector<1280x128xf32>
    %get3A_5 = arith.constant 0 : index
    %get3A_6 = arith.constant 0 : index
    %get3A_7 = vector.load %arg2[%get3A_5, %get3A_6] : memref<1280x128xf32, #tpu.memory_space<vmem>>, vector<1280x128xf32>
    %add3A = arith.addf %get3A_4, %get3A_7 : vector<1280x128xf32>
    %get3A_8 = arith.constant 0 : index
    %get3A_9 = arith.constant 0 : index
    %get3A_10 = vector.load %arg3[%get3A_8, %get3A_9] : memref<1280x128xf32, #tpu.memory_space<vmem>>, vector<1280x128xf32>
    %add3A_11 = arith.addf %add3A, %get3A_10 : vector<1280x128xf32>
    %mul3A = vector.broadcast %get3A_1 : vector<1280x1xf32> to vector<1280x128xf32>
    %mul3A_12 = arith.mulf %add3A_11, %mul3A : vector<1280x128xf32>
    %get3A_13 = arith.constant 0 : index
    %get3A_14 = arith.constant 0 : index
    %get3A_15 = vector.load %arg5[%get3A_13, %get3A_14] : memref<1x128xf32, #tpu.memory_space<vmem>>, vector<1x128xf32>
    %add3A_16 = vector.broadcast %get3A_15 : vector<1x128xf32> to vector<1280x128xf32>
    %add3A_17 = arith.addf %mul3A_12, %add3A_16 : vector<1280x128xf32>
    %max3A = arith.constant 0.000000e+00 : f32
    %max3A_18 = vector.broadcast %max3A : f32 to vector<1280x128xf32>
    %max3A_19 = arith.maximumf %add3A_17, %max3A_18 : vector<1280x128xf32>
    %get3A_20 = arith.constant 0 : index
    %get3A_21 = arith.constant 0 : index
    %get3A_22 = vector.load %arg6[%get3A_20, %get3A_21] : memref<128x128xf32, #tpu.memory_space<vmem>>, vector<128x128xf32>
    %dot_general3A = arith.constant dense<0.000000e+00> : vector<1280x128xf32>
    %dot_general3A_23 = tpu.matmul %max3A_19, %get3A_22, %dot_general3A {dimension_numbers = #tpu.dot_dimension_numbers<[1], [0], [0], [1], [0, 0, 1, 1], [], []>, transpose_lhs_hint = false} : vector<1280x128xf32>, vector<128x128xf32>, vector<1280x128xf32> -> vector<1280x128xf32>
    %mul3A_24 = vector.broadcast %get3A_1 : vector<1280x1xf32> to vector<1280x128xf32>
    %mul3A_25 = arith.mulf %dot_general3A_23, %mul3A_24 : vector<1280x128xf32>
    %swap3A = arith.constant 0 : index
    %swap3A_26 = arith.constant 0 : index
    %swap3A_27 = vector.load %arg7[%swap3A, %swap3A_26] : memref<1280x128xf32, #tpu.memory_space<vmem>>, vector<1280x128xf32>
    tpu.vector_store %arg7[%swap3A, %swap3A_26], %mul3A_25 {strides = array<i32>} : memref<1280x128xf32, #tpu.memory_space<vmem>>, vector<1280x128xf32>,
    return
  }
  func.func @transform_0(%arg0: i32) -> (i32, i32) {
    %c0_i32 = arith.constant 0 : i32
    %c0_i32_0 = arith.constant 0 : i32
    return %arg0, %c0_i32 : i32, i32
  }
  func.func @transform_1(%arg0: i32) -> (i32, i32) {
    %add3A = arith.constant 8 : i32
    %add3A_0 = arith.addi %arg0, %add3A : i32
    %c0_i32 = arith.constant 0 : i32
    %c0_i32_1 = arith.constant 0 : i32
    return %add3A_0, %c0_i32 : i32, i32
  }
  func.func @transform_2(%arg0: i32) -> (i32, i32) {
    %c0_i32 = arith.constant 0 : i32
    %c0_i32_0 = arith.constant 0 : i32
    return %arg0, %c0_i32 : i32, i32
  }
  func.func @transform_3(%arg0: i32) -> (i32, i32) {
    %c0_i32 = arith.constant 0 : i32
    %c0_i32_0 = arith.constant 0 : i32
    return %arg0, %c0_i32 : i32, i32
  }
  func.func @transform_4(%arg0: i32) -> (i32, i32) {
    %c0_i32 = arith.constant 0 : i32
    %c0_i32_0 = arith.constant 0 : i32
    %c0_i32_1 = arith.constant 0 : i32
    return %c0_i32, %c0_i32_0 : i32, i32
  }
  func.func @transform_5(%arg0: i32) -> (i32, i32) {
    %c0_i32 = arith.constant 0 : i32
    %c0_i32_0 = arith.constant 0 : i32
    %c0_i32_1 = arith.constant 0 : i32
    return %c0_i32, %c0_i32_0 : i32, i32
  }
  func.func @transform_6(%arg0: i32) -> (i32, i32) {
    %c0_i32 = arith.constant 0 : i32
    %c0_i32_0 = arith.constant 0 : i32
    return %arg0, %c0_i32 : i32, i32
  }
}

module attributes {stable_mosaic.version = 14 : i64} {
  func.func @_tc6_body(%arg0: i32, %arg1: memref<1280x128xf32, #tpu.memory_space<vmem>>, %arg2: memref<1280x128xf32, #tpu.memory_space<vmem>>, %arg3: memref<1280x128xf32, #tpu.memory_space<vmem>>, %arg4: memref<1280x1xf32, #tpu.memory_space<vmem>>, %arg5: memref<1x128xf32, #tpu.memory_space<vmem>>, %arg6: memref<128x128xf32, #tpu.memory_space<vmem>>, %arg7: memref<1x128xf32, #tpu.memory_space<vmem>>, %arg8: memref<128x128xf32, #tpu.memory_space<vmem>>, %arg9: memref<1x128xf32, #tpu.memory_space<vmem>>, %arg10: memref<1x128xf32, #tpu.memory_space<vmem>>, %arg11: memref<1x128xf32, #tpu.memory_space<vmem>>) attributes {dimension_semantics = [#tpu.dimension_semantics<arbitrary>], iteration_bounds = array<i64: 8>, scalar_prefetch = 0 : i64, scratch_operands = 1 : i64, tpu.core_type = #tpu.core_type<tc>, window_params = [{transform_indices = @transform_0, window_bounds = array<i64: 1280, 128>}, {transform_indices = @transform_1, window_bounds = array<i64: 1280, 128>}, {transform_indices = @transform_2, window_bounds = array<i64: 1280, 128>}, {transform_indices = @transform_3, window_bounds = array<i64: 1280, 1>}, {pipeline_mode = #tpu.pipeline_mode<synchronous>, transform_indices = @transform_4, window_bounds = array<i64: 1, 128>}, {pipeline_mode = #tpu.pipeline_mode<synchronous>, transform_indices = @transform_5, window_bounds = array<i64: 128, 128>}, {pipeline_mode = #tpu.pipeline_mode<synchronous>, transform_indices = @transform_6, window_bounds = array<i64: 1, 128>}, {pipeline_mode = #tpu.pipeline_mode<synchronous>, transform_indices = @transform_7, window_bounds = array<i64: 128, 128>}, {pipeline_mode = #tpu.pipeline_mode<synchronous>, transform_indices = @transform_8, window_bounds = array<i64: 1, 128>}, {pipeline_mode = #tpu.pipeline_mode<synchronous>, transform_indices = @transform_9, window_bounds = array<i64: 1, 128>}]} {
    %get3A = arith.constant 0 : index
    %get3A_0 = arith.constant 0 : index
    %get3A_1 = vector.load %arg1[%get3A, %get3A_0] : memref<1280x128xf32, #tpu.memory_space<vmem>>, vector<1280x128xf32>
    %get3A_2 = arith.constant 0 : index
    %get3A_3 = arith.constant 0 : index
    %get3A_4 = vector.load %arg2[%get3A_2, %get3A_3] : memref<1280x128xf32, #tpu.memory_space<vmem>>, vector<1280x128xf32>
    %add3A = arith.addf %get3A_1, %get3A_4 : vector<1280x128xf32>
    %get3A_5 = arith.constant 0 : index
    %get3A_6 = arith.constant 0 : index
    %get3A_7 = vector.load %arg3[%get3A_5, %get3A_6] : memref<1280x128xf32, #tpu.memory_space<vmem>>, vector<1280x128xf32>
    %add3A_8 = arith.addf %add3A, %get3A_7 : vector<1280x128xf32>
    %get3A_9 = arith.constant 0 : index
    %get3A_10 = arith.constant 0 : index
    %get3A_11 = vector.load %arg4[%get3A_9, %get3A_10] : memref<1280x1xf32, #tpu.memory_space<vmem>>, vector<1280x1xf32>
    %mul3A = vector.broadcast %get3A_11 : vector<1280x1xf32> to vector<1280x128xf32>
    %mul3A_12 = arith.mulf %add3A_8, %mul3A : vector<1280x128xf32>
    %get3A_13 = arith.constant 0 : index
    %get3A_14 = arith.constant 0 : index
    %get3A_15 = vector.load %arg5[%get3A_13, %get3A_14] : memref<1x128xf32, #tpu.memory_space<vmem>>, vector<1x128xf32>
    %add3A_16 = vector.broadcast %get3A_15 : vector<1x128xf32> to vector<1280x128xf32>
    %add3A_17 = arith.addf %mul3A_12, %add3A_16 : vector<1280x128xf32>
    %max3A = arith.constant 0.000000e+00 : f32
    %max3A_18 = vector.broadcast %max3A : f32 to vector<1280x128xf32>
    %max3A_19 = arith.maximumf %add3A_17, %max3A_18 : vector<1280x128xf32>
    %iota3A = tpu.iota {dimensions = array<i32: 0>} : vector<1280x1xi32>
    %mul3A_20 = arith.constant 1280 : i32
    %mul3A_21 = arith.muli %arg0, %mul3A_20 : i32
    %add3A_22 = vector.broadcast %mul3A_21 : i32 to vector<1280x1xi32>
    %add3A_23 = arith.addi %iota3A, %add3A_22 : vector<1280x1xi32>
    %lt3A = arith.constant 10000 : i32
    %lt3A_24 = vector.broadcast %lt3A : i32 to vector<1280x1xi32>
    %lt3A_25 = arith.cmpi slt, %add3A_23, %lt3A_24 : vector<1280x1xi32>
    %jit3A = arith.constant 0.000000e+00 : f32
    %broadcast_in_dim3A = vector.shape_cast %lt3A_25 : vector<1280x1xi1> to vector<1280x1xi1>
    %broadcast_in_dim3A_26 = vector.broadcast %broadcast_in_dim3A : vector<1280x1xi1> to vector<1280x128xi1>
    %broadcast_in_dim3A_27 = vector.broadcast %jit3A : f32 to vector<1280x128xf32>
    %select_n3A = arith.select %broadcast_in_dim3A_26, %max3A_19, %broadcast_in_dim3A_27 : vector<1280x128xi1>, vector<1280x128xf32>
    %reduce_sum3A = arith.constant dense<0.000000e+00> : vector<128xf32>
    %reduce_sum3A_28 = vector.multi_reduction <add>, %select_n3A, %reduce_sum3A [0] : vector<1280x128xf32> to vector<128xf32>
    %broadcast_in_dim3A_29 = vector.shape_cast %reduce_sum3A_28 : vector<128xf32> to vector<1x128xf32>
    %eq3A = arith.constant 0 : i32
    %eq3A_30 = arith.cmpi eq, %arg0, %eq3A : i32
    %convert_element_type3A = arith.extui %eq3A_30 : i1 to i32
    %cond3A = arith.constant 0 : i32
    %cond3A_31 = arith.cmpi ne, %convert_element_type3A, %cond3A : i32
    scf.if %cond3A_31 {
      %swap3A = arith.constant 0 : index
      %swap3A_41 = arith.constant 0 : index
      %swap3A_42 = vector.load %arg11[%swap3A, %swap3A_41] : memref<1x128xf32, #tpu.memory_space<vmem>>, vector<1x128xf32>
      tpu.vector_store %arg11[%swap3A, %swap3A_41], %broadcast_in_dim3A_29 {strides = array<i32>} : memref<1x128xf32, #tpu.memory_space<vmem>>, vector<1x128xf32>,
    } else {
    }
    %gt3A = arith.constant 0 : i32
    %gt3A_32 = arith.cmpi sgt, %arg0, %gt3A : i32
    %convert_element_type3A_33 = arith.extui %gt3A_32 : i1 to i32
    %cond3A_34 = arith.constant 0 : i32
    %cond3A_35 = arith.cmpi ne, %convert_element_type3A_33, %cond3A_34 : i32
    scf.if %cond3A_35 {
      %get3A_41 = arith.constant 0 : index
      %get3A_42 = arith.constant 0 : index
      %get3A_43 = vector.load %arg11[%get3A_41, %get3A_42] : memref<1x128xf32, #tpu.memory_space<vmem>>, vector<1x128xf32>
      %add3A_44 = arith.addf %get3A_43, %broadcast_in_dim3A_29 : vector<1x128xf32>
      %swap3A = arith.constant 0 : index
      %swap3A_45 = arith.constant 0 : index
      %swap3A_46 = vector.load %arg11[%swap3A, %swap3A_45] : memref<1x128xf32, #tpu.memory_space<vmem>>, vector<1x128xf32>
      tpu.vector_store %arg11[%swap3A, %swap3A_45], %add3A_44 {strides = array<i32>} : memref<1x128xf32, #tpu.memory_space<vmem>>, vector<1x128xf32>,
    } else {
    }
    %eq3A_36 = arith.constant 7 : i32
    %eq3A_37 = arith.cmpi eq, %arg0, %eq3A_36 : i32
    %convert_element_type3A_38 = arith.extui %eq3A_37 : i1 to i32
    %cond3A_39 = arith.constant 0 : i32
    %cond3A_40 = arith.cmpi ne, %convert_element_type3A_38, %cond3A_39 : i32
    scf.if %cond3A_40 {
      %get3A_41 = arith.constant 0 : index
      %get3A_42 = arith.constant 0 : index
      %get3A_43 = vector.load %arg11[%get3A_41, %get3A_42] : memref<1x128xf32, #tpu.memory_space<vmem>>, vector<1x128xf32>
      %mul3A_44 = arith.constant 9.99999974E-5 : f32
      %mul3A_45 = vector.broadcast %mul3A_44 : f32 to vector<1x128xf32>
      %mul3A_46 = arith.mulf %get3A_43, %mul3A_45 : vector<1x128xf32>
      %get3A_47 = arith.constant 0 : index
      %get3A_48 = arith.constant 0 : index
      %get3A_49 = vector.load %arg6[%get3A_47, %get3A_48] : memref<128x128xf32, #tpu.memory_space<vmem>>, vector<128x128xf32>
      %dot_general3A = arith.constant dense<0.000000e+00> : vector<1x128xf32>
      %dot_general3A_50 = tpu.matmul %mul3A_46, %get3A_49, %dot_general3A {dimension_numbers = #tpu.dot_dimension_numbers<[1], [0], [0], [1], [0, 0, 1, 1], [], []>, transpose_lhs_hint = false} : vector<1x128xf32>, vector<128x128xf32>, vector<1x128xf32> -> vector<1x128xf32>
      %get3A_51 = arith.constant 0 : index
      %get3A_52 = arith.constant 0 : index
      %get3A_53 = vector.load %arg7[%get3A_51, %get3A_52] : memref<1x128xf32, #tpu.memory_space<vmem>>, vector<1x128xf32>
      %add3A_54 = arith.addf %dot_general3A_50, %get3A_53 : vector<1x128xf32>
      %max3A_55 = arith.constant 0.000000e+00 : f32
      %max3A_56 = vector.broadcast %max3A_55 : f32 to vector<1x128xf32>
      %max3A_57 = arith.maximumf %add3A_54, %max3A_56 : vector<1x128xf32>
      %get3A_58 = arith.constant 0 : index
      %get3A_59 = arith.constant 0 : index
      %get3A_60 = vector.load %arg8[%get3A_58, %get3A_59] : memref<128x128xf32, #tpu.memory_space<vmem>>, vector<128x128xf32>
      %dot_general3A_61 = arith.constant dense<0.000000e+00> : vector<1x128xf32>
      %dot_general3A_62 = tpu.matmul %max3A_57, %get3A_60, %dot_general3A_61 {dimension_numbers = #tpu.dot_dimension_numbers<[1], [0], [0], [1], [0, 0, 1, 1], [], []>, transpose_lhs_hint = false} : vector<1x128xf32>, vector<128x128xf32>, vector<1x128xf32> -> vector<1x128xf32>
      %get3A_63 = arith.constant 0 : index
      %get3A_64 = arith.constant 0 : index
      %get3A_65 = vector.load %arg9[%get3A_63, %get3A_64] : memref<1x128xf32, #tpu.memory_space<vmem>>, vector<1x128xf32>
      %add3A_66 = arith.addf %dot_general3A_62, %get3A_65 : vector<1x128xf32>
      %swap3A = arith.constant 0 : index
      %swap3A_67 = arith.constant 0 : index
      %swap3A_68 = vector.load %arg10[%swap3A, %swap3A_67] : memref<1x128xf32, #tpu.memory_space<vmem>>, vector<1x128xf32>
      tpu.vector_store %arg10[%swap3A, %swap3A_67], %add3A_66 {strides = array<i32>} : memref<1x128xf32, #tpu.memory_space<vmem>>, vector<1x128xf32>,
    } else {
    }
    return
  }
  func.func @transform_0(%arg0: i32) -> (i32, i32) {
    %c0_i32 = arith.constant 0 : i32
    %c0_i32_0 = arith.constant 0 : i32
    return %arg0, %c0_i32 : i32, i32
  }
  func.func @transform_1(%arg0: i32) -> (i32, i32) {
    %add3A = arith.constant 8 : i32
    %add3A_0 = arith.addi %arg0, %add3A : i32
    %c0_i32 = arith.constant 0 : i32
    %c0_i32_1 = arith.constant 0 : i32
    return %add3A_0, %c0_i32 : i32, i32
  }
  func.func @transform_2(%arg0: i32) -> (i32, i32) {
    %c0_i32 = arith.constant 0 : i32
    %c0_i32_0 = arith.constant 0 : i32
    return %arg0, %c0_i32 : i32, i32
  }
  func.func @transform_3(%arg0: i32) -> (i32, i32) {
    %c0_i32 = arith.constant 0 : i32
    %c0_i32_0 = arith.constant 0 : i32
    return %arg0, %c0_i32 : i32, i32
  }
  func.func @transform_4(%arg0: i32) -> (i32, i32) {
    %c0_i32 = arith.constant 0 : i32
    %c0_i32_0 = arith.constant 0 : i32
    %c0_i32_1 = arith.constant 0 : i32
    return %c0_i32, %c0_i32_0 : i32, i32
  }
  func.func @transform_5(%arg0: i32) -> (i32, i32) {
    %c0_i32 = arith.constant 0 : i32
    %c0_i32_0 = arith.constant 0 : i32
    %c0_i32_1 = arith.constant 0 : i32
    return %c0_i32, %c0_i32_0 : i32, i32
  }
  func.func @transform_6(%arg0: i32) -> (i32, i32) {
    %c0_i32 = arith.constant 0 : i32
    %c0_i32_0 = arith.constant 0 : i32
    %c0_i32_1 = arith.constant 0 : i32
    return %c0_i32, %c0_i32_0 : i32, i32
  }
  func.func @transform_7(%arg0: i32) -> (i32, i32) {
    %c0_i32 = arith.constant 0 : i32
    %c0_i32_0 = arith.constant 0 : i32
    %c0_i32_1 = arith.constant 0 : i32
    return %c0_i32, %c0_i32_0 : i32, i32
  }
  func.func @transform_8(%arg0: i32) -> (i32, i32) {
    %c0_i32 = arith.constant 0 : i32
    %c0_i32_0 = arith.constant 0 : i32
    %c0_i32_1 = arith.constant 0 : i32
    return %c0_i32, %c0_i32_0 : i32, i32
  }
  func.func @transform_9(%arg0: i32) -> (i32, i32) {
    %c0_i32 = arith.constant 0 : i32
    %c0_i32_0 = arith.constant 0 : i32
    %c0_i32_1 = arith.constant 0 : i32
    return %c0_i32, %c0_i32_0 : i32, i32
  }
}

</mosaic_0001>

<sc_bundles>
// kernel: kernel.16.cloned.1.call-start
scs
__scs_entry_jumppad:
0x0: {  	(pc) =	sbr.rel $0x88, $3  }
0x1: {  	(tag) =	ssettag $0x0;
	lr =	simm.s32 $0x1  }
0x2: {  	[smem:$0x3F97] =	sst lr;
	_ =	strace $0xD0000000  }
0x3: {  	_ = 	snop  }
0x4: {  	_ = 	snop  }
0x5: {  	_ = 	snop  }
0x6: {  	_ = 	snop  }
0x7: {  	_ = 	snop  }
__scs_overlays_trampoline_lowered:
0x8: {  	[smem:$0x3FA6] =	sst s0  }
0x9: {  	[smem:$0x3FA7] =	sst s1  }
0xa: {  	[smem:$0x3FA8] =	sst s2  }
0xb: {  	[smem:$0x3FA9] =	sst s3  }
0xc: {  	[smem:$0x3FAA] =	sst s4  }
0xd: {  	[smem:$0x3FAB] =	sst s5  }
0xe: {  	[smem:$0x3FAC] =	sst s6  }
0xf: {  	[smem:$0x3FAD] =	sst s7  }
0x10: {  	[smem:$0x3FAE] =	sst s8  }
0x11: {  	[smem:$0x3FAF] =	sst s9;
	s0 =	simm.s32 @!p0 $0x0  }
0x12: {  	s1 =	sld [smem:$0x3F95];
	s0 =	simm.s32 @p0 $0x1  }
0x13: {  	[smem:$0x3FB0] =	sst s0;
	s0 =	simm.s32 @!p1 $0x0  }
0x14: {  	s2 =	sld [smem:$0x3F94];
	s0 =	simm.s32 @p1 $0x1  }
0x15: {  	[smem:$0x3FB1] =	sst s0;
	s0 =	simm.s32 @!p2 $0x0  }
0x16: {  	s3 =	sld [smem:$0x3FDB];
	s0 =	simm.s32 @p2 $0x1  }
0x17: {  	s4 =	simm.s32 $0x1BF5;
	[smem:$0x3FB3] =	sst s0  }
0x18: {  	s0 =	sld [smem:$0x3F96];
	_ =	swait.ge [sflag:s4], $0x0  }
0x19: {  	s7 =	sld [smem:$0x3F97]  }
0x1a: {  	s8 =	sadd.s32 $0xFFFFE003, lr  }
0x1b: {  	s9 =	sadd.s32 $0xFFFFFEF7, lr;
	s5 =	simm.s32 $0xFFFFFFFF;
	p2 =	slt.u32 s8, $0xFFFFF086  }
0x1c: {  	p1 =	slt.u32 s9, $0xF7A;
	s5 =	simm.s32 @!p2 $0x0  }
0x1d: {  	s5 =	simm.s32 @p1 $0x1;
	p0 =	seq.s32 s7, s2  }
0x1e: {  	s7 =	smul.u32 @!p0 $0xF7A, s2;
	p2 =	seq.s32 @!p0 s5, $0x0  }
0x1f: {  	s9 =	smul.u32 $0xF7A, s1;
	s8 =	simm.s32 @!p0 $0x1BF5;
	p2 =	por !p2, p0  }
0x20: {  	[sflag:s8] =	ssyncset.s32 @!p0 $0xFFFFF086;
	s6 =	sadd.s32 @!p0 s3, s7;
	s7 =	simm.s32 @!p0 $0x108  }
0x21: {  	s3 =	sadd.s32 s3, s9;
	s6 =	sadd.s32 @!p0 $0x88, s6;
	s7 =	simm.s32 @p2 $0x1082  }
0x22: {  	[simem:s7], [sflag:s8] =	dma.local @!p0 [hbm:s6], $0xF7A  }
0x23: {  	s9 =	sor.u32 $0xD0000000, s2;
	s6 =	simm.s32 $0x108;
	_ =	swait.ge @!p0 [sflag:s8], $0x0  }
0x24: {  	s3 =	sadd.s32 $0x88, s3;
	s6 =	simm.s32 @!p1 $0x1082;
	[sflag:s4] =	ssyncset.s32 $0xFFFFF086  }
0x25: {  	[simem:s6], [sflag:s4] =	dma.local [hbm:s3], $0xF7A  }
0x26: {  	[smem:$0x3F97] =	sst s1;
	(tag) =	ssettag s2;
	_ =	strace s9  }
0x27: {  	s1 =	sld [smem:$0x3FA7]  }
0x28: {  	s2 =	sld [smem:$0x3FA8]  }
0x29: {  	s4 =	sld [smem:$0x3FAA]  }
0x2a: {  	p0 =	seq.s32 s5, $0x0;
	s5 =	sld [smem:$0x3FAB]  }
0x2b: {  	s6 =	sld [smem:$0x3FAC]  }
0x2c: {  	s7 =	sld [smem:$0x3FAD]  }
0x2d: {  	s3 =	simm.s32 $0x108;
	s8 =	sld [smem:$0x3FAE]  }
0x2e: {  	s3 =	simm.s32 @!p0 $0x1082;
	s9 =	sld [smem:$0x3FAF]  }
0x2f: {  	lr =	sadd.s32 s0, s3;
	s0 =	sld [smem:$0x3FA6]  }
0x30: {  	s3 =	sld [smem:$0x3FA9]  }
0x31: {  	[smem:$0x3FB2] =	sst s10  }
0x32: {  	s10 =	sld [smem:$0x3FB0];
	_ =	sdelay $0x3  }
0x33: {  	p0 =	seq.s32 s10, $0x1;
	s10 =	sld [smem:$0x3FB2];
	_ =	sdelay $0x3  }
0x34: {  	[smem:$0x3FB2] =	sst s10  }
0x35: {  	s10 =	sld [smem:$0x3FB1];
	_ =	sdelay $0x3  }
0x36: {  	p1 =	seq.s32 s10, $0x1;
	s10 =	sld [smem:$0x3FB2];
	_ =	sdelay $0x3  }
0x37: {  	[smem:$0x3FB2] =	sst s10  }
0x38: {  	s10 =	sld [smem:$0x3FB3]  }
0x39: {  	_ = 	snop;
	(pc) =	sbr.ind lr, $3  }
0x3a: {  	_ = 	snop  }
0x3b: {  	_ = 	snop  }
0x3c: {  	p2 =	seq.s32 s10, $0x1;
	s10 =	sld [smem:$0x3FB2]  }
0x3d: {  	_ =	shalt  }
0x3e: {  	_ =	shalt  }
0x3f: {  	_ =	shalt  }
0x40: {  	_ =	shalt  }
0x41: {  	_ =	shalt  }
0x42: {  	_ =	shalt  }
0x43: {  	_ =	shalt  }
0x44: {  	_ =	shalt  }
0x45: {  	_ =	shalt  }
0x46: {  	_ =	shalt  }
0x47: {  	_ =	shalt  }
0x48: {  	_ =	shalt  }
0x49: {  	_ =	shalt  }
0x4a: {  	_ =	shalt  }
0x4b: {  	_ =	shalt  }
0x4c: {  	_ =	shalt  }
0x4d: {  	_ =	shalt  }
0x4e: {  	_ =	shalt  }
0x4f: {  	_ =	shalt  }
0x50: {  	_ =	shalt  }
0x51: {  	_ =	shalt  }
0x52: {  	_ =	shalt  }
0x53: {  	_ =	shalt  }
0x54: {  	_ =	shalt  }
0x55: {  	_ =	shalt  }
0x56: {  	_ =	shalt  }
0x57: {  	_ =	shalt  }
0x58: {  	_ =	shalt  }
0x59: {  	_ =	shalt  }
0x5a: {  	_ =	shalt  }
0x5b: {  	_ =	shalt  }
0x5c: {  	_ =	shalt  }
0x5d: {  	_ =	shalt  }
0x5e: {  	_ =	shalt  }
0x5f: {  	_ =	shalt  }
0x60: {  	_ =	shalt  }
0x61: {  	_ =	shalt  }
0x62: {  	_ =	shalt  }
0x63: {  	_ =	shalt  }
0x64: {  	_ =	shalt  }
0x65: {  	_ =	shalt  }
0x66: {  	_ =	shalt  }
0x67: {  	_ =	shalt  }
0x68: {  	_ =	shalt  }
0x69: {  	_ =	shalt  }
0x6a: {  	_ =	shalt  }
0x6b: {  	_ =	shalt  }
0x6c: {  	_ =	shalt  }
0x6d: {  	_ =	shalt  }
0x6e: {  	_ =	shalt  }
0x6f: {  	_ =	shalt  }
0x70: {  	_ =	shalt  }
0x71: {  	_ =	shalt  }
0x72: {  	_ =	shalt  }
0x73: {  	_ =	shalt  }
0x74: {  	_ =	shalt  }
0x75: {  	_ =	shalt  }
0x76: {  	_ =	shalt  }
0x77: {  	_ =	shalt  }
0x78: {  	_ =	shalt  }
0x79: {  	_ =	shalt  }
0x7a: {  	_ =	shalt  }
0x7b: {  	_ =	shalt  }
0x7c: {  	_ =	shalt  }
0x7d: {  	_ =	shalt  }
0x7e: {  	_ =	shalt  }
0x7f: {  	_ =	shalt  }
0x80: {  	_ =	shalt  }
0x81: {  	_ =	shalt  }
0x82: {  	_ =	shalt  }
0x83: {  	_ =	shalt  }
0x84: {  	_ =	shalt  }
0x85: {  	_ =	shalt  }
0x86: {  	_ =	shalt  }
0x87: {  	_ =	shalt  }
.Lfunc_end0:
.L_simem_size_0:
called_computation_lowered:
.L_overlay_start_0:
0x88: {  	s2 =	sld [smem:$0x3FD9]  }
0x89: {  	s3 =	sld [smem:$0x3FFE];
	_ =	sdelay $0x1  }
0x8a: {  	s1 =	srdreg.scid  }
0x8b: {  	s0 =	sand.u32 $0x1, s1  }
0x8c: {  	s16 =	sshll.u32 s0, $0xA;
	s2 =	sadd.s32 s3, s2  }
0x8d: {  	s2 =	sadd.s32 s2, s16  }
0x8e: {  	[smem:$0x3FBE] =	sst s2  }
0x8f: {  	_ = 	snop  }
0x90: {  	(tm) =	ssettm $0x1  }
0x91: {  	s17 =	sld [smem:$0x3FFB];
	_ =	sdelay $0x3  }
0x92: {  	_ =	strace s17  }
0x93: {  	s2 =	sld [smem:$0x3FFC];
	_ =	sdelay $0x3  }
0x94: {  	_ =	strace s2  }
0x95: {  	s2 =	sld [smem:$0x3FFD];
	_ =	sdelay $0x3  }
0x96: {  	_ =	strace s2  }
0x97: {  	_ =	strace $0x8FFFFFFF  }
0x98: {  	s18 =	sld [smem:$0x3FDB];
	_ =	sdelay $0x1  }
0x99: {  	s19 =	simm.s32 $_scs_section_size  }
0x9a: {  	s4 =	simm.s32 $_size__tile_overlayer_lowered;
	s5 =	simm.s32 $_tile_overlayer_lowered  }
0x9b: {  	s22 =	simm.s32 $0x1BFF;
	s21 =	sshll.u32 s5, $0x1;
	s2 =	sadd.s32 s19, s18  }
0x9c: {  	s6 =	simm.s32 $0x0;
	s20 =	sshll.u32 s4, $0x1;
	s4 =	sadd.s32 s21, s2  }
0x9d: {  	[timem:s6], [sflag:s22] =	dma.local [hbm:s4], s20  }
0x9e: {  	_ =	swait.ge [sflag:s22], s20  }
0x9f: {  	s3 =	ssub.s32 $0x0, s20;
	[sflag:s22] =	ssyncset.done $0x0  }
0xa0: {  	[sflag:s22] =	ssyncadd.s32 s3;
	_ =	sdelay $0x1  }
0xa1: {  	s23 =	simm.s32 $0x1B8B  }
0xa2: {  	_ =	swait.ge [sflag:s23], $0x1  }
0xa3: {  	[sflag:s23] =	ssyncset.done $0x0  }
0xa4: {  	s25 =	simm.s32 $0x1B8E;
	s24 =	sld [smem:$0x3FFE];
	[sflag:s23] =	ssyncadd.s32 $0xFFFFFFFF  }
0xa5: {  	s26 =	simm.s32 $execute0_lowered;
	[smem:$0x3FD2] =	sst s25  }
0xa6: {  	s4 =	sshll.u32 s26, $0x1;
	_ =	strace $0x80000046;
	[dreg:$0x1] =	wrdreg $0xFFFFFFFF  }
0xa7: {  	s28 =	simm.s32 $_size_execute0_lowered;
	s2 =	sadd.s32 s2, s4;
	[dreg:$0x0] =	wrdreg $0x0  }
0xa8: {  	s4 =	sshll.u32 s28, $0x1;
	[dreg:$0x2] =	wrdreg s2  }
0xa9: {  	[dreg:$0x3] =	wrdreg s4  }
0xaa: {  	[dreg:$0x4] =	wrdreg $0xC0  }
0xab: {  	_ =	task [dreg:s6], $0x5FFFF  }
0xac: {  	[dreg:$0x1] =	wrdreg $0xFFFFFFFF  }
0xad: {  	[dreg:$0x0] =	wrdreg $0x60  }
0xae: {  	[dreg:$0x2] =	wrdreg s24  }
0xaf: {  	[dreg:$0x3] =	wrdreg $0x40800  }
0xb0: {  	[dreg:$0x4] =	wrdreg $0x9  }
0xb1: {  	_ =	task.clear_ibuf [dreg:s6], $0x5FFFF;
	_ =	strace $0x90000046  }
0xb2: {  	s29 =	simm.s32 $0x9;
	_ =	strace $0x80000048  }
0xb3: {  	_ =	swait.ge [sflag:s29], $0x1  }
0xb4: {  	[sflag:s29] =	ssyncadd.s32 $0xFFFFFFFF  }
0xb5: {  	_ =	strace $0x90000048  }
0xb6: {  	_ =	sfence  }
0xb7: {  	s30 =	sld [smem:$0x0];
	_ =	sdelay $0x2  }
0xb8: {  	s31 =	sshll.u32 s1, $0xD;
	s1 =	sshrl.u32 s1, $0x2  }
0xb9: {  	s3 =	sand.u32 $0x4000, s31;
	s1 =	sadd.s32 s1, s30  }
0xba: {  	s0 =	sor.u32 s3, s0;
	s1 =	sshll.u32 s1, $0x11  }
0xbb: {  	s0 =	sor.u32 s1, s0  }
0xbc: {  	s0 =	sadd.s32 $0x8F2B, s0  }
0xbd: {  	[sflag:s0] =	ssyncadd.remote.s32 $0x1  }
0xbe: {  	_ =	sfence.sel $0xFFFF  }
0xbf: {  	[dreg:$0x0] =	wrdreg $0xFFFFFFFF;
	(pc) =	sbr.abs _section_cstart, $3  }
0xc0: {  	[dreg:$0x1] =	wrdreg $0xFFFFFFFF  }
0xc1: {  	_ =	task.clear_ibuf [dreg:s6], $0x2FFFF;
	_ =	strace $0x9FFFFFFF  }
0xc2: {  	(tm) =	ssettm $0x7FFFFFFF  }
0xc3: {  	_ =	shalt  }
tec
execute0_lowered:
.L_overlay_start_1:
0x0: {  	(tag) =	ssettag $0x1  }
0x1: {  	s0 =	srdreg.scid;
	s6 =	rddreg [dreg:$0x0]  }
0x2: {  	s2 =	rddreg [dreg:$0x1];
	s5 =	sand.u32 $0x1, s0  }
0x3: {  	s0 =	stileid.u32;
	s4 =	smul.u32 $0x27800, s5  }
0x4: {  	s1 =	rddreg [dreg:$0x2];
	s7 =	smul.u32 $0x2780, s0  }
0x5: {  	s3 =	simm.s32 $0x0;
	s12 =	simm.s32 $0x80;
	s26 =	smul.u32 $0x2800, s0  }
0x6: {  	s13 =	simm.s32 $0x0;
	[smem:$0x7FF] =	sst s3;
	s8 =	smul.u32 $0x28000, s5  }
0x7: {  	_ =	strace $0x80000047;
	s28 =	ssub.s32 $0x2, s5;
	s10 =	smul.u32 $0x50000, s0  }
0x8: {  	s5 =	sadd.s32 $0xEA00, s6;
	s31 =	sshll.u32 s0, $0x6;
	s29 =	sshrl.u32 s28, $0x1  }
0x9: {  	s4 =	sadd.s32 s7, s4;
	s7 =	sadd.s32 s26, s8;
	s8 =	ssub.s32 s28, s29  }
0xa: {  	s30 =	sshrl.u32 s10, $0x2;
	s4 =	sshrl.u32 s4, $0x3;
	s7 =	sadd.s32 s7, s6  }
0xb: {  	s11 =	sadd.s32 s30, s2;
	s8 =	smax.u32 s8, $0x1;
	s9 =	sadd.s32 s4, s6  }
0xc: {  	s4 =	sadd.s32 $0x11200, s6;
	s6 =	sor.u32 $0x1C01, s31;
	s7 =	sadd.s32 $0x11A00, s7  }
0xd: {  	s10 =	sshrl.u32 s11, $0x3;
	s11 =	simm.s32 $0x1;
	s9 =	sadd.s32 $0x4C00, s9  }
.LBB2_1:
0xe: {  	[spmem:s10], [sflag:s6] =	dma.local [hbm:s5], $0x2800  }
0xf: {  	_ =	swait.ge [sflag:s11], $0x2800  }
0x10: {  	[sflag:s11] =	ssyncset.done $0x0  }
0x11: {  	[sflag:s11] =	ssyncadd.s32 $0xFFFFD800  }
0x12: {  	[tilespmem:s12], [sflag:$0x1] =	stream.linear.gather [hbm4b:s4+s3], $0x4000, $0x38;
	[tilespmem:$0x6880] =	vst v63  }
0x13: {  	_ =	swait.ge [sflag:s11], $0x4000  }
0x14: {  	[sflag:s11] =	ssyncset.done $0x0  }
0x15: {  	[sflag:s11] =	ssyncadd.s32 $0xFFFFC000  }
0x16: {  	s14 =	sadd.s32 $0x0, s9;
	[bflag:$0x0] =	sbarrier.arrive $0xFFFF  }
0x17: {  	[tilespmem:s3], [sflag:$0x1] =	stream.linear.gather [hbm4b:s14+s3], $0x80, $0x38;
	[tilespmem:$0x6880] =	vst v63  }
0x18: {  	_ =	swait.ge [sflag:s11], $0x80  }
0x19: {  	[sflag:s11] =	ssyncset.done $0x0  }
0x1a: {  	[sflag:s11] =	ssyncadd.s32 $0xFFFFFF80  }
0x1b: {  	[spmem:s2] =	stream.indirect.scatter.add.f32 [tilespmem:s12], [sflag:$0x1], $0x10, s3, s12, $0xb8;
	[tilespmem:$0x6880] =	vst v63  }
0x1c: {  	_ =	swait.ge [sflag:s11], $0x800  }
0x1d: {  	s15 =	simm.s32 $0x20;
	s14 =	simm.s32 $0x10;
	[sflag:s11] =	ssyncset.done $0x0  }
.LBB2_2:
0x1e: {  	s16 =	sadd.s32 s14, s9  }
0x1f: {  	[sflag:s11] =	ssyncadd.s32 $0xFFFFF800;
	s14 =	smov.u32 s15;
	s17 =	sadd.s32 $0x10, s15  }
0x20: {  	[tilespmem:s3], [sflag:$0x1] =	stream.linear.gather [hbm4b:s16+s3], $0x80, $0x38;
	[tilespmem:$0x6880] =	vst v63  }
0x21: {  	p0 =	sne.s32 s15, $0x4E0;
	_ =	swait.ge [sflag:s11], $0x80  }
.Ltmp0:
0x22: {  	[sflag:s11] =	ssyncset.done $0x0;
	(pc) =	sbr.rel @p0 .LBB2_2-.Ltmp0, $4  }
0x23: {  	[sflag:s11] =	ssyncadd.s32 $0xFFFFFF80  }
0x24: {  	[spmem:s2] =	stream.indirect.scatter.add.f32 [tilespmem:s12], [sflag:$0x1], $0x10, s3, s12, $0xb8;
	[tilespmem:$0x6880] =	vst v63  }
0x25: {  	_ =	swait.ge [sflag:s11], $0x800  }
0x26: {  	s15 =	smov.u32 s17;
	[sflag:s11] =	ssyncset.done $0x0  }
0x27: {  	s14 =	sadd.s32 s14, s9;
	[sflag:s11] =	ssyncadd.s32 $0xFFFFF800  }
0x28: {  	[tilespmem:s3], [sflag:$0x1] =	stream.linear.gather [hbm4b:s14+s3], $0x80, $0x38;
	[tilespmem:$0x6880] =	vst v63  }
0x29: {  	_ =	swait.ge [sflag:s11], $0x80  }
0x2a: {  	[sflag:s11] =	ssyncset.done $0x0  }
0x2b: {  	[sflag:s11] =	ssyncadd.s32 $0xFFFFFF80  }
0x2c: {  	[spmem:s2] =	stream.indirect.scatter.add.f32 [tilespmem:s12], [sflag:$0x1], $0x10, s3, s12, $0xb8;
	[tilespmem:$0x6880] =	vst v63  }
0x2d: {  	_ =	swait.ge [sflag:s11], $0x800  }
0x2e: {  	[sflag:s11] =	ssyncset.done $0x0  }
0x2f: {  	s13 =	sadd.s32 $0x1, s13;
	[sflag:s11] =	ssyncadd.s32 $0xFFFFF800  }
0x30: {  	p0 =	sne.s32 s13, s8;
	[bflag:$0x0] =	sbarrier.arrive $0xFFFF  }
0x31: {  	[hbm:s7], [sflag:s6] =	dma.local [spmem:s10], $0x2800  }
.Ltmp1:
0x32: {  	_ =	swait.ge [sflag:s11], $0x2800;
	(pc) =	sbr.rel @p0 .LBB2_1-.Ltmp1, $3  }
0x33: {  	[sflag:s11] =	ssyncset.done $0x0  }
0x34: {  	[sflag:s11] =	ssyncadd.s32 $0xFFFFD800  }
0x35: {  	[bflag:$0x0] =	sbarrier.arrive $0xFFFF;
	_ =	sdelay $0x1  }
0x36: {  	_ =	sfence.sel $0x180000  }
0x37: {  	[bflag:$0x0] =	sbarrier.arrive $0xFFFF  }
0x38: {  	p0 =	sne.s32 s0, $0x0;
	_ =	strace $0x90000047  }
0x39: {  	s0 =	sadd.s32 @!p0 $0x100000, s1;
	[bflag:$0x2] =	sbarrier.arrive $0xFFFF  }
0x3a: {  	[sflag:s0] =	ssyncadd.tile.s32 @!p0 $0x1;
	_ =	shalt  }
.Lfunc_end2:
_tile_overlayer_lowered:
.L_overlay_start_2:
0x3b: {  	(tag) =	ssettag $0x2  }
0x3c: {  	s0 =	rddreg [dreg:$0x0];
	s2 =	stileid.u32  }
0x3d: {  	s1 =	rddreg [dreg:$0x1];
	p0 =	sne.s32 s2, $0x0  }
0x3e: {  	s3 =	rddreg [dreg:$0x2];
	[bflag:$0x3] =	sbarrier.arrive $0xFFFF;
	s2 =	simm.s32 @!p0 $0x1C01  }
0x3f: {  	[timem:s3], [sflag:s2] =	dma.local @!p0 [hbm:s0], s1  }
0x40: {  	s0 =	simm.s32 @!p0 $0x1  }
0x41: {  	_ =	swait.ge @!p0 [sflag:s0], s1  }
0x42: {  	s1 =	ssub.s32 @!p0 $0x0, s1;
	[sflag:s0] =	ssyncset.done @!p0 $0x0  }
0x43: {  	[sflag:s0] =	ssyncadd.s32 @!p0 s1  }
0x44: {  	[bflag:$0x3] =	sbarrier.arrive $0xFFFF  }
0x45: {  	_ =	shalt  }

// kernel: kernel.19.cloned.1.call-start
scs
__scs_entry_jumppad:
0x0: {  	(pc) =	sbr.rel $0x88, $3  }
0x1: {  	(tag) =	ssettag $0x0;
	lr =	simm.s32 $0x1  }
0x2: {  	[smem:$0x3F97] =	sst lr;
	_ =	strace $0xD0000000  }
0x3: {  	_ = 	snop  }
0x4: {  	_ = 	snop  }
0x5: {  	_ = 	snop  }
0x6: {  	_ = 	snop  }
0x7: {  	_ = 	snop  }
__scs_overlays_trampoline_lowered:
0x8: {  	[smem:$0x3FA6] =	sst s0  }
0x9: {  	[smem:$0x3FA7] =	sst s1  }
0xa: {  	[smem:$0x3FA8] =	sst s2  }
0xb: {  	[smem:$0x3FA9] =	sst s3  }
0xc: {  	[smem:$0x3FAA] =	sst s4  }
0xd: {  	[smem:$0x3FAB] =	sst s5  }
0xe: {  	[smem:$0x3FAC] =	sst s6  }
0xf: {  	[smem:$0x3FAD] =	sst s7  }
0x10: {  	[smem:$0x3FAE] =	sst s8  }
0x11: {  	[smem:$0x3FAF] =	sst s9;
	s0 =	simm.s32 @!p0 $0x0  }
0x12: {  	s1 =	sld [smem:$0x3F95];
	s0 =	simm.s32 @p0 $0x1  }
0x13: {  	[smem:$0x3FB0] =	sst s0;
	s0 =	simm.s32 @!p1 $0x0  }
0x14: {  	s2 =	sld [smem:$0x3F94];
	s0 =	simm.s32 @p1 $0x1  }
0x15: {  	[smem:$0x3FB1] =	sst s0;
	s0 =	simm.s32 @!p2 $0x0  }
0x16: {  	s3 =	sld [smem:$0x3FDB];
	s0 =	simm.s32 @p2 $0x1  }
0x17: {  	s4 =	simm.s32 $0x1BF5;
	[smem:$0x3FB3] =	sst s0  }
0x18: {  	s0 =	sld [smem:$0x3F96];
	_ =	swait.ge [sflag:s4], $0x0  }
0x19: {  	s7 =	sld [smem:$0x3F97]  }
0x1a: {  	s8 =	sadd.s32 $0xFFFFE003, lr  }
0x1b: {  	s9 =	sadd.s32 $0xFFFFFEF7, lr;
	s5 =	simm.s32 $0xFFFFFFFF;
	p2 =	slt.u32 s8, $0xFFFFF086  }
0x1c: {  	p1 =	slt.u32 s9, $0xF7A;
	s5 =	simm.s32 @!p2 $0x0  }
0x1d: {  	s5 =	simm.s32 @p1 $0x1;
	p0 =	seq.s32 s7, s2  }
0x1e: {  	s7 =	smul.u32 @!p0 $0xF7A, s2;
	p2 =	seq.s32 @!p0 s5, $0x0  }
0x1f: {  	s9 =	smul.u32 $0xF7A, s1;
	s8 =	simm.s32 @!p0 $0x1BF5;
	p2 =	por !p2, p0  }
0x20: {  	[sflag:s8] =	ssyncset.s32 @!p0 $0xFFFFF086;
	s6 =	sadd.s32 @!p0 s3, s7;
	s7 =	simm.s32 @!p0 $0x108  }
0x21: {  	s3 =	sadd.s32 s3, s9;
	s6 =	sadd.s32 @!p0 $0x88, s6;
	s7 =	simm.s32 @p2 $0x1082  }
0x22: {  	[simem:s7], [sflag:s8] =	dma.local @!p0 [hbm:s6], $0xF7A  }
0x23: {  	s9 =	sor.u32 $0xD0000000, s2;
	s6 =	simm.s32 $0x108;
	_ =	swait.ge @!p0 [sflag:s8], $0x0  }
0x24: {  	s3 =	sadd.s32 $0x88, s3;
	s6 =	simm.s32 @!p1 $0x1082;
	[sflag:s4] =	ssyncset.s32 $0xFFFFF086  }
0x25: {  	[simem:s6], [sflag:s4] =	dma.local [hbm:s3], $0xF7A  }
0x26: {  	[smem:$0x3F97] =	sst s1;
	(tag) =	ssettag s2;
	_ =	strace s9  }
0x27: {  	s1 =	sld [smem:$0x3FA7]  }
0x28: {  	s2 =	sld [smem:$0x3FA8]  }
0x29: {  	s4 =	sld [smem:$0x3FAA]  }
0x2a: {  	p0 =	seq.s32 s5, $0x0;
	s5 =	sld [smem:$0x3FAB]  }
0x2b: {  	s6 =	sld [smem:$0x3FAC]  }
0x2c: {  	s7 =	sld [smem:$0x3FAD]  }
0x2d: {  	s3 =	simm.s32 $0x108;
	s8 =	sld [smem:$0x3FAE]  }
0x2e: {  	s3 =	simm.s32 @!p0 $0x1082;
	s9 =	sld [smem:$0x3FAF]  }
0x2f: {  	lr =	sadd.s32 s0, s3;
	s0 =	sld [smem:$0x3FA6]  }
0x30: {  	s3 =	sld [smem:$0x3FA9]  }
0x31: {  	[smem:$0x3FB2] =	sst s10  }
0x32: {  	s10 =	sld [smem:$0x3FB0];
	_ =	sdelay $0x3  }
0x33: {  	p0 =	seq.s32 s10, $0x1;
	s10 =	sld [smem:$0x3FB2];
	_ =	sdelay $0x3  }
0x34: {  	[smem:$0x3FB2] =	sst s10  }
0x35: {  	s10 =	sld [smem:$0x3FB1];
	_ =	sdelay $0x3  }
0x36: {  	p1 =	seq.s32 s10, $0x1;
	s10 =	sld [smem:$0x3FB2];
	_ =	sdelay $0x3  }
0x37: {  	[smem:$0x3FB2] =	sst s10  }
0x38: {  	s10 =	sld [smem:$0x3FB3]  }
0x39: {  	_ = 	snop;
	(pc) =	sbr.ind lr, $3  }
0x3a: {  	_ = 	snop  }
0x3b: {  	_ = 	snop  }
0x3c: {  	p2 =	seq.s32 s10, $0x1;
	s10 =	sld [smem:$0x3FB2]  }
0x3d: {  	_ =	shalt  }
0x3e: {  	_ =	shalt  }
0x3f: {  	_ =	shalt  }
0x40: {  	_ =	shalt  }
0x41: {  	_ =	shalt  }
0x42: {  	_ =	shalt  }
0x43: {  	_ =	shalt  }
0x44: {  	_ =	shalt  }
0x45: {  	_ =	shalt  }
0x46: {  	_ =	shalt  }
0x47: {  	_ =	shalt  }
0x48: {  	_ =	shalt  }
0x49: {  	_ =	shalt  }
0x4a: {  	_ =	shalt  }
0x4b: {  	_ =	shalt  }
0x4c: {  	_ =	shalt  }
0x4d: {  	_ =	shalt  }
0x4e: {  	_ =	shalt  }
0x4f: {  	_ =	shalt  }
0x50: {  	_ =	shalt  }
0x51: {  	_ =	shalt  }
0x52: {  	_ =	shalt  }
0x53: {  	_ =	shalt  }
0x54: {  	_ =	shalt  }
0x55: {  	_ =	shalt  }
0x56: {  	_ =	shalt  }
0x57: {  	_ =	shalt  }
0x58: {  	_ =	shalt  }
0x59: {  	_ =	shalt  }
0x5a: {  	_ =	shalt  }
0x5b: {  	_ =	shalt  }
0x5c: {  	_ =	shalt  }
0x5d: {  	_ =	shalt  }
0x5e: {  	_ =	shalt  }
0x5f: {  	_ =	shalt  }
0x60: {  	_ =	shalt  }
0x61: {  	_ =	shalt  }
0x62: {  	_ =	shalt  }
0x63: {  	_ =	shalt  }
0x64: {  	_ =	shalt  }
0x65: {  	_ =	shalt  }
0x66: {  	_ =	shalt  }
0x67: {  	_ =	shalt  }
0x68: {  	_ =	shalt  }
0x69: {  	_ =	shalt  }
0x6a: {  	_ =	shalt  }
0x6b: {  	_ =	shalt  }
0x6c: {  	_ =	shalt  }
0x6d: {  	_ =	shalt  }
0x6e: {  	_ =	shalt  }
0x6f: {  	_ =	shalt  }
0x70: {  	_ =	shalt  }
0x71: {  	_ =	shalt  }
0x72: {  	_ =	shalt  }
0x73: {  	_ =	shalt  }
0x74: {  	_ =	shalt  }
0x75: {  	_ =	shalt  }
0x76: {  	_ =	shalt  }
0x77: {  	_ =	shalt  }
0x78: {  	_ =	shalt  }
0x79: {  	_ =	shalt  }
0x7a: {  	_ =	shalt  }
0x7b: {  	_ =	shalt  }
0x7c: {  	_ =	shalt  }
0x7d: {  	_ =	shalt  }
0x7e: {  	_ =	shalt  }
0x7f: {  	_ =	shalt  }
0x80: {  	_ =	shalt  }
0x81: {  	_ =	shalt  }
0x82: {  	_ =	shalt  }
0x83: {  	_ =	shalt  }
0x84: {  	_ =	shalt  }
0x85: {  	_ =	shalt  }
0x86: {  	_ =	shalt  }
0x87: {  	_ =	shalt  }
.Lfunc_end0:
.L_simem_size_0:
called_computation.1_lowered:
.L_overlay_start_0:
0x88: {  	s2 =	sld [smem:$0x3FD9]  }
0x89: {  	s3 =	sld [smem:$0x3FFE];
	_ =	sdelay $0x1  }
0x8a: {  	s1 =	srdreg.scid  }
0x8b: {  	s0 =	sand.u32 $0x1, s1  }
0x8c: {  	s16 =	sshll.u32 s0, $0xA;
	s2 =	sadd.s32 s3, s2  }
0x8d: {  	s2 =	sadd.s32 s2, s16  }
0x8e: {  	[smem:$0x3FBE] =	sst s2  }
0x8f: {  	_ = 	snop  }
0x90: {  	(tm) =	ssettm $0x1  }
0x91: {  	s17 =	sld [smem:$0x3FFB];
	_ =	sdelay $0x3  }
0x92: {  	_ =	strace s17  }
0x93: {  	s2 =	sld [smem:$0x3FFC];
	_ =	sdelay $0x3  }
0x94: {  	_ =	strace s2  }
0x95: {  	s2 =	sld [smem:$0x3FFD];
	_ =	sdelay $0x3  }
0x96: {  	_ =	strace s2  }
0x97: {  	_ =	strace $0x8FFFFFFF  }
0x98: {  	s18 =	sld [smem:$0x3FDB];
	_ =	sdelay $0x1  }
0x99: {  	s19 =	simm.s32 $_scs_section_size  }
0x9a: {  	s4 =	simm.s32 $_size__tile_overlayer_lowered;
	s5 =	simm.s32 $_tile_overlayer_lowered  }
0x9b: {  	s22 =	simm.s32 $0x1BFF;
	s21 =	sshll.u32 s5, $0x1;
	s2 =	sadd.s32 s19, s18  }
0x9c: {  	s6 =	simm.s32 $0x0;
	s20 =	sshll.u32 s4, $0x1;
	s4 =	sadd.s32 s21, s2  }
0x9d: {  	[timem:s6], [sflag:s22] =	dma.local [hbm:s4], s20  }
0x9e: {  	_ =	swait.ge [sflag:s22], s20  }
0x9f: {  	s3 =	ssub.s32 $0x0, s20;
	[sflag:s22] =	ssyncset.done $0x0  }
0xa0: {  	[sflag:s22] =	ssyncadd.s32 s3;
	_ =	sdelay $0x1  }
0xa1: {  	s23 =	simm.s32 $0x1B8B  }
0xa2: {  	_ =	swait.ge [sflag:s23], $0x1  }
0xa3: {  	[sflag:s23] =	ssyncset.done $0x0  }
0xa4: {  	s25 =	simm.s32 $0x1B8E;
	s24 =	sld [smem:$0x3FFE];
	[sflag:s23] =	ssyncadd.s32 $0xFFFFFFFF  }
0xa5: {  	s26 =	simm.s32 $execute0_lowered;
	[smem:$0x3FD2] =	sst s25  }
0xa6: {  	s4 =	sshll.u32 s26, $0x1;
	_ =	strace $0x80000049;
	[dreg:$0x1] =	wrdreg $0xFFFFFFFF  }
0xa7: {  	s28 =	simm.s32 $_size_execute0_lowered;
	s2 =	sadd.s32 s2, s4;
	[dreg:$0x0] =	wrdreg $0x0  }
0xa8: {  	s4 =	sshll.u32 s28, $0x1;
	[dreg:$0x2] =	wrdreg s2  }
0xa9: {  	[dreg:$0x3] =	wrdreg s4  }
0xaa: {  	[dreg:$0x4] =	wrdreg $0xC0  }
0xab: {  	_ =	task [dreg:s6], $0x5FFFF  }
0xac: {  	[dreg:$0x1] =	wrdreg $0xFFFFFFFF  }
0xad: {  	[dreg:$0x0] =	wrdreg $0x60  }
0xae: {  	[dreg:$0x2] =	wrdreg s24  }
0xaf: {  	[dreg:$0x3] =	wrdreg $0x41000  }
0xb0: {  	[dreg:$0x4] =	wrdreg $0x9  }
0xb1: {  	_ =	task.clear_ibuf [dreg:s6], $0x5FFFF;
	_ =	strace $0x90000049  }
0xb2: {  	s29 =	simm.s32 $0x9;
	_ =	strace $0x8000004B  }
0xb3: {  	_ =	swait.ge [sflag:s29], $0x1  }
0xb4: {  	[sflag:s29] =	ssyncadd.s32 $0xFFFFFFFF  }
0xb5: {  	_ =	strace $0x9000004B  }
0xb6: {  	_ =	sfence  }
0xb7: {  	s30 =	sld [smem:$0x0];
	_ =	sdelay $0x2  }
0xb8: {  	s31 =	sshll.u32 s1, $0xD;
	s1 =	sshrl.u32 s1, $0x2  }
0xb9: {  	s3 =	sand.u32 $0x4000, s31;
	s1 =	sadd.s32 s1, s30  }
0xba: {  	s0 =	sor.u32 s3, s0;
	s1 =	sshll.u32 s1, $0x11  }
0xbb: {  	s0 =	sor.u32 s1, s0  }
0xbc: {  	s0 =	sadd.s32 $0x8F2B, s0  }
0xbd: {  	[sflag:s0] =	ssyncadd.remote.s32 $0x1  }
0xbe: {  	_ =	sfence.sel $0xFFFF  }
0xbf: {  	[dreg:$0x0] =	wrdreg $0xFFFFFFFF;
	(pc) =	sbr.abs _section_cstart, $3  }
0xc0: {  	[dreg:$0x1] =	wrdreg $0xFFFFFFFF  }
0xc1: {  	_ =	task.clear_ibuf [dreg:s6], $0x2FFFF;
	_ =	strace $0x9FFFFFFF  }
0xc2: {  	(tm) =	ssettm $0x7FFFFFFF  }
0xc3: {  	_ =	shalt  }
tec
execute0_lowered:
.L_overlay_start_1:
0x0: {  	(tag) =	ssettag $0x1  }
0x1: {  	s6 =	rddreg [dreg:$0x0]  }
0x2: {  	s0 =	srdreg.scid;
	s2 =	rddreg [dreg:$0x1]  }
0x3: {  	s1 =	rddreg [dreg:$0x2];
	s5 =	sand.u32 $0x1, s0  }
0x4: {  	s3 =	simm.s32 $0x0;
	s0 =	stileid.u32;
	s4 =	smul.u32 $0x27800, s5  }
0x5: {  	s12 =	simm.s32 $0x2;
	s13 =	simm.s32 $0x80;
	s7 =	smul.u32 $0x2780, s0  }
0x6: {  	s14 =	simm.s32 $0x100;
	s15 =	simm.s32 $0x1;
	s26 =	smul.u32 $0x2800, s0  }
0x7: {  	s16 =	simm.s32 $0x0;
	[smem:$0x7FF] =	sst s3;
	s8 =	smul.u32 $0x28000, s5  }
0x8: {  	_ =	strace $0x8000004A;
	s28 =	ssub.s32 $0x2, s5;
	s9 =	smul.u32 $0x50000, s0  }
0x9: {  	s5 =	sadd.s32 $0x36A00, s6;
	s31 =	sshll.u32 s0, $0x6;
	s29 =	sshrl.u32 s28, $0x1  }
0xa: {  	s4 =	sadd.s32 s7, s4;
	s7 =	sadd.s32 s26, s8;
	s8 =	ssub.s32 s28, s29  }
0xb: {  	s30 =	sshrl.u32 s9, $0x2;
	s4 =	sshrl.u32 s4, $0x3;
	s7 =	sadd.s32 s7, s6  }
0xc: {  	s11 =	sadd.s32 s30, s2;
	s8 =	smax.u32 s8, $0x1;
	s10 =	sadd.s32 s4, s6  }
0xd: {  	s4 =	sadd.s32 $0xEA00, s6;
	s6 =	sor.u32 $0x1C02, s31;
	s7 =	sadd.s32 $0x6B800, s7  }
0xe: {  	s11 =	sshrl.u32 s11, $0x3;
	s9 =	sadd.s32 $0x4C00, s10;
	s10 =	sadd.s32 $0x61A00, s10  }
.LBB2_1:
0xf: {  	[spmem:s11], [sflag:s6] =	dma.local [hbm:s5], $0x2800  }
0x10: {  	_ =	swait.ge [sflag:s12], $0x2800  }
0x11: {  	[sflag:s12] =	ssyncset.done $0x0  }
0x12: {  	[sflag:s12] =	ssyncadd.s32 $0xFFFFD800  }
0x13: {  	s17 =	sadd.s32 $0x0, s10;
	[bflag:$0x0] =	sbarrier.arrive $0xFFFF  }
0x14: {  	[tilespmem:s3], [sflag:$0x2] =	stream.linear.gather [hbm4b:s17+s3], $0x80, $0x38;
	[tilespmem:$0x18100] =	vst v63  }
0x15: {  	_ =	swait.ge [sflag:s12], $0x80  }
0x16: {  	[sflag:s12] =	ssyncset.done $0x0  }
0x17: {  	s31 =	sadd.s32 $0x0, s9;
	[sflag:s12] =	ssyncadd.s32 $0xFFFFFF80  }
0x18: {  	[tilespmem:s13], [sflag:$0x2] =	stream.linear.gather [hbm4b:s31+s3], $0x80, $0x38;
	[tilespmem:$0x18100] =	vst v63  }
0x19: {  	_ =	swait.ge [sflag:s12], $0x80  }
0x1a: {  	[sflag:s12] =	ssyncset.done $0x0  }
0x1b: {  	[sflag:s12] =	ssyncadd.s32 $0xFFFFFF80  }
0x1c: {  	[tilespmem:s14], [sflag:$0x1] =	stream.indirect.gather [hbm4b:s4+s13], $0x80, s3, s13, $0xb8;
	[tilespmem:$0x18100] =	vst v63  }
0x1d: {  	_ =	swait.ge [sflag:s15], $0x4000  }
0x1e: {  	[sflag:s15] =	ssyncset.done $0x0  }
0x1f: {  	[sflag:s15] =	ssyncadd.s32 $0xFFFFC000  }
0x20: {  	[spmem:s2] =	stream.indirect.scatter.add.f32 [tilespmem:s14], [sflag:$0x2], $0x80, s13, s13, $0xb8;
	[tilespmem:$0x18100] =	vst v63  }
0x21: {  	_ =	swait.ge [sflag:s12], $0x4000  }
0x22: {  	s18 =	simm.s32 $0x20;
	s17 =	simm.s32 $0x10;
	[sflag:s12] =	ssyncset.done $0x0  }
.LBB2_2:
0x23: {  	s19 =	sadd.s32 s17, s10  }
0x24: {  	[sflag:s12] =	ssyncadd.s32 $0xFFFFC000;
	s20 =	smov.u32 s18;
	s21 =	sadd.s32 $0x10, s18  }
0x25: {  	[tilespmem:s3], [sflag:$0x2] =	stream.linear.gather [hbm4b:s19+s3], $0x80, $0x38;
	[tilespmem:$0x18100] =	vst v63  }
0x26: {  	p0 =	sne.s32 s18, $0x4E0;
	_ =	swait.ge [sflag:s12], $0x80  }
0x27: {  	[sflag:s12] =	ssyncset.done $0x0  }
0x28: {  	s18 =	sadd.s32 s17, s9;
	s17 =	smov.u32 s20;
	[sflag:s12] =	ssyncadd.s32 $0xFFFFFF80  }
0x29: {  	[tilespmem:s13], [sflag:$0x2] =	stream.linear.gather [hbm4b:s18+s3], $0x80, $0x38;
	[tilespmem:$0x18100] =	vst v63  }
0x2a: {  	_ =	swait.ge [sflag:s12], $0x80  }
0x2b: {  	[sflag:s12] =	ssyncset.done $0x0  }
0x2c: {  	[sflag:s12] =	ssyncadd.s32 $0xFFFFFF80  }
0x2d: {  	[tilespmem:s14], [sflag:$0x1] =	stream.indirect.gather [hbm4b:s4+s13], $0x80, s3, s13, $0xb8;
	[tilespmem:$0x18100] =	vst v63  }
0x2e: {  	_ =	swait.ge [sflag:s15], $0x4000  }
.Ltmp0:
0x2f: {  	[sflag:s15] =	ssyncset.done $0x0;
	(pc) =	sbr.rel @p0 .LBB2_2-.Ltmp0, $4  }
0x30: {  	[sflag:s15] =	ssyncadd.s32 $0xFFFFC000  }
0x31: {  	[spmem:s2] =	stream.indirect.scatter.add.f32 [tilespmem:s14], [sflag:$0x2], $0x80, s13, s13, $0xb8;
	[tilespmem:$0x18100] =	vst v63  }
0x32: {  	_ =	swait.ge [sflag:s12], $0x4000  }
0x33: {  	s18 =	smov.u32 s21;
	[sflag:s12] =	ssyncset.done $0x0  }
0x34: {  	s18 =	sadd.s32 s17, s10;
	[sflag:s12] =	ssyncadd.s32 $0xFFFFC000  }
0x35: {  	[tilespmem:s3], [sflag:$0x2] =	stream.linear.gather [hbm4b:s18+s3], $0x80, $0x38;
	[tilespmem:$0x18100] =	vst v63  }
0x36: {  	_ =	swait.ge [sflag:s12], $0x80  }
0x37: {  	[sflag:s12] =	ssyncset.done $0x0  }
0x38: {  	s31 =	sadd.s32 s17, s9;
	[sflag:s12] =	ssyncadd.s32 $0xFFFFFF80  }
0x39: {  	[tilespmem:s13], [sflag:$0x2] =	stream.linear.gather [hbm4b:s31+s3], $0x80, $0x38;
	[tilespmem:$0x18100] =	vst v63  }
0x3a: {  	_ =	swait.ge [sflag:s12], $0x80  }
0x3b: {  	[sflag:s12] =	ssyncset.done $0x0  }
0x3c: {  	[sflag:s12] =	ssyncadd.s32 $0xFFFFFF80  }
0x3d: {  	[tilespmem:s14], [sflag:$0x1] =	stream.indirect.gather [hbm4b:s4+s13], $0x80, s3, s13, $0xb8;
	[tilespmem:$0x18100] =	vst v63  }
0x3e: {  	_ =	swait.ge [sflag:s15], $0x4000  }
0x3f: {  	[sflag:s15] =	ssyncset.done $0x0  }
0x40: {  	[sflag:s15] =	ssyncadd.s32 $0xFFFFC000  }
0x41: {  	[spmem:s2] =	stream.indirect.scatter.add.f32 [tilespmem:s14], [sflag:$0x2], $0x80, s13, s13, $0xb8;
	[tilespmem:$0x18100] =	vst v63  }
0x42: {  	_ =	swait.ge [sflag:s12], $0x4000  }
0x43: {  	[sflag:s12] =	ssyncset.done $0x0  }
0x44: {  	s16 =	sadd.s32 $0x1, s16;
	[sflag:s12] =	ssyncadd.s32 $0xFFFFC000  }
0x45: {  	p0 =	sne.s32 s16, s8;
	[bflag:$0x0] =	sbarrier.arrive $0xFFFF  }
0x46: {  	[hbm:s7], [sflag:s6] =	dma.local [spmem:s11], $0x2800  }
.Ltmp1:
0x47: {  	_ =	swait.ge [sflag:s12], $0x2800;
	(pc) =	sbr.rel @p0 .LBB2_1-.Ltmp1, $3  }
0x48: {  	[sflag:s12] =	ssyncset.done $0x0  }
0x49: {  	[sflag:s12] =	ssyncadd.s32 $0xFFFFD800  }
0x4a: {  	[bflag:$0x0] =	sbarrier.arrive $0xFFFF;
	_ =	sdelay $0x1  }
0x4b: {  	_ =	sfence.sel $0x180000  }
0x4c: {  	[bflag:$0x0] =	sbarrier.arrive $0xFFFF  }
0x4d: {  	p0 =	sne.s32 s0, $0x0;
	_ =	strace $0x9000004A  }
0x4e: {  	s0 =	sadd.s32 @!p0 $0x100000, s1;
	[bflag:$0x2] =	sbarrier.arrive $0xFFFF  }
0x4f: {  	[sflag:s0] =	ssyncadd.tile.s32 @!p0 $0x1;
	_ =	shalt  }
.Lfunc_end2:
_tile_overlayer_lowered:
.L_overlay_start_2:
0x50: {  	(tag) =	ssettag $0x2  }
0x51: {  	s0 =	rddreg [dreg:$0x0];
	s2 =	stileid.u32  }
0x52: {  	s1 =	rddreg [dreg:$0x1];
	p0 =	sne.s32 s2, $0x0  }
0x53: {  	s3 =	rddreg [dreg:$0x2];
	[bflag:$0x3] =	sbarrier.arrive $0xFFFF;
	s2 =	simm.s32 @!p0 $0x1C02  }
0x54: {  	[timem:s3], [sflag:s2] =	dma.local @!p0 [hbm:s0], s1  }
0x55: {  	s0 =	simm.s32 @!p0 $0x2  }
0x56: {  	_ =	swait.ge @!p0 [sflag:s0], s1  }
0x57: {  	s1 =	ssub.s32 @!p0 $0x0, s1;
	[sflag:s0] =	ssyncset.done @!p0 $0x0  }
0x58: {  	[sflag:s0] =	ssyncadd.s32 @!p0 s1  }
0x59: {  	[bflag:$0x3] =	sbarrier.arrive $0xFFFF  }
0x5a: {  	_ =	shalt  }

// kernel: kernel.22.cloned.1.call-start
scs
__scs_entry_jumppad:
0x0: {  	(pc) =	sbr.rel $0x88, $3  }
0x1: {  	(tag) =	ssettag $0x0;
	lr =	simm.s32 $0x1  }
0x2: {  	[smem:$0x3F97] =	sst lr;
	_ =	strace $0xD0000000  }
0x3: {  	_ = 	snop  }
0x4: {  	_ = 	snop  }
0x5: {  	_ = 	snop  }
0x6: {  	_ = 	snop  }
0x7: {  	_ = 	snop  }
__scs_overlays_trampoline_lowered:
0x8: {  	[smem:$0x3FA6] =	sst s0  }
0x9: {  	[smem:$0x3FA7] =	sst s1  }
0xa: {  	[smem:$0x3FA8] =	sst s2  }
0xb: {  	[smem:$0x3FA9] =	sst s3  }
0xc: {  	[smem:$0x3FAA] =	sst s4  }
0xd: {  	[smem:$0x3FAB] =	sst s5  }
0xe: {  	[smem:$0x3FAC] =	sst s6  }
0xf: {  	[smem:$0x3FAD] =	sst s7  }
0x10: {  	[smem:$0x3FAE] =	sst s8  }
0x11: {  	[smem:$0x3FAF] =	sst s9;
	s0 =	simm.s32 @!p0 $0x0  }
0x12: {  	s1 =	sld [smem:$0x3F95];
	s0 =	simm.s32 @p0 $0x1  }
0x13: {  	[smem:$0x3FB0] =	sst s0;
	s0 =	simm.s32 @!p1 $0x0  }
0x14: {  	s2 =	sld [smem:$0x3F94];
	s0 =	simm.s32 @p1 $0x1  }
0x15: {  	[smem:$0x3FB1] =	sst s0;
	s0 =	simm.s32 @!p2 $0x0  }
0x16: {  	s3 =	sld [smem:$0x3FDB];
	s0 =	simm.s32 @p2 $0x1  }
0x17: {  	s4 =	simm.s32 $0x1BF5;
	[smem:$0x3FB3] =	sst s0  }
0x18: {  	s0 =	sld [smem:$0x3F96];
	_ =	swait.ge [sflag:s4], $0x0  }
0x19: {  	s7 =	sld [smem:$0x3F97]  }
0x1a: {  	s8 =	sadd.s32 $0xFFFFE003, lr  }
0x1b: {  	s9 =	sadd.s32 $0xFFFFFEF7, lr;
	s5 =	simm.s32 $0xFFFFFFFF;
	p2 =	slt.u32 s8, $0xFFFFF086  }
0x1c: {  	p1 =	slt.u32 s9, $0xF7A;
	s5 =	simm.s32 @!p2 $0x0  }
0x1d: {  	s5 =	simm.s32 @p1 $0x1;
	p0 =	seq.s32 s7, s2  }
0x1e: {  	s7 =	smul.u32 @!p0 $0xF7A, s2;
	p2 =	seq.s32 @!p0 s5, $0x0  }
0x1f: {  	s9 =	smul.u32 $0xF7A, s1;
	s8 =	simm.s32 @!p0 $0x1BF5;
	p2 =	por !p2, p0  }
0x20: {  	[sflag:s8] =	ssyncset.s32 @!p0 $0xFFFFF086;
	s6 =	sadd.s32 @!p0 s3, s7;
	s7 =	simm.s32 @!p0 $0x108  }
0x21: {  	s3 =	sadd.s32 s3, s9;
	s6 =	sadd.s32 @!p0 $0x88, s6;
	s7 =	simm.s32 @p2 $0x1082  }
0x22: {  	[simem:s7], [sflag:s8] =	dma.local @!p0 [hbm:s6], $0xF7A  }
0x23: {  	s9 =	sor.u32 $0xD0000000, s2;
	s6 =	simm.s32 $0x108;
	_ =	swait.ge @!p0 [sflag:s8], $0x0  }
0x24: {  	s3 =	sadd.s32 $0x88, s3;
	s6 =	simm.s32 @!p1 $0x1082;
	[sflag:s4] =	ssyncset.s32 $0xFFFFF086  }
0x25: {  	[simem:s6], [sflag:s4] =	dma.local [hbm:s3], $0xF7A  }
0x26: {  	[smem:$0x3F97] =	sst s1;
	(tag) =	ssettag s2;
	_ =	strace s9  }
0x27: {  	s1 =	sld [smem:$0x3FA7]  }
0x28: {  	s2 =	sld [smem:$0x3FA8]  }
0x29: {  	s4 =	sld [smem:$0x3FAA]  }
0x2a: {  	p0 =	seq.s32 s5, $0x0;
	s5 =	sld [smem:$0x3FAB]  }
0x2b: {  	s6 =	sld [smem:$0x3FAC]  }
0x2c: {  	s7 =	sld [smem:$0x3FAD]  }
0x2d: {  	s3 =	simm.s32 $0x108;
	s8 =	sld [smem:$0x3FAE]  }
0x2e: {  	s3 =	simm.s32 @!p0 $0x1082;
	s9 =	sld [smem:$0x3FAF]  }
0x2f: {  	lr =	sadd.s32 s0, s3;
	s0 =	sld [smem:$0x3FA6]  }
0x30: {  	s3 =	sld [smem:$0x3FA9]  }
0x31: {  	[smem:$0x3FB2] =	sst s10  }
0x32: {  	s10 =	sld [smem:$0x3FB0];
	_ =	sdelay $0x3  }
0x33: {  	p0 =	seq.s32 s10, $0x1;
	s10 =	sld [smem:$0x3FB2];
	_ =	sdelay $0x3  }
0x34: {  	[smem:$0x3FB2] =	sst s10  }
0x35: {  	s10 =	sld [smem:$0x3FB1];
	_ =	sdelay $0x3  }
0x36: {  	p1 =	seq.s32 s10, $0x1;
	s10 =	sld [smem:$0x3FB2];
	_ =	sdelay $0x3  }
0x37: {  	[smem:$0x3FB2] =	sst s10  }
0x38: {  	s10 =	sld [smem:$0x3FB3]  }
0x39: {  	_ = 	snop;
	(pc) =	sbr.ind lr, $3  }
0x3a: {  	_ = 	snop  }
0x3b: {  	_ = 	snop  }
0x3c: {  	p2 =	seq.s32 s10, $0x1;
	s10 =	sld [smem:$0x3FB2]  }
0x3d: {  	_ =	shalt  }
0x3e: {  	_ =	shalt  }
0x3f: {  	_ =	shalt  }
0x40: {  	_ =	shalt  }
0x41: {  	_ =	shalt  }
0x42: {  	_ =	shalt  }
0x43: {  	_ =	shalt  }
0x44: {  	_ =	shalt  }
0x45: {  	_ =	shalt  }
0x46: {  	_ =	shalt  }
0x47: {  	_ =	shalt  }
0x48: {  	_ =	shalt  }
0x49: {  	_ =	shalt  }
0x4a: {  	_ =	shalt  }
0x4b: {  	_ =	shalt  }
0x4c: {  	_ =	shalt  }
0x4d: {  	_ =	shalt  }
0x4e: {  	_ =	shalt  }
0x4f: {  	_ =	shalt  }
0x50: {  	_ =	shalt  }
0x51: {  	_ =	shalt  }
0x52: {  	_ =	shalt  }
0x53: {  	_ =	shalt  }
0x54: {  	_ =	shalt  }
0x55: {  	_ =	shalt  }
0x56: {  	_ =	shalt  }
0x57: {  	_ =	shalt  }
0x58: {  	_ =	shalt  }
0x59: {  	_ =	shalt  }
0x5a: {  	_ =	shalt  }
0x5b: {  	_ =	shalt  }
0x5c: {  	_ =	shalt  }
0x5d: {  	_ =	shalt  }
0x5e: {  	_ =	shalt  }
0x5f: {  	_ =	shalt  }
0x60: {  	_ =	shalt  }
0x61: {  	_ =	shalt  }
0x62: {  	_ =	shalt  }
0x63: {  	_ =	shalt  }
0x64: {  	_ =	shalt  }
0x65: {  	_ =	shalt  }
0x66: {  	_ =	shalt  }
0x67: {  	_ =	shalt  }
0x68: {  	_ =	shalt  }
0x69: {  	_ =	shalt  }
0x6a: {  	_ =	shalt  }
0x6b: {  	_ =	shalt  }
0x6c: {  	_ =	shalt  }
0x6d: {  	_ =	shalt  }
0x6e: {  	_ =	shalt  }
0x6f: {  	_ =	shalt  }
0x70: {  	_ =	shalt  }
0x71: {  	_ =	shalt  }
0x72: {  	_ =	shalt  }
0x73: {  	_ =	shalt  }
0x74: {  	_ =	shalt  }
0x75: {  	_ =	shalt  }
0x76: {  	_ =	shalt  }
0x77: {  	_ =	shalt  }
0x78: {  	_ =	shalt  }
0x79: {  	_ =	shalt  }
0x7a: {  	_ =	shalt  }
0x7b: {  	_ =	shalt  }
0x7c: {  	_ =	shalt  }
0x7d: {  	_ =	shalt  }
0x7e: {  	_ =	shalt  }
0x7f: {  	_ =	shalt  }
0x80: {  	_ =	shalt  }
0x81: {  	_ =	shalt  }
0x82: {  	_ =	shalt  }
0x83: {  	_ =	shalt  }
0x84: {  	_ =	shalt  }
0x85: {  	_ =	shalt  }
0x86: {  	_ =	shalt  }
0x87: {  	_ =	shalt  }
.Lfunc_end0:
.L_simem_size_0:
called_computation.2_lowered:
.L_overlay_start_0:
0x88: {  	s2 =	sld [smem:$0x3FD9]  }
0x89: {  	s3 =	sld [smem:$0x3FFE];
	_ =	sdelay $0x1  }
0x8a: {  	s1 =	srdreg.scid  }
0x8b: {  	s0 =	sand.u32 $0x1, s1  }
0x8c: {  	s16 =	sshll.u32 s0, $0xA;
	s2 =	sadd.s32 s3, s2  }
0x8d: {  	s2 =	sadd.s32 s2, s16  }
0x8e: {  	[smem:$0x3FBE] =	sst s2  }
0x8f: {  	_ = 	snop  }
0x90: {  	(tm) =	ssettm $0x1  }
0x91: {  	s17 =	sld [smem:$0x3FFB];
	_ =	sdelay $0x3  }
0x92: {  	_ =	strace s17  }
0x93: {  	s2 =	sld [smem:$0x3FFC];
	_ =	sdelay $0x3  }
0x94: {  	_ =	strace s2  }
0x95: {  	s2 =	sld [smem:$0x3FFD];
	_ =	sdelay $0x3  }
0x96: {  	_ =	strace s2  }
0x97: {  	_ =	strace $0x8FFFFFFF  }
0x98: {  	s18 =	sld [smem:$0x3FDB];
	_ =	sdelay $0x1  }
0x99: {  	s19 =	simm.s32 $_scs_section_size  }
0x9a: {  	s4 =	simm.s32 $_size__tile_overlayer_lowered;
	s5 =	simm.s32 $_tile_overlayer_lowered  }
0x9b: {  	s22 =	simm.s32 $0x1BFF;
	s21 =	sshll.u32 s5, $0x1;
	s2 =	sadd.s32 s19, s18  }
0x9c: {  	s6 =	simm.s32 $0x0;
	s20 =	sshll.u32 s4, $0x1;
	s4 =	sadd.s32 s21, s2  }
0x9d: {  	[timem:s6], [sflag:s22] =	dma.local [hbm:s4], s20  }
0x9e: {  	_ =	swait.ge [sflag:s22], s20  }
0x9f: {  	s3 =	ssub.s32 $0x0, s20;
	[sflag:s22] =	ssyncset.done $0x0  }
0xa0: {  	[sflag:s22] =	ssyncadd.s32 s3;
	_ =	sdelay $0x1  }
0xa1: {  	s23 =	simm.s32 $0x1B8B  }
0xa2: {  	_ =	swait.ge [sflag:s23], $0x1  }
0xa3: {  	[sflag:s23] =	ssyncset.done $0x0  }
0xa4: {  	s25 =	simm.s32 $0x1B8E;
	s24 =	sld [smem:$0x3FFE];
	[sflag:s23] =	ssyncadd.s32 $0xFFFFFFFF  }
0xa5: {  	s26 =	simm.s32 $execute0_lowered;
	[smem:$0x3FD2] =	sst s25  }
0xa6: {  	s4 =	sshll.u32 s26, $0x1;
	_ =	strace $0x8000004C;
	[dreg:$0x1] =	wrdreg $0xFFFFFFFF  }
0xa7: {  	s28 =	simm.s32 $_size_execute0_lowered;
	s2 =	sadd.s32 s2, s4;
	[dreg:$0x0] =	wrdreg $0x0  }
0xa8: {  	s4 =	sshll.u32 s28, $0x1;
	[dreg:$0x2] =	wrdreg s2  }
0xa9: {  	[dreg:$0x3] =	wrdreg s4  }
0xaa: {  	[dreg:$0x4] =	wrdreg $0xC0  }
0xab: {  	_ =	task [dreg:s6], $0x5FFFF  }
0xac: {  	[dreg:$0x1] =	wrdreg $0xFFFFFFFF  }
0xad: {  	[dreg:$0x0] =	wrdreg $0x60  }
0xae: {  	[dreg:$0x2] =	wrdreg s24  }
0xaf: {  	[dreg:$0x3] =	wrdreg $0x41000  }
0xb0: {  	[dreg:$0x4] =	wrdreg $0x9  }
0xb1: {  	_ =	task.clear_ibuf [dreg:s6], $0x5FFFF;
	_ =	strace $0x9000004C  }
0xb2: {  	s29 =	simm.s32 $0x9;
	_ =	strace $0x8000004E  }
0xb3: {  	_ =	swait.ge [sflag:s29], $0x1  }
0xb4: {  	[sflag:s29] =	ssyncadd.s32 $0xFFFFFFFF  }
0xb5: {  	_ =	strace $0x9000004E  }
0xb6: {  	_ =	sfence  }
0xb7: {  	s30 =	sld [smem:$0x0];
	_ =	sdelay $0x2  }
0xb8: {  	s31 =	sshll.u32 s1, $0xD;
	s1 =	sshrl.u32 s1, $0x2  }
0xb9: {  	s3 =	sand.u32 $0x4000, s31;
	s1 =	sadd.s32 s1, s30  }
0xba: {  	s0 =	sor.u32 s3, s0;
	s1 =	sshll.u32 s1, $0x11  }
0xbb: {  	s0 =	sor.u32 s1, s0  }
0xbc: {  	s0 =	sadd.s32 $0x8F2B, s0  }
0xbd: {  	[sflag:s0] =	ssyncadd.remote.s32 $0x1  }
0xbe: {  	_ =	sfence.sel $0xFFFF  }
0xbf: {  	[dreg:$0x0] =	wrdreg $0xFFFFFFFF;
	(pc) =	sbr.abs _section_cstart, $3  }
0xc0: {  	[dreg:$0x1] =	wrdreg $0xFFFFFFFF  }
0xc1: {  	_ =	task.clear_ibuf [dreg:s6], $0x2FFFF;
	_ =	strace $0x9FFFFFFF  }
0xc2: {  	(tm) =	ssettm $0x7FFFFFFF  }
0xc3: {  	_ =	shalt  }
tec
execute0_lowered:
.L_overlay_start_1:
0x0: {  	(tag) =	ssettag $0x1  }
0x1: {  	s6 =	rddreg [dreg:$0x0]  }
0x2: {  	s0 =	srdreg.scid;
	s2 =	rddreg [dreg:$0x1]  }
0x3: {  	s1 =	rddreg [dreg:$0x2];
	s5 =	sand.u32 $0x1, s0  }
0x4: {  	s3 =	simm.s32 $0x0;
	s0 =	stileid.u32;
	s4 =	smul.u32 $0x27800, s5  }
0x5: {  	s12 =	simm.s32 $0x2;
	s13 =	simm.s32 $0x80;
	s7 =	smul.u32 $0x2780, s0  }
0x6: {  	s14 =	simm.s32 $0x100;
	s15 =	simm.s32 $0x1;
	s26 =	smul.u32 $0x2800, s0  }
0x7: {  	s16 =	simm.s32 $0x0;
	[smem:$0x7FF] =	sst s3;
	s8 =	smul.u32 $0x28000, s5  }
0x8: {  	_ =	strace $0x8000004D;
	s28 =	ssub.s32 $0x2, s5;
	s9 =	smul.u32 $0x50000, s0  }
0x9: {  	s5 =	sadd.s32 $0x36A00, s6;
	s31 =	sshll.u32 s0, $0x6;
	s29 =	sshrl.u32 s28, $0x1  }
0xa: {  	s4 =	sadd.s32 s7, s4;
	s7 =	sadd.s32 s26, s8;
	s8 =	ssub.s32 s28, s29  }
0xb: {  	s30 =	sshrl.u32 s9, $0x2;
	s4 =	sshrl.u32 s4, $0x3;
	s7 =	sadd.s32 s7, s6  }
0xc: {  	s11 =	sadd.s32 s30, s2;
	s8 =	smax.u32 s8, $0x1;
	s10 =	sadd.s32 s4, s6  }
0xd: {  	s4 =	sadd.s32 $0xEA00, s6;
	s6 =	sor.u32 $0x1C02, s31;
	s7 =	sadd.s32 $0x6B800, s7  }
0xe: {  	s11 =	sshrl.u32 s11, $0x3;
	s9 =	sadd.s32 $0x4C00, s10;
	s10 =	sadd.s32 $0x61A00, s10  }
.LBB2_1:
0xf: {  	[spmem:s11], [sflag:s6] =	dma.local [hbm:s5], $0x2800  }
0x10: {  	_ =	swait.ge [sflag:s12], $0x2800  }
0x11: {  	[sflag:s12] =	ssyncset.done $0x0  }
0x12: {  	[sflag:s12] =	ssyncadd.s32 $0xFFFFD800  }
0x13: {  	s17 =	sadd.s32 $0x0, s10;
	[bflag:$0x0] =	sbarrier.arrive $0xFFFF  }
0x14: {  	[tilespmem:s3], [sflag:$0x2] =	stream.linear.gather [hbm4b:s17+s3], $0x80, $0x38;
	[tilespmem:$0x18100] =	vst v63  }
0x15: {  	_ =	swait.ge [sflag:s12], $0x80  }
0x16: {  	[sflag:s12] =	ssyncset.done $0x0  }
0x17: {  	s31 =	sadd.s32 $0x0, s9;
	[sflag:s12] =	ssyncadd.s32 $0xFFFFFF80  }
0x18: {  	[tilespmem:s13], [sflag:$0x2] =	stream.linear.gather [hbm4b:s31+s3], $0x80, $0x38;
	[tilespmem:$0x18100] =	vst v63  }
0x19: {  	_ =	swait.ge [sflag:s12], $0x80  }
0x1a: {  	[sflag:s12] =	ssyncset.done $0x0  }
0x1b: {  	[sflag:s12] =	ssyncadd.s32 $0xFFFFFF80  }
0x1c: {  	[tilespmem:s14], [sflag:$0x1] =	stream.indirect.gather [hbm4b:s4+s13], $0x80, s3, s13, $0xb8;
	[tilespmem:$0x18100] =	vst v63  }
0x1d: {  	_ =	swait.ge [sflag:s15], $0x4000  }
0x1e: {  	[sflag:s15] =	ssyncset.done $0x0  }
0x1f: {  	[sflag:s15] =	ssyncadd.s32 $0xFFFFC000  }
0x20: {  	[spmem:s2] =	stream.indirect.scatter.add.f32 [tilespmem:s14], [sflag:$0x2], $0x80, s13, s13, $0xb8;
	[tilespmem:$0x18100] =	vst v63  }
0x21: {  	_ =	swait.ge [sflag:s12], $0x4000  }
0x22: {  	s18 =	simm.s32 $0x20;
	s17 =	simm.s32 $0x10;
	[sflag:s12] =	ssyncset.done $0x0  }
.LBB2_2:
0x23: {  	s19 =	sadd.s32 s17, s10  }
0x24: {  	[sflag:s12] =	ssyncadd.s32 $0xFFFFC000;
	s20 =	smov.u32 s18;
	s21 =	sadd.s32 $0x10, s18  }
0x25: {  	[tilespmem:s3], [sflag:$0x2] =	stream.linear.gather [hbm4b:s19+s3], $0x80, $0x38;
	[tilespmem:$0x18100] =	vst v63  }
0x26: {  	p0 =	sne.s32 s18, $0x4E0;
	_ =	swait.ge [sflag:s12], $0x80  }
0x27: {  	[sflag:s12] =	ssyncset.done $0x0  }
0x28: {  	s18 =	sadd.s32 s17, s9;
	s17 =	smov.u32 s20;
	[sflag:s12] =	ssyncadd.s32 $0xFFFFFF80  }
0x29: {  	[tilespmem:s13], [sflag:$0x2] =	stream.linear.gather [hbm4b:s18+s3], $0x80, $0x38;
	[tilespmem:$0x18100] =	vst v63  }
0x2a: {  	_ =	swait.ge [sflag:s12], $0x80  }
0x2b: {  	[sflag:s12] =	ssyncset.done $0x0  }
0x2c: {  	[sflag:s12] =	ssyncadd.s32 $0xFFFFFF80  }
0x2d: {  	[tilespmem:s14], [sflag:$0x1] =	stream.indirect.gather [hbm4b:s4+s13], $0x80, s3, s13, $0xb8;
	[tilespmem:$0x18100] =	vst v63  }
0x2e: {  	_ =	swait.ge [sflag:s15], $0x4000  }
.Ltmp0:
0x2f: {  	[sflag:s15] =	ssyncset.done $0x0;
	(pc) =	sbr.rel @p0 .LBB2_2-.Ltmp0, $4  }
0x30: {  	[sflag:s15] =	ssyncadd.s32 $0xFFFFC000  }
0x31: {  	[spmem:s2] =	stream.indirect.scatter.add.f32 [tilespmem:s14], [sflag:$0x2], $0x80, s13, s13, $0xb8;
	[tilespmem:$0x18100] =	vst v63  }
0x32: {  	_ =	swait.ge [sflag:s12], $0x4000  }
0x33: {  	s18 =	smov.u32 s21;
	[sflag:s12] =	ssyncset.done $0x0  }
0x34: {  	s18 =	sadd.s32 s17, s10;
	[sflag:s12] =	ssyncadd.s32 $0xFFFFC000  }
0x35: {  	[tilespmem:s3], [sflag:$0x2] =	stream.linear.gather [hbm4b:s18+s3], $0x80, $0x38;
	[tilespmem:$0x18100] =	vst v63  }
0x36: {  	_ =	swait.ge [sflag:s12], $0x80  }
0x37: {  	[sflag:s12] =	ssyncset.done $0x0  }
0x38: {  	s31 =	sadd.s32 s17, s9;
	[sflag:s12] =	ssyncadd.s32 $0xFFFFFF80  }
0x39: {  	[tilespmem:s13], [sflag:$0x2] =	stream.linear.gather [hbm4b:s31+s3], $0x80, $0x38;
	[tilespmem:$0x18100] =	vst v63  }
0x3a: {  	_ =	swait.ge [sflag:s12], $0x80  }
0x3b: {  	[sflag:s12] =	ssyncset.done $0x0  }
0x3c: {  	[sflag:s12] =	ssyncadd.s32 $0xFFFFFF80  }
0x3d: {  	[tilespmem:s14], [sflag:$0x1] =	stream.indirect.gather [hbm4b:s4+s13], $0x80, s3, s13, $0xb8;
	[tilespmem:$0x18100] =	vst v63  }
0x3e: {  	_ =	swait.ge [sflag:s15], $0x4000  }
0x3f: {  	[sflag:s15] =	ssyncset.done $0x0  }
0x40: {  	[sflag:s15] =	ssyncadd.s32 $0xFFFFC000  }
0x41: {  	[spmem:s2] =	stream.indirect.scatter.add.f32 [tilespmem:s14], [sflag:$0x2], $0x80, s13, s13, $0xb8;
	[tilespmem:$0x18100] =	vst v63  }
0x42: {  	_ =	swait.ge [sflag:s12], $0x4000  }
0x43: {  	[sflag:s12] =	ssyncset.done $0x0  }
0x44: {  	s16 =	sadd.s32 $0x1, s16;
	[sflag:s12] =	ssyncadd.s32 $0xFFFFC000  }
0x45: {  	p0 =	sne.s32 s16, s8;
	[bflag:$0x0] =	sbarrier.arrive $0xFFFF  }
0x46: {  	[hbm:s7], [sflag:s6] =	dma.local [spmem:s11], $0x2800  }
.Ltmp1:
0x47: {  	_ =	swait.ge [sflag:s12], $0x2800;
	(pc) =	sbr.rel @p0 .LBB2_1-.Ltmp1, $3  }
0x48: {  	[sflag:s12] =	ssyncset.done $0x0  }
0x49: {  	[sflag:s12] =	ssyncadd.s32 $0xFFFFD800  }
0x4a: {  	[bflag:$0x0] =	sbarrier.arrive $0xFFFF;
	_ =	sdelay $0x1  }
0x4b: {  	_ =	sfence.sel $0x180000  }
0x4c: {  	[bflag:$0x0] =	sbarrier.arrive $0xFFFF  }
0x4d: {  	p0 =	sne.s32 s0, $0x0;
	_ =	strace $0x9000004D  }
0x4e: {  	s0 =	sadd.s32 @!p0 $0x100000, s1;
	[bflag:$0x2] =	sbarrier.arrive $0xFFFF  }
0x4f: {  	[sflag:s0] =	ssyncadd.tile.s32 @!p0 $0x1;
	_ =	shalt  }
.Lfunc_end2:
_tile_overlayer_lowered:
.L_overlay_start_2:
0x50: {  	(tag) =	ssettag $0x2  }
0x51: {  	s0 =	rddreg [dreg:$0x0];
	s2 =	stileid.u32  }
0x52: {  	s1 =	rddreg [dreg:$0x1];
	p0 =	sne.s32 s2, $0x0  }
0x53: {  	s3 =	rddreg [dreg:$0x2];
	[bflag:$0x3] =	sbarrier.arrive $0xFFFF;
	s2 =	simm.s32 @!p0 $0x1C02  }
0x54: {  	[timem:s3], [sflag:s2] =	dma.local @!p0 [hbm:s0], s1  }
0x55: {  	s0 =	simm.s32 @!p0 $0x2  }
0x56: {  	_ =	swait.ge @!p0 [sflag:s0], s1  }
0x57: {  	s1 =	ssub.s32 @!p0 $0x0, s1;
	[sflag:s0] =	ssyncset.done @!p0 $0x0  }
0x58: {  	[sflag:s0] =	ssyncadd.s32 @!p0 s1  }
0x59: {  	[bflag:$0x3] =	sbarrier.arrive $0xFFFF  }
0x5a: {  	_ =	shalt  }

// kernel: kernel.25.cloned.1.call-start
scs
__scs_entry_jumppad:
0x0: {  	(pc) =	sbr.rel $0x88, $3  }
0x1: {  	(tag) =	ssettag $0x0;
	lr =	simm.s32 $0x1  }
0x2: {  	[smem:$0x3F97] =	sst lr;
	_ =	strace $0xD0000000  }
0x3: {  	_ = 	snop  }
0x4: {  	_ = 	snop  }
0x5: {  	_ = 	snop  }
0x6: {  	_ = 	snop  }
0x7: {  	_ = 	snop  }
__scs_overlays_trampoline_lowered:
0x8: {  	[smem:$0x3FA6] =	sst s0  }
0x9: {  	[smem:$0x3FA7] =	sst s1  }
0xa: {  	[smem:$0x3FA8] =	sst s2  }
0xb: {  	[smem:$0x3FA9] =	sst s3  }
0xc: {  	[smem:$0x3FAA] =	sst s4  }
0xd: {  	[smem:$0x3FAB] =	sst s5  }
0xe: {  	[smem:$0x3FAC] =	sst s6  }
0xf: {  	[smem:$0x3FAD] =	sst s7  }
0x10: {  	[smem:$0x3FAE] =	sst s8  }
0x11: {  	[smem:$0x3FAF] =	sst s9;
	s0 =	simm.s32 @!p0 $0x0  }
0x12: {  	s1 =	sld [smem:$0x3F95];
	s0 =	simm.s32 @p0 $0x1  }
0x13: {  	[smem:$0x3FB0] =	sst s0;
	s0 =	simm.s32 @!p1 $0x0  }
0x14: {  	s2 =	sld [smem:$0x3F94];
	s0 =	simm.s32 @p1 $0x1  }
0x15: {  	[smem:$0x3FB1] =	sst s0;
	s0 =	simm.s32 @!p2 $0x0  }
0x16: {  	s3 =	sld [smem:$0x3FDB];
	s0 =	simm.s32 @p2 $0x1  }
0x17: {  	s4 =	simm.s32 $0x1BF5;
	[smem:$0x3FB3] =	sst s0  }
0x18: {  	s0 =	sld [smem:$0x3F96];
	_ =	swait.ge [sflag:s4], $0x0  }
0x19: {  	s7 =	sld [smem:$0x3F97]  }
0x1a: {  	s8 =	sadd.s32 $0xFFFFE003, lr  }
0x1b: {  	s9 =	sadd.s32 $0xFFFFFEF7, lr;
	s5 =	simm.s32 $0xFFFFFFFF;
	p2 =	slt.u32 s8, $0xFFFFF086  }
0x1c: {  	p1 =	slt.u32 s9, $0xF7A;
	s5 =	simm.s32 @!p2 $0x0  }
0x1d: {  	s5 =	simm.s32 @p1 $0x1;
	p0 =	seq.s32 s7, s2  }
0x1e: {  	s7 =	smul.u32 @!p0 $0xF7A, s2;
	p2 =	seq.s32 @!p0 s5, $0x0  }
0x1f: {  	s9 =	smul.u32 $0xF7A, s1;
	s8 =	simm.s32 @!p0 $0x1BF5;
	p2 =	por !p2, p0  }
0x20: {  	[sflag:s8] =	ssyncset.s32 @!p0 $0xFFFFF086;
	s6 =	sadd.s32 @!p0 s3, s7;
	s7 =	simm.s32 @!p0 $0x108  }
0x21: {  	s3 =	sadd.s32 s3, s9;
	s6 =	sadd.s32 @!p0 $0x88, s6;
	s7 =	simm.s32 @p2 $0x1082  }
0x22: {  	[simem:s7], [sflag:s8] =	dma.local @!p0 [hbm:s6], $0xF7A  }
0x23: {  	s9 =	sor.u32 $0xD0000000, s2;
	s6 =	simm.s32 $0x108;
	_ =	swait.ge @!p0 [sflag:s8], $0x0  }
0x24: {  	s3 =	sadd.s32 $0x88, s3;
	s6 =	simm.s32 @!p1 $0x1082;
	[sflag:s4] =	ssyncset.s32 $0xFFFFF086  }
0x25: {  	[simem:s6], [sflag:s4] =	dma.local [hbm:s3], $0xF7A  }
0x26: {  	[smem:$0x3F97] =	sst s1;
	(tag) =	ssettag s2;
	_ =	strace s9  }
0x27: {  	s1 =	sld [smem:$0x3FA7]  }
0x28: {  	s2 =	sld [smem:$0x3FA8]  }
0x29: {  	s4 =	sld [smem:$0x3FAA]  }
0x2a: {  	p0 =	seq.s32 s5, $0x0;
	s5 =	sld [smem:$0x3FAB]  }
0x2b: {  	s6 =	sld [smem:$0x3FAC]  }
0x2c: {  	s7 =	sld [smem:$0x3FAD]  }
0x2d: {  	s3 =	simm.s32 $0x108;
	s8 =	sld [smem:$0x3FAE]  }
0x2e: {  	s3 =	simm.s32 @!p0 $0x1082;
	s9 =	sld [smem:$0x3FAF]  }
0x2f: {  	lr =	sadd.s32 s0, s3;
	s0 =	sld [smem:$0x3FA6]  }
0x30: {  	s3 =	sld [smem:$0x3FA9]  }
0x31: {  	[smem:$0x3FB2] =	sst s10  }
0x32: {  	s10 =	sld [smem:$0x3FB0];
	_ =	sdelay $0x3  }
0x33: {  	p0 =	seq.s32 s10, $0x1;
	s10 =	sld [smem:$0x3FB2];
	_ =	sdelay $0x3  }
0x34: {  	[smem:$0x3FB2] =	sst s10  }
0x35: {  	s10 =	sld [smem:$0x3FB1];
	_ =	sdelay $0x3  }
0x36: {  	p1 =	seq.s32 s10, $0x1;
	s10 =	sld [smem:$0x3FB2];
	_ =	sdelay $0x3  }
0x37: {  	[smem:$0x3FB2] =	sst s10  }
0x38: {  	s10 =	sld [smem:$0x3FB3]  }
0x39: {  	_ = 	snop;
	(pc) =	sbr.ind lr, $3  }
0x3a: {  	_ = 	snop  }
0x3b: {  	_ = 	snop  }
0x3c: {  	p2 =	seq.s32 s10, $0x1;
	s10 =	sld [smem:$0x3FB2]  }
0x3d: {  	_ =	shalt  }
0x3e: {  	_ =	shalt  }
0x3f: {  	_ =	shalt  }
0x40: {  	_ =	shalt  }
0x41: {  	_ =	shalt  }
0x42: {  	_ =	shalt  }
0x43: {  	_ =	shalt  }
0x44: {  	_ =	shalt  }
0x45: {  	_ =	shalt  }
0x46: {  	_ =	shalt  }
0x47: {  	_ =	shalt  }
0x48: {  	_ =	shalt  }
0x49: {  	_ =	shalt  }
0x4a: {  	_ =	shalt  }
0x4b: {  	_ =	shalt  }
0x4c: {  	_ =	shalt  }
0x4d: {  	_ =	shalt  }
0x4e: {  	_ =	shalt  }
0x4f: {  	_ =	shalt  }
0x50: {  	_ =	shalt  }
0x51: {  	_ =	shalt  }
0x52: {  	_ =	shalt  }
0x53: {  	_ =	shalt  }
0x54: {  	_ =	shalt  }
0x55: {  	_ =	shalt  }
0x56: {  	_ =	shalt  }
0x57: {  	_ =	shalt  }
0x58: {  	_ =	shalt  }
0x59: {  	_ =	shalt  }
0x5a: {  	_ =	shalt  }
0x5b: {  	_ =	shalt  }
0x5c: {  	_ =	shalt  }
0x5d: {  	_ =	shalt  }
0x5e: {  	_ =	shalt  }
0x5f: {  	_ =	shalt  }
0x60: {  	_ =	shalt  }
0x61: {  	_ =	shalt  }
0x62: {  	_ =	shalt  }
0x63: {  	_ =	shalt  }
0x64: {  	_ =	shalt  }
0x65: {  	_ =	shalt  }
0x66: {  	_ =	shalt  }
0x67: {  	_ =	shalt  }
0x68: {  	_ =	shalt  }
0x69: {  	_ =	shalt  }
0x6a: {  	_ =	shalt  }
0x6b: {  	_ =	shalt  }
0x6c: {  	_ =	shalt  }
0x6d: {  	_ =	shalt  }
0x6e: {  	_ =	shalt  }
0x6f: {  	_ =	shalt  }
0x70: {  	_ =	shalt  }
0x71: {  	_ =	shalt  }
0x72: {  	_ =	shalt  }
0x73: {  	_ =	shalt  }
0x74: {  	_ =	shalt  }
0x75: {  	_ =	shalt  }
0x76: {  	_ =	shalt  }
0x77: {  	_ =	shalt  }
0x78: {  	_ =	shalt  }
0x79: {  	_ =	shalt  }
0x7a: {  	_ =	shalt  }
0x7b: {  	_ =	shalt  }
0x7c: {  	_ =	shalt  }
0x7d: {  	_ =	shalt  }
0x7e: {  	_ =	shalt  }
0x7f: {  	_ =	shalt  }
0x80: {  	_ =	shalt  }
0x81: {  	_ =	shalt  }
0x82: {  	_ =	shalt  }
0x83: {  	_ =	shalt  }
0x84: {  	_ =	shalt  }
0x85: {  	_ =	shalt  }
0x86: {  	_ =	shalt  }
0x87: {  	_ =	shalt  }
.Lfunc_end0:
.L_simem_size_0:
called_computation.3_lowered:
.L_overlay_start_0:
0x88: {  	s2 =	sld [smem:$0x3FD9]  }
0x89: {  	s3 =	sld [smem:$0x3FFE];
	_ =	sdelay $0x1  }
0x8a: {  	s1 =	srdreg.scid  }
0x8b: {  	s0 =	sand.u32 $0x1, s1  }
0x8c: {  	s16 =	sshll.u32 s0, $0xA;
	s2 =	sadd.s32 s3, s2  }
0x8d: {  	s2 =	sadd.s32 s2, s16  }
0x8e: {  	[smem:$0x3FBE] =	sst s2  }
0x8f: {  	_ = 	snop  }
0x90: {  	(tm) =	ssettm $0x1  }
0x91: {  	s17 =	sld [smem:$0x3FFB];
	_ =	sdelay $0x3  }
0x92: {  	_ =	strace s17  }
0x93: {  	s2 =	sld [smem:$0x3FFC];
	_ =	sdelay $0x3  }
0x94: {  	_ =	strace s2  }
0x95: {  	s2 =	sld [smem:$0x3FFD];
	_ =	sdelay $0x3  }
0x96: {  	_ =	strace s2  }
0x97: {  	_ =	strace $0x8FFFFFFF  }
0x98: {  	s18 =	sld [smem:$0x3FDB];
	_ =	sdelay $0x1  }
0x99: {  	s19 =	simm.s32 $_scs_section_size  }
0x9a: {  	s4 =	simm.s32 $_size__tile_overlayer_lowered;
	s5 =	simm.s32 $_tile_overlayer_lowered  }
0x9b: {  	s22 =	simm.s32 $0x1BFF;
	s21 =	sshll.u32 s5, $0x1;
	s2 =	sadd.s32 s19, s18  }
0x9c: {  	s6 =	simm.s32 $0x0;
	s20 =	sshll.u32 s4, $0x1;
	s4 =	sadd.s32 s21, s2  }
0x9d: {  	[timem:s6], [sflag:s22] =	dma.local [hbm:s4], s20  }
0x9e: {  	_ =	swait.ge [sflag:s22], s20  }
0x9f: {  	s3 =	ssub.s32 $0x0, s20;
	[sflag:s22] =	ssyncset.done $0x0  }
0xa0: {  	[sflag:s22] =	ssyncadd.s32 s3;
	_ =	sdelay $0x1  }
0xa1: {  	s23 =	simm.s32 $0x1B8B  }
0xa2: {  	_ =	swait.ge [sflag:s23], $0x1  }
0xa3: {  	[sflag:s23] =	ssyncset.done $0x0  }
0xa4: {  	s25 =	simm.s32 $0x1B8E;
	s24 =	sld [smem:$0x3FFE];
	[sflag:s23] =	ssyncadd.s32 $0xFFFFFFFF  }
0xa5: {  	s26 =	simm.s32 $execute0_lowered;
	[smem:$0x3FD2] =	sst s25  }
0xa6: {  	s4 =	sshll.u32 s26, $0x1;
	_ =	strace $0x8000004F;
	[dreg:$0x1] =	wrdreg $0xFFFFFFFF  }
0xa7: {  	s28 =	simm.s32 $_size_execute0_lowered;
	s2 =	sadd.s32 s2, s4;
	[dreg:$0x0] =	wrdreg $0x0  }
0xa8: {  	s4 =	sshll.u32 s28, $0x1;
	[dreg:$0x2] =	wrdreg s2  }
0xa9: {  	[dreg:$0x3] =	wrdreg s4  }
0xaa: {  	[dreg:$0x4] =	wrdreg $0xC0  }
0xab: {  	_ =	task [dreg:s6], $0x5FFFF  }
0xac: {  	[dreg:$0x1] =	wrdreg $0xFFFFFFFF  }
0xad: {  	[dreg:$0x0] =	wrdreg $0x60  }
0xae: {  	[dreg:$0x2] =	wrdreg s24  }
0xaf: {  	[dreg:$0x3] =	wrdreg $0x41000  }
0xb0: {  	[dreg:$0x4] =	wrdreg $0x9  }
0xb1: {  	_ =	task.clear_ibuf [dreg:s6], $0x5FFFF;
	_ =	strace $0x9000004F  }
0xb2: {  	s29 =	simm.s32 $0x9;
	_ =	strace $0x80000051  }
0xb3: {  	_ =	swait.ge [sflag:s29], $0x1  }
0xb4: {  	[sflag:s29] =	ssyncadd.s32 $0xFFFFFFFF  }
0xb5: {  	_ =	strace $0x90000051  }
0xb6: {  	_ =	sfence  }
0xb7: {  	s30 =	sld [smem:$0x0];
	_ =	sdelay $0x2  }
0xb8: {  	s31 =	sshll.u32 s1, $0xD;
	s1 =	sshrl.u32 s1, $0x2  }
0xb9: {  	s3 =	sand.u32 $0x4000, s31;
	s1 =	sadd.s32 s1, s30  }
0xba: {  	s0 =	sor.u32 s3, s0;
	s1 =	sshll.u32 s1, $0x11  }
0xbb: {  	s0 =	sor.u32 s1, s0  }
0xbc: {  	s0 =	sadd.s32 $0x8F2B, s0  }
0xbd: {  	[sflag:s0] =	ssyncadd.remote.s32 $0x1  }
0xbe: {  	_ =	sfence.sel $0xFFFF  }
0xbf: {  	[dreg:$0x0] =	wrdreg $0xFFFFFFFF;
	(pc) =	sbr.abs _section_cstart, $3  }
0xc0: {  	[dreg:$0x1] =	wrdreg $0xFFFFFFFF  }
0xc1: {  	_ =	task.clear_ibuf [dreg:s6], $0x2FFFF;
	_ =	strace $0x9FFFFFFF  }
0xc2: {  	(tm) =	ssettm $0x7FFFFFFF  }
0xc3: {  	_ =	shalt  }
tec
execute0_lowered:
.L_overlay_start_1:
0x0: {  	(tag) =	ssettag $0x1  }
0x1: {  	s6 =	rddreg [dreg:$0x0]  }
0x2: {  	s0 =	srdreg.scid;
	s2 =	rddreg [dreg:$0x1]  }
0x3: {  	s1 =	rddreg [dreg:$0x2];
	s5 =	sand.u32 $0x1, s0  }
0x4: {  	s3 =	simm.s32 $0x0;
	s0 =	stileid.u32;
	s4 =	smul.u32 $0x27800, s5  }
0x5: {  	s12 =	simm.s32 $0x2;
	s13 =	simm.s32 $0x80;
	s7 =	smul.u32 $0x2780, s0  }
0x6: {  	s14 =	simm.s32 $0x100;
	s15 =	simm.s32 $0x1;
	s26 =	smul.u32 $0x2800, s0  }
0x7: {  	s16 =	simm.s32 $0x0;
	[smem:$0x7FF] =	sst s3;
	s8 =	smul.u32 $0x28000, s5  }
0x8: {  	_ =	strace $0x80000050;
	s28 =	ssub.s32 $0x2, s5;
	s9 =	smul.u32 $0x50000, s0  }
0x9: {  	s5 =	sadd.s32 $0x36A00, s6;
	s31 =	sshll.u32 s0, $0x6;
	s29 =	sshrl.u32 s28, $0x1  }
0xa: {  	s4 =	sadd.s32 s7, s4;
	s7 =	sadd.s32 s26, s8;
	s8 =	ssub.s32 s28, s29  }
0xb: {  	s30 =	sshrl.u32 s9, $0x2;
	s4 =	sshrl.u32 s4, $0x3;
	s7 =	sadd.s32 s7, s6  }
0xc: {  	s11 =	sadd.s32 s30, s2;
	s8 =	smax.u32 s8, $0x1;
	s10 =	sadd.s32 s4, s6  }
0xd: {  	s4 =	sadd.s32 $0xEA00, s6;
	s6 =	sor.u32 $0x1C02, s31;
	s7 =	sadd.s32 $0x6B800, s7  }
0xe: {  	s11 =	sshrl.u32 s11, $0x3;
	s9 =	sadd.s32 $0x4C00, s10;
	s10 =	sadd.s32 $0x61A00, s10  }
.LBB2_1:
0xf: {  	[spmem:s11], [sflag:s6] =	dma.local [hbm:s5], $0x2800  }
0x10: {  	_ =	swait.ge [sflag:s12], $0x2800  }
0x11: {  	[sflag:s12] =	ssyncset.done $0x0  }
0x12: {  	[sflag:s12] =	ssyncadd.s32 $0xFFFFD800  }
0x13: {  	s17 =	sadd.s32 $0x0, s10;
	[bflag:$0x0] =	sbarrier.arrive $0xFFFF  }
0x14: {  	[tilespmem:s3], [sflag:$0x2] =	stream.linear.gather [hbm4b:s17+s3], $0x80, $0x38;
	[tilespmem:$0x18100] =	vst v63  }
0x15: {  	_ =	swait.ge [sflag:s12], $0x80  }
0x16: {  	[sflag:s12] =	ssyncset.done $0x0  }
0x17: {  	s31 =	sadd.s32 $0x0, s9;
	[sflag:s12] =	ssyncadd.s32 $0xFFFFFF80  }
0x18: {  	[tilespmem:s13], [sflag:$0x2] =	stream.linear.gather [hbm4b:s31+s3], $0x80, $0x38;
	[tilespmem:$0x18100] =	vst v63  }
0x19: {  	_ =	swait.ge [sflag:s12], $0x80  }
0x1a: {  	[sflag:s12] =	ssyncset.done $0x0  }
0x1b: {  	[sflag:s12] =	ssyncadd.s32 $0xFFFFFF80  }
0x1c: {  	[tilespmem:s14], [sflag:$0x1] =	stream.indirect.gather [hbm4b:s4+s13], $0x80, s3, s13, $0xb8;
	[tilespmem:$0x18100] =	vst v63  }
0x1d: {  	_ =	swait.ge [sflag:s15], $0x4000  }
0x1e: {  	[sflag:s15] =	ssyncset.done $0x0  }
0x1f: {  	[sflag:s15] =	ssyncadd.s32 $0xFFFFC000  }
0x20: {  	[spmem:s2] =	stream.indirect.scatter.add.f32 [tilespmem:s14], [sflag:$0x2], $0x80, s13, s13, $0xb8;
	[tilespmem:$0x18100] =	vst v63  }
0x21: {  	_ =	swait.ge [sflag:s12], $0x4000  }
0x22: {  	s18 =	simm.s32 $0x20;
	s17 =	simm.s32 $0x10;
	[sflag:s12] =	ssyncset.done $0x0  }
.LBB2_2:
0x23: {  	s19 =	sadd.s32 s17, s10  }
0x24: {  	[sflag:s12] =	ssyncadd.s32 $0xFFFFC000;
	s20 =	smov.u32 s18;
	s21 =	sadd.s32 $0x10, s18  }
0x25: {  	[tilespmem:s3], [sflag:$0x2] =	stream.linear.gather [hbm4b:s19+s3], $0x80, $0x38;
	[tilespmem:$0x18100] =	vst v63  }
0x26: {  	p0 =	sne.s32 s18, $0x4E0;
	_ =	swait.ge [sflag:s12], $0x80  }
0x27: {  	[sflag:s12] =	ssyncset.done $0x0  }
0x28: {  	s18 =	sadd.s32 s17, s9;
	s17 =	smov.u32 s20;
	[sflag:s12] =	ssyncadd.s32 $0xFFFFFF80  }
0x29: {  	[tilespmem:s13], [sflag:$0x2] =	stream.linear.gather [hbm4b:s18+s3], $0x80, $0x38;
	[tilespmem:$0x18100] =	vst v63  }
0x2a: {  	_ =	swait.ge [sflag:s12], $0x80  }
0x2b: {  	[sflag:s12] =	ssyncset.done $0x0  }
0x2c: {  	[sflag:s12] =	ssyncadd.s32 $0xFFFFFF80  }
0x2d: {  	[tilespmem:s14], [sflag:$0x1] =	stream.indirect.gather [hbm4b:s4+s13], $0x80, s3, s13, $0xb8;
	[tilespmem:$0x18100] =	vst v63  }
0x2e: {  	_ =	swait.ge [sflag:s15], $0x4000  }
.Ltmp0:
0x2f: {  	[sflag:s15] =	ssyncset.done $0x0;
	(pc) =	sbr.rel @p0 .LBB2_2-.Ltmp0, $4  }
0x30: {  	[sflag:s15] =	ssyncadd.s32 $0xFFFFC000  }
0x31: {  	[spmem:s2] =	stream.indirect.scatter.add.f32 [tilespmem:s14], [sflag:$0x2], $0x80, s13, s13, $0xb8;
	[tilespmem:$0x18100] =	vst v63  }
0x32: {  	_ =	swait.ge [sflag:s12], $0x4000  }
0x33: {  	s18 =	smov.u32 s21;
	[sflag:s12] =	ssyncset.done $0x0  }
0x34: {  	s18 =	sadd.s32 s17, s10;
	[sflag:s12] =	ssyncadd.s32 $0xFFFFC000  }
0x35: {  	[tilespmem:s3], [sflag:$0x2] =	stream.linear.gather [hbm4b:s18+s3], $0x80, $0x38;
	[tilespmem:$0x18100] =	vst v63  }
0x36: {  	_ =	swait.ge [sflag:s12], $0x80  }
0x37: {  	[sflag:s12] =	ssyncset.done $0x0  }
0x38: {  	s31 =	sadd.s32 s17, s9;
	[sflag:s12] =	ssyncadd.s32 $0xFFFFFF80  }
0x39: {  	[tilespmem:s13], [sflag:$0x2] =	stream.linear.gather [hbm4b:s31+s3], $0x80, $0x38;
	[tilespmem:$0x18100] =	vst v63  }
0x3a: {  	_ =	swait.ge [sflag:s12], $0x80  }
0x3b: {  	[sflag:s12] =	ssyncset.done $0x0  }
0x3c: {  	[sflag:s12] =	ssyncadd.s32 $0xFFFFFF80  }
0x3d: {  	[tilespmem:s14], [sflag:$0x1] =	stream.indirect.gather [hbm4b:s4+s13], $0x80, s3, s13, $0xb8;
	[tilespmem:$0x18100] =	vst v63  }
0x3e: {  	_ =	swait.ge [sflag:s15], $0x4000  }
0x3f: {  	[sflag:s15] =	ssyncset.done $0x0  }
0x40: {  	[sflag:s15] =	ssyncadd.s32 $0xFFFFC000  }
0x41: {  	[spmem:s2] =	stream.indirect.scatter.add.f32 [tilespmem:s14], [sflag:$0x2], $0x80, s13, s13, $0xb8;
	[tilespmem:$0x18100] =	vst v63  }
0x42: {  	_ =	swait.ge [sflag:s12], $0x4000  }
0x43: {  	[sflag:s12] =	ssyncset.done $0x0  }
0x44: {  	s16 =	sadd.s32 $0x1, s16;
	[sflag:s12] =	ssyncadd.s32 $0xFFFFC000  }
0x45: {  	p0 =	sne.s32 s16, s8;
	[bflag:$0x0] =	sbarrier.arrive $0xFFFF  }
0x46: {  	[hbm:s7], [sflag:s6] =	dma.local [spmem:s11], $0x2800  }
.Ltmp1:
0x47: {  	_ =	swait.ge [sflag:s12], $0x2800;
	(pc) =	sbr.rel @p0 .LBB2_1-.Ltmp1, $3  }
0x48: {  	[sflag:s12] =	ssyncset.done $0x0  }
0x49: {  	[sflag:s12] =	ssyncadd.s32 $0xFFFFD800  }
0x4a: {  	[bflag:$0x0] =	sbarrier.arrive $0xFFFF;
	_ =	sdelay $0x1  }
0x4b: {  	_ =	sfence.sel $0x180000  }
0x4c: {  	[bflag:$0x0] =	sbarrier.arrive $0xFFFF  }
0x4d: {  	p0 =	sne.s32 s0, $0x0;
	_ =	strace $0x90000050  }
0x4e: {  	s0 =	sadd.s32 @!p0 $0x100000, s1;
	[bflag:$0x2] =	sbarrier.arrive $0xFFFF  }
0x4f: {  	[sflag:s0] =	ssyncadd.tile.s32 @!p0 $0x1;
	_ =	shalt  }
.Lfunc_end2:
_tile_overlayer_lowered:
.L_overlay_start_2:
0x50: {  	(tag) =	ssettag $0x2  }
0x51: {  	s0 =	rddreg [dreg:$0x0];
	s2 =	stileid.u32  }
0x52: {  	s1 =	rddreg [dreg:$0x1];
	p0 =	sne.s32 s2, $0x0  }
0x53: {  	s3 =	rddreg [dreg:$0x2];
	[bflag:$0x3] =	sbarrier.arrive $0xFFFF;
	s2 =	simm.s32 @!p0 $0x1C02  }
0x54: {  	[timem:s3], [sflag:s2] =	dma.local @!p0 [hbm:s0], s1  }
0x55: {  	s0 =	simm.s32 @!p0 $0x2  }
0x56: {  	_ =	swait.ge @!p0 [sflag:s0], s1  }
0x57: {  	s1 =	ssub.s32 @!p0 $0x0, s1;
	[sflag:s0] =	ssyncset.done @!p0 $0x0  }
0x58: {  	[sflag:s0] =	ssyncadd.s32 @!p0 s1  }
0x59: {  	[bflag:$0x3] =	sbarrier.arrive $0xFFFF  }
0x5a: {  	_ =	shalt  }

// kernel: kernel.28.cloned.1.call-start
scs
__scs_entry_jumppad:
0x0: {  	(pc) =	sbr.rel $0x88, $3  }
0x1: {  	(tag) =	ssettag $0x0;
	lr =	simm.s32 $0x1  }
0x2: {  	[smem:$0x3F97] =	sst lr;
	_ =	strace $0xD0000000  }
0x3: {  	_ = 	snop  }
0x4: {  	_ = 	snop  }
0x5: {  	_ = 	snop  }
0x6: {  	_ = 	snop  }
0x7: {  	_ = 	snop  }
__scs_overlays_trampoline_lowered:
0x8: {  	[smem:$0x3FA6] =	sst s0  }
0x9: {  	[smem:$0x3FA7] =	sst s1  }
0xa: {  	[smem:$0x3FA8] =	sst s2  }
0xb: {  	[smem:$0x3FA9] =	sst s3  }
0xc: {  	[smem:$0x3FAA] =	sst s4  }
0xd: {  	[smem:$0x3FAB] =	sst s5  }
0xe: {  	[smem:$0x3FAC] =	sst s6  }
0xf: {  	[smem:$0x3FAD] =	sst s7  }
0x10: {  	[smem:$0x3FAE] =	sst s8  }
0x11: {  	[smem:$0x3FAF] =	sst s9;
	s0 =	simm.s32 @!p0 $0x0  }
0x12: {  	s1 =	sld [smem:$0x3F95];
	s0 =	simm.s32 @p0 $0x1  }
0x13: {  	[smem:$0x3FB0] =	sst s0;
	s0 =	simm.s32 @!p1 $0x0  }
0x14: {  	s2 =	sld [smem:$0x3F94];
	s0 =	simm.s32 @p1 $0x1  }
0x15: {  	[smem:$0x3FB1] =	sst s0;
	s0 =	simm.s32 @!p2 $0x0  }
0x16: {  	s3 =	sld [smem:$0x3FDB];
	s0 =	simm.s32 @p2 $0x1  }
0x17: {  	s4 =	simm.s32 $0x1BF5;
	[smem:$0x3FB3] =	sst s0  }
0x18: {  	s0 =	sld [smem:$0x3F96];
	_ =	swait.ge [sflag:s4], $0x0  }
0x19: {  	s7 =	sld [smem:$0x3F97]  }
0x1a: {  	s8 =	sadd.s32 $0xFFFFE003, lr  }
0x1b: {  	s9 =	sadd.s32 $0xFFFFFEF7, lr;
	s5 =	simm.s32 $0xFFFFFFFF;
	p2 =	slt.u32 s8, $0xFFFFF086  }
0x1c: {  	p1 =	slt.u32 s9, $0xF7A;
	s5 =	simm.s32 @!p2 $0x0  }
0x1d: {  	s5 =	simm.s32 @p1 $0x1;
	p0 =	seq.s32 s7, s2  }
0x1e: {  	s7 =	smul.u32 @!p0 $0xF7A, s2;
	p2 =	seq.s32 @!p0 s5, $0x0  }
0x1f: {  	s9 =	smul.u32 $0xF7A, s1;
	s8 =	simm.s32 @!p0 $0x1BF5;
	p2 =	por !p2, p0  }
0x20: {  	[sflag:s8] =	ssyncset.s32 @!p0 $0xFFFFF086;
	s6 =	sadd.s32 @!p0 s3, s7;
	s7 =	simm.s32 @!p0 $0x108  }
0x21: {  	s3 =	sadd.s32 s3, s9;
	s6 =	sadd.s32 @!p0 $0x88, s6;
	s7 =	simm.s32 @p2 $0x1082  }
0x22: {  	[simem:s7], [sflag:s8] =	dma.local @!p0 [hbm:s6], $0xF7A  }
0x23: {  	s9 =	sor.u32 $0xD0000000, s2;
	s6 =	simm.s32 $0x108;
	_ =	swait.ge @!p0 [sflag:s8], $0x0  }
0x24: {  	s3 =	sadd.s32 $0x88, s3;
	s6 =	simm.s32 @!p1 $0x1082;
	[sflag:s4] =	ssyncset.s32 $0xFFFFF086  }
0x25: {  	[simem:s6], [sflag:s4] =	dma.local [hbm:s3], $0xF7A  }
0x26: {  	[smem:$0x3F97] =	sst s1;
	(tag) =	ssettag s2;
	_ =	strace s9  }
0x27: {  	s1 =	sld [smem:$0x3FA7]  }
0x28: {  	s2 =	sld [smem:$0x3FA8]  }
0x29: {  	s4 =	sld [smem:$0x3FAA]  }
0x2a: {  	p0 =	seq.s32 s5, $0x0;
	s5 =	sld [smem:$0x3FAB]  }
0x2b: {  	s6 =	sld [smem:$0x3FAC]  }
0x2c: {  	s7 =	sld [smem:$0x3FAD]  }
0x2d: {  	s3 =	simm.s32 $0x108;
	s8 =	sld [smem:$0x3FAE]  }
0x2e: {  	s3 =	simm.s32 @!p0 $0x1082;
	s9 =	sld [smem:$0x3FAF]  }
0x2f: {  	lr =	sadd.s32 s0, s3;
	s0 =	sld [smem:$0x3FA6]  }
0x30: {  	s3 =	sld [smem:$0x3FA9]  }
0x31: {  	[smem:$0x3FB2] =	sst s10  }
0x32: {  	s10 =	sld [smem:$0x3FB0];
	_ =	sdelay $0x3  }
0x33: {  	p0 =	seq.s32 s10, $0x1;
	s10 =	sld [smem:$0x3FB2];
	_ =	sdelay $0x3  }
0x34: {  	[smem:$0x3FB2] =	sst s10  }
0x35: {  	s10 =	sld [smem:$0x3FB1];
	_ =	sdelay $0x3  }
0x36: {  	p1 =	seq.s32 s10, $0x1;
	s10 =	sld [smem:$0x3FB2];
	_ =	sdelay $0x3  }
0x37: {  	[smem:$0x3FB2] =	sst s10  }
0x38: {  	s10 =	sld [smem:$0x3FB3]  }
0x39: {  	_ = 	snop;
	(pc) =	sbr.ind lr, $3  }
0x3a: {  	_ = 	snop  }
0x3b: {  	_ = 	snop  }
0x3c: {  	p2 =	seq.s32 s10, $0x1;
	s10 =	sld [smem:$0x3FB2]  }
0x3d: {  	_ =	shalt  }
0x3e: {  	_ =	shalt  }
0x3f: {  	_ =	shalt  }
0x40: {  	_ =	shalt  }
0x41: {  	_ =	shalt  }
0x42: {  	_ =	shalt  }
0x43: {  	_ =	shalt  }
0x44: {  	_ =	shalt  }
0x45: {  	_ =	shalt  }
0x46: {  	_ =	shalt  }
0x47: {  	_ =	shalt  }
0x48: {  	_ =	shalt  }
0x49: {  	_ =	shalt  }
0x4a: {  	_ =	shalt  }
0x4b: {  	_ =	shalt  }
0x4c: {  	_ =	shalt  }
0x4d: {  	_ =	shalt  }
0x4e: {  	_ =	shalt  }
0x4f: {  	_ =	shalt  }
0x50: {  	_ =	shalt  }
0x51: {  	_ =	shalt  }
0x52: {  	_ =	shalt  }
0x53: {  	_ =	shalt  }
0x54: {  	_ =	shalt  }
0x55: {  	_ =	shalt  }
0x56: {  	_ =	shalt  }
0x57: {  	_ =	shalt  }
0x58: {  	_ =	shalt  }
0x59: {  	_ =	shalt  }
0x5a: {  	_ =	shalt  }
0x5b: {  	_ =	shalt  }
0x5c: {  	_ =	shalt  }
0x5d: {  	_ =	shalt  }
0x5e: {  	_ =	shalt  }
0x5f: {  	_ =	shalt  }
0x60: {  	_ =	shalt  }
0x61: {  	_ =	shalt  }
0x62: {  	_ =	shalt  }
0x63: {  	_ =	shalt  }
0x64: {  	_ =	shalt  }
0x65: {  	_ =	shalt  }
0x66: {  	_ =	shalt  }
0x67: {  	_ =	shalt  }
0x68: {  	_ =	shalt  }
0x69: {  	_ =	shalt  }
0x6a: {  	_ =	shalt  }
0x6b: {  	_ =	shalt  }
0x6c: {  	_ =	shalt  }
0x6d: {  	_ =	shalt  }
0x6e: {  	_ =	shalt  }
0x6f: {  	_ =	shalt  }
0x70: {  	_ =	shalt  }
0x71: {  	_ =	shalt  }
0x72: {  	_ =	shalt  }
0x73: {  	_ =	shalt  }
0x74: {  	_ =	shalt  }
0x75: {  	_ =	shalt  }
0x76: {  	_ =	shalt  }
0x77: {  	_ =	shalt  }
0x78: {  	_ =	shalt  }
0x79: {  	_ =	shalt  }
0x7a: {  	_ =	shalt  }
0x7b: {  	_ =	shalt  }
0x7c: {  	_ =	shalt  }
0x7d: {  	_ =	shalt  }
0x7e: {  	_ =	shalt  }
0x7f: {  	_ =	shalt  }
0x80: {  	_ =	shalt  }
0x81: {  	_ =	shalt  }
0x82: {  	_ =	shalt  }
0x83: {  	_ =	shalt  }
0x84: {  	_ =	shalt  }
0x85: {  	_ =	shalt  }
0x86: {  	_ =	shalt  }
0x87: {  	_ =	shalt  }
.Lfunc_end0:
.L_simem_size_0:
called_computation.4_lowered:
.L_overlay_start_0:
0x88: {  	s2 =	sld [smem:$0x3FD9]  }
0x89: {  	s3 =	sld [smem:$0x3FFE];
	_ =	sdelay $0x1  }
0x8a: {  	s1 =	srdreg.scid  }
0x8b: {  	s0 =	sand.u32 $0x1, s1  }
0x8c: {  	s16 =	sshll.u32 s0, $0xA;
	s2 =	sadd.s32 s3, s2  }
0x8d: {  	s2 =	sadd.s32 s2, s16  }
0x8e: {  	[smem:$0x3FBE] =	sst s2  }
0x8f: {  	_ = 	snop  }
0x90: {  	(tm) =	ssettm $0x1  }
0x91: {  	s17 =	sld [smem:$0x3FFB];
	_ =	sdelay $0x3  }
0x92: {  	_ =	strace s17  }
0x93: {  	s2 =	sld [smem:$0x3FFC];
	_ =	sdelay $0x3  }
0x94: {  	_ =	strace s2  }
0x95: {  	s2 =	sld [smem:$0x3FFD];
	_ =	sdelay $0x3  }
0x96: {  	_ =	strace s2  }
0x97: {  	_ =	strace $0x8FFFFFFF  }
0x98: {  	s18 =	sld [smem:$0x3FDB];
	_ =	sdelay $0x1  }
0x99: {  	s19 =	simm.s32 $_scs_section_size  }
0x9a: {  	s4 =	simm.s32 $_size__tile_overlayer_lowered;
	s5 =	simm.s32 $_tile_overlayer_lowered  }
0x9b: {  	s22 =	simm.s32 $0x1BFF;
	s21 =	sshll.u32 s5, $0x1;
	s2 =	sadd.s32 s19, s18  }
0x9c: {  	s6 =	simm.s32 $0x0;
	s20 =	sshll.u32 s4, $0x1;
	s4 =	sadd.s32 s21, s2  }
0x9d: {  	[timem:s6], [sflag:s22] =	dma.local [hbm:s4], s20  }
0x9e: {  	_ =	swait.ge [sflag:s22], s20  }
0x9f: {  	s3 =	ssub.s32 $0x0, s20;
	[sflag:s22] =	ssyncset.done $0x0  }
0xa0: {  	[sflag:s22] =	ssyncadd.s32 s3;
	_ =	sdelay $0x1  }
0xa1: {  	s23 =	simm.s32 $0x1B8B  }
0xa2: {  	_ =	swait.ge [sflag:s23], $0x1  }
0xa3: {  	[sflag:s23] =	ssyncset.done $0x0  }
0xa4: {  	s25 =	simm.s32 $0x1B8E;
	s24 =	sld [smem:$0x3FFE];
	[sflag:s23] =	ssyncadd.s32 $0xFFFFFFFF  }
0xa5: {  	s26 =	simm.s32 $execute0_lowered;
	[smem:$0x3FD2] =	sst s25  }
0xa6: {  	s4 =	sshll.u32 s26, $0x1;
	_ =	strace $0x80000052;
	[dreg:$0x1] =	wrdreg $0xFFFFFFFF  }
0xa7: {  	s28 =	simm.s32 $_size_execute0_lowered;
	s2 =	sadd.s32 s2, s4;
	[dreg:$0x0] =	wrdreg $0x0  }
0xa8: {  	s4 =	sshll.u32 s28, $0x1;
	[dreg:$0x2] =	wrdreg s2  }
0xa9: {  	[dreg:$0x3] =	wrdreg s4  }
0xaa: {  	[dreg:$0x4] =	wrdreg $0xC0  }
0xab: {  	_ =	task [dreg:s6], $0x5FFFF  }
0xac: {  	[dreg:$0x1] =	wrdreg $0xFFFFFFFF  }
0xad: {  	[dreg:$0x0] =	wrdreg $0x60  }
0xae: {  	[dreg:$0x2] =	wrdreg s24  }
0xaf: {  	[dreg:$0x3] =	wrdreg $0x41000  }
0xb0: {  	[dreg:$0x4] =	wrdreg $0x9  }
0xb1: {  	_ =	task.clear_ibuf [dreg:s6], $0x5FFFF;
	_ =	strace $0x90000052  }
0xb2: {  	s29 =	simm.s32 $0x9;
	_ =	strace $0x80000054  }
0xb3: {  	_ =	swait.ge [sflag:s29], $0x1  }
0xb4: {  	[sflag:s29] =	ssyncadd.s32 $0xFFFFFFFF  }
0xb5: {  	_ =	strace $0x90000054  }
0xb6: {  	_ =	sfence  }
0xb7: {  	s30 =	sld [smem:$0x0];
	_ =	sdelay $0x2  }
0xb8: {  	s31 =	sshll.u32 s1, $0xD;
	s1 =	sshrl.u32 s1, $0x2  }
0xb9: {  	s3 =	sand.u32 $0x4000, s31;
	s1 =	sadd.s32 s1, s30  }
0xba: {  	s0 =	sor.u32 s3, s0;
	s1 =	sshll.u32 s1, $0x11  }
0xbb: {  	s0 =	sor.u32 s1, s0  }
0xbc: {  	s0 =	sadd.s32 $0x8F2B, s0  }
0xbd: {  	[sflag:s0] =	ssyncadd.remote.s32 $0x1  }
0xbe: {  	_ =	sfence.sel $0xFFFF  }
0xbf: {  	[dreg:$0x0] =	wrdreg $0xFFFFFFFF;
	(pc) =	sbr.abs _section_cstart, $3  }
0xc0: {  	[dreg:$0x1] =	wrdreg $0xFFFFFFFF  }
0xc1: {  	_ =	task.clear_ibuf [dreg:s6], $0x2FFFF;
	_ =	strace $0x9FFFFFFF  }
0xc2: {  	(tm) =	ssettm $0x7FFFFFFF  }
0xc3: {  	_ =	shalt  }
tec
execute0_lowered:
.L_overlay_start_1:
0x0: {  	(tag) =	ssettag $0x1  }
0x1: {  	s6 =	rddreg [dreg:$0x0]  }
0x2: {  	s0 =	srdreg.scid;
	s2 =	rddreg [dreg:$0x1]  }
0x3: {  	s1 =	rddreg [dreg:$0x2];
	s5 =	sand.u32 $0x1, s0  }
0x4: {  	s3 =	simm.s32 $0x0;
	s0 =	stileid.u32;
	s4 =	smul.u32 $0x27800, s5  }
0x5: {  	s12 =	simm.s32 $0x2;
	s13 =	simm.s32 $0x80;
	s7 =	smul.u32 $0x2780, s0  }
0x6: {  	s14 =	simm.s32 $0x100;
	s15 =	simm.s32 $0x1;
	s26 =	smul.u32 $0x2800, s0  }
0x7: {  	s16 =	simm.s32 $0x0;
	[smem:$0x7FF] =	sst s3;
	s8 =	smul.u32 $0x28000, s5  }
0x8: {  	_ =	strace $0x80000053;
	s28 =	ssub.s32 $0x2, s5;
	s9 =	smul.u32 $0x50000, s0  }
0x9: {  	s5 =	sadd.s32 $0x36A00, s6;
	s31 =	sshll.u32 s0, $0x6;
	s29 =	sshrl.u32 s28, $0x1  }
0xa: {  	s4 =	sadd.s32 s7, s4;
	s7 =	sadd.s32 s26, s8;
	s8 =	ssub.s32 s28, s29  }
0xb: {  	s30 =	sshrl.u32 s9, $0x2;
	s4 =	sshrl.u32 s4, $0x3;
	s7 =	sadd.s32 s7, s6  }
0xc: {  	s11 =	sadd.s32 s30, s2;
	s8 =	smax.u32 s8, $0x1;
	s10 =	sadd.s32 s4, s6  }
0xd: {  	s4 =	sadd.s32 $0xEA00, s6;
	s6 =	sor.u32 $0x1C02, s31;
	s7 =	sadd.s32 $0x6B800, s7  }
0xe: {  	s11 =	sshrl.u32 s11, $0x3;
	s9 =	sadd.s32 $0x4C00, s10;
	s10 =	sadd.s32 $0x61A00, s10  }
.LBB2_1:
0xf: {  	[spmem:s11], [sflag:s6] =	dma.local [hbm:s5], $0x2800  }
0x10: {  	_ =	swait.ge [sflag:s12], $0x2800  }
0x11: {  	[sflag:s12] =	ssyncset.done $0x0  }
0x12: {  	[sflag:s12] =	ssyncadd.s32 $0xFFFFD800  }
0x13: {  	s17 =	sadd.s32 $0x0, s10;
	[bflag:$0x0] =	sbarrier.arrive $0xFFFF  }
0x14: {  	[tilespmem:s3], [sflag:$0x2] =	stream.linear.gather [hbm4b:s17+s3], $0x80, $0x38;
	[tilespmem:$0x18100] =	vst v63  }
0x15: {  	_ =	swait.ge [sflag:s12], $0x80  }
0x16: {  	[sflag:s12] =	ssyncset.done $0x0  }
0x17: {  	s31 =	sadd.s32 $0x0, s9;
	[sflag:s12] =	ssyncadd.s32 $0xFFFFFF80  }
0x18: {  	[tilespmem:s13], [sflag:$0x2] =	stream.linear.gather [hbm4b:s31+s3], $0x80, $0x38;
	[tilespmem:$0x18100] =	vst v63  }
0x19: {  	_ =	swait.ge [sflag:s12], $0x80  }
0x1a: {  	[sflag:s12] =	ssyncset.done $0x0  }
0x1b: {  	[sflag:s12] =	ssyncadd.s32 $0xFFFFFF80  }
0x1c: {  	[tilespmem:s14], [sflag:$0x1] =	stream.indirect.gather [hbm4b:s4+s13], $0x80, s3, s13, $0xb8;
	[tilespmem:$0x18100] =	vst v63  }
0x1d: {  	_ =	swait.ge [sflag:s15], $0x4000  }
0x1e: {  	[sflag:s15] =	ssyncset.done $0x0  }
0x1f: {  	[sflag:s15] =	ssyncadd.s32 $0xFFFFC000  }
0x20: {  	[spmem:s2] =	stream.indirect.scatter.add.f32 [tilespmem:s14], [sflag:$0x2], $0x80, s13, s13, $0xb8;
	[tilespmem:$0x18100] =	vst v63  }
0x21: {  	_ =	swait.ge [sflag:s12], $0x4000  }
0x22: {  	s18 =	simm.s32 $0x20;
	s17 =	simm.s32 $0x10;
	[sflag:s12] =	ssyncset.done $0x0  }
.LBB2_2:
0x23: {  	s19 =	sadd.s32 s17, s10  }
0x24: {  	[sflag:s12] =	ssyncadd.s32 $0xFFFFC000;
	s20 =	smov.u32 s18;
	s21 =	sadd.s32 $0x10, s18  }
0x25: {  	[tilespmem:s3], [sflag:$0x2] =	stream.linear.gather [hbm4b:s19+s3], $0x80, $0x38;
	[tilespmem:$0x18100] =	vst v63  }
0x26: {  	p0 =	sne.s32 s18, $0x4E0;
	_ =	swait.ge [sflag:s12], $0x80  }
0x27: {  	[sflag:s12] =	ssyncset.done $0x0  }
0x28: {  	s18 =	sadd.s32 s17, s9;
	s17 =	smov.u32 s20;
	[sflag:s12] =	ssyncadd.s32 $0xFFFFFF80  }
0x29: {  	[tilespmem:s13], [sflag:$0x2] =	stream.linear.gather [hbm4b:s18+s3], $0x80, $0x38;
	[tilespmem:$0x18100] =	vst v63  }
0x2a: {  	_ =	swait.ge [sflag:s12], $0x80  }
0x2b: {  	[sflag:s12] =	ssyncset.done $0x0  }
0x2c: {  	[sflag:s12] =	ssyncadd.s32 $0xFFFFFF80  }
0x2d: {  	[tilespmem:s14], [sflag:$0x1] =	stream.indirect.gather [hbm4b:s4+s13], $0x80, s3, s13, $0xb8;
	[tilespmem:$0x18100] =	vst v63  }
0x2e: {  	_ =	swait.ge [sflag:s15], $0x4000  }
.Ltmp0:
0x2f: {  	[sflag:s15] =	ssyncset.done $0x0;
	(pc) =	sbr.rel @p0 .LBB2_2-.Ltmp0, $4  }
0x30: {  	[sflag:s15] =	ssyncadd.s32 $0xFFFFC000  }
0x31: {  	[spmem:s2] =	stream.indirect.scatter.add.f32 [tilespmem:s14], [sflag:$0x2], $0x80, s13, s13, $0xb8;
	[tilespmem:$0x18100] =	vst v63  }
0x32: {  	_ =	swait.ge [sflag:s12], $0x4000  }
0x33: {  	s18 =	smov.u32 s21;
	[sflag:s12] =	ssyncset.done $0x0  }
0x34: {  	s18 =	sadd.s32 s17, s10;
	[sflag:s12] =	ssyncadd.s32 $0xFFFFC000  }
0x35: {  	[tilespmem:s3], [sflag:$0x2] =	stream.linear.gather [hbm4b:s18+s3], $0x80, $0x38;
	[tilespmem:$0x18100] =	vst v63  }
0x36: {  	_ =	swait.ge [sflag:s12], $0x80  }
0x37: {  	[sflag:s12] =	ssyncset.done $0x0  }
0x38: {  	s31 =	sadd.s32 s17, s9;
	[sflag:s12] =	ssyncadd.s32 $0xFFFFFF80  }
0x39: {  	[tilespmem:s13], [sflag:$0x2] =	stream.linear.gather [hbm4b:s31+s3], $0x80, $0x38;
	[tilespmem:$0x18100] =	vst v63  }
0x3a: {  	_ =	swait.ge [sflag:s12], $0x80  }
0x3b: {  	[sflag:s12] =	ssyncset.done $0x0  }
0x3c: {  	[sflag:s12] =	ssyncadd.s32 $0xFFFFFF80  }
0x3d: {  	[tilespmem:s14], [sflag:$0x1] =	stream.indirect.gather [hbm4b:s4+s13], $0x80, s3, s13, $0xb8;
	[tilespmem:$0x18100] =	vst v63  }
0x3e: {  	_ =	swait.ge [sflag:s15], $0x4000  }
0x3f: {  	[sflag:s15] =	ssyncset.done $0x0  }
0x40: {  	[sflag:s15] =	ssyncadd.s32 $0xFFFFC000  }
0x41: {  	[spmem:s2] =	stream.indirect.scatter.add.f32 [tilespmem:s14], [sflag:$0x2], $0x80, s13, s13, $0xb8;
	[tilespmem:$0x18100] =	vst v63  }
0x42: {  	_ =	swait.ge [sflag:s12], $0x4000  }
0x43: {  	[sflag:s12] =	ssyncset.done $0x0  }
0x44: {  	s16 =	sadd.s32 $0x1, s16;
	[sflag:s12] =	ssyncadd.s32 $0xFFFFC000  }
0x45: {  	p0 =	sne.s32 s16, s8;
	[bflag:$0x0] =	sbarrier.arrive $0xFFFF  }
0x46: {  	[hbm:s7], [sflag:s6] =	dma.local [spmem:s11], $0x2800  }
.Ltmp1:
0x47: {  	_ =	swait.ge [sflag:s12], $0x2800;
	(pc) =	sbr.rel @p0 .LBB2_1-.Ltmp1, $3  }
0x48: {  	[sflag:s12] =	ssyncset.done $0x0  }
0x49: {  	[sflag:s12] =	ssyncadd.s32 $0xFFFFD800  }
0x4a: {  	[bflag:$0x0] =	sbarrier.arrive $0xFFFF;
	_ =	sdelay $0x1  }
0x4b: {  	_ =	sfence.sel $0x180000  }
0x4c: {  	[bflag:$0x0] =	sbarrier.arrive $0xFFFF  }
0x4d: {  	p0 =	sne.s32 s0, $0x0;
	_ =	strace $0x90000053  }
0x4e: {  	s0 =	sadd.s32 @!p0 $0x100000, s1;
	[bflag:$0x2] =	sbarrier.arrive $0xFFFF  }
0x4f: {  	[sflag:s0] =	ssyncadd.tile.s32 @!p0 $0x1;
	_ =	shalt  }
.Lfunc_end2:
_tile_overlayer_lowered:
.L_overlay_start_2:
0x50: {  	(tag) =	ssettag $0x2  }
0x51: {  	s0 =	rddreg [dreg:$0x0];
	s2 =	stileid.u32  }
0x52: {  	s1 =	rddreg [dreg:$0x1];
	p0 =	sne.s32 s2, $0x0  }
0x53: {  	s3 =	rddreg [dreg:$0x2];
	[bflag:$0x3] =	sbarrier.arrive $0xFFFF;
	s2 =	simm.s32 @!p0 $0x1C02  }
0x54: {  	[timem:s3], [sflag:s2] =	dma.local @!p0 [hbm:s0], s1  }
0x55: {  	s0 =	simm.s32 @!p0 $0x2  }
0x56: {  	_ =	swait.ge @!p0 [sflag:s0], s1  }
0x57: {  	s1 =	ssub.s32 @!p0 $0x0, s1;
	[sflag:s0] =	ssyncset.done @!p0 $0x0  }
0x58: {  	[sflag:s0] =	ssyncadd.s32 @!p0 s1  }
0x59: {  	[bflag:$0x3] =	sbarrier.arrive $0xFFFF  }
0x5a: {  	_ =	shalt  }

// kernel: kernel.31.cloned.1.call-start
scs
__scs_entry_jumppad:
0x0: {  	(pc) =	sbr.rel $0x88, $3  }
0x1: {  	(tag) =	ssettag $0x0;
	lr =	simm.s32 $0x1  }
0x2: {  	[smem:$0x3F97] =	sst lr;
	_ =	strace $0xD0000000  }
0x3: {  	_ = 	snop  }
0x4: {  	_ = 	snop  }
0x5: {  	_ = 	snop  }
0x6: {  	_ = 	snop  }
0x7: {  	_ = 	snop  }
__scs_overlays_trampoline_lowered:
0x8: {  	[smem:$0x3FA6] =	sst s0  }
0x9: {  	[smem:$0x3FA7] =	sst s1  }
0xa: {  	[smem:$0x3FA8] =	sst s2  }
0xb: {  	[smem:$0x3FA9] =	sst s3  }
0xc: {  	[smem:$0x3FAA] =	sst s4  }
0xd: {  	[smem:$0x3FAB] =	sst s5  }
0xe: {  	[smem:$0x3FAC] =	sst s6  }
0xf: {  	[smem:$0x3FAD] =	sst s7  }
0x10: {  	[smem:$0x3FAE] =	sst s8  }
0x11: {  	[smem:$0x3FAF] =	sst s9;
	s0 =	simm.s32 @!p0 $0x0  }
0x12: {  	s1 =	sld [smem:$0x3F95];
	s0 =	simm.s32 @p0 $0x1  }
0x13: {  	[smem:$0x3FB0] =	sst s0;
	s0 =	simm.s32 @!p1 $0x0  }
0x14: {  	s2 =	sld [smem:$0x3F94];
	s0 =	simm.s32 @p1 $0x1  }
0x15: {  	[smem:$0x3FB1] =	sst s0;
	s0 =	simm.s32 @!p2 $0x0  }
0x16: {  	s3 =	sld [smem:$0x3FDB];
	s0 =	simm.s32 @p2 $0x1  }
0x17: {  	s4 =	simm.s32 $0x1BF5;
	[smem:$0x3FB3] =	sst s0  }
0x18: {  	s0 =	sld [smem:$0x3F96];
	_ =	swait.ge [sflag:s4], $0x0  }
0x19: {  	s7 =	sld [smem:$0x3F97]  }
0x1a: {  	s8 =	sadd.s32 $0xFFFFE003, lr  }
0x1b: {  	s9 =	sadd.s32 $0xFFFFFEF7, lr;
	s5 =	simm.s32 $0xFFFFFFFF;
	p2 =	slt.u32 s8, $0xFFFFF086  }
0x1c: {  	p1 =	slt.u32 s9, $0xF7A;
	s5 =	simm.s32 @!p2 $0x0  }
0x1d: {  	s5 =	simm.s32 @p1 $0x1;
	p0 =	seq.s32 s7, s2  }
0x1e: {  	s7 =	smul.u32 @!p0 $0xF7A, s2;
	p2 =	seq.s32 @!p0 s5, $0x0  }
0x1f: {  	s9 =	smul.u32 $0xF7A, s1;
	s8 =	simm.s32 @!p0 $0x1BF5;
	p2 =	por !p2, p0  }
0x20: {  	[sflag:s8] =	ssyncset.s32 @!p0 $0xFFFFF086;
	s6 =	sadd.s32 @!p0 s3, s7;
	s7 =	simm.s32 @!p0 $0x108  }
0x21: {  	s3 =	sadd.s32 s3, s9;
	s6 =	sadd.s32 @!p0 $0x88, s6;
	s7 =	simm.s32 @p2 $0x1082  }
0x22: {  	[simem:s7], [sflag:s8] =	dma.local @!p0 [hbm:s6], $0xF7A  }
0x23: {  	s9 =	sor.u32 $0xD0000000, s2;
	s6 =	simm.s32 $0x108;
	_ =	swait.ge @!p0 [sflag:s8], $0x0  }
0x24: {  	s3 =	sadd.s32 $0x88, s3;
	s6 =	simm.s32 @!p1 $0x1082;
	[sflag:s4] =	ssyncset.s32 $0xFFFFF086  }
0x25: {  	[simem:s6], [sflag:s4] =	dma.local [hbm:s3], $0xF7A  }
0x26: {  	[smem:$0x3F97] =	sst s1;
	(tag) =	ssettag s2;
	_ =	strace s9  }
0x27: {  	s1 =	sld [smem:$0x3FA7]  }
0x28: {  	s2 =	sld [smem:$0x3FA8]  }
0x29: {  	s4 =	sld [smem:$0x3FAA]  }
0x2a: {  	p0 =	seq.s32 s5, $0x0;
	s5 =	sld [smem:$0x3FAB]  }
0x2b: {  	s6 =	sld [smem:$0x3FAC]  }
0x2c: {  	s7 =	sld [smem:$0x3FAD]  }
0x2d: {  	s3 =	simm.s32 $0x108;
	s8 =	sld [smem:$0x3FAE]  }
0x2e: {  	s3 =	simm.s32 @!p0 $0x1082;
	s9 =	sld [smem:$0x3FAF]  }
0x2f: {  	lr =	sadd.s32 s0, s3;
	s0 =	sld [smem:$0x3FA6]  }
0x30: {  	s3 =	sld [smem:$0x3FA9]  }
0x31: {  	[smem:$0x3FB2] =	sst s10  }
0x32: {  	s10 =	sld [smem:$0x3FB0];
	_ =	sdelay $0x3  }
0x33: {  	p0 =	seq.s32 s10, $0x1;
	s10 =	sld [smem:$0x3FB2];
	_ =	sdelay $0x3  }
0x34: {  	[smem:$0x3FB2] =	sst s10  }
0x35: {  	s10 =	sld [smem:$0x3FB1];
	_ =	sdelay $0x3  }
0x36: {  	p1 =	seq.s32 s10, $0x1;
	s10 =	sld [smem:$0x3FB2];
	_ =	sdelay $0x3  }
0x37: {  	[smem:$0x3FB2] =	sst s10  }
0x38: {  	s10 =	sld [smem:$0x3FB3]  }
0x39: {  	_ = 	snop;
	(pc) =	sbr.ind lr, $3  }
0x3a: {  	_ = 	snop  }
0x3b: {  	_ = 	snop  }
0x3c: {  	p2 =	seq.s32 s10, $0x1;
	s10 =	sld [smem:$0x3FB2]  }
0x3d: {  	_ =	shalt  }
0x3e: {  	_ =	shalt  }
0x3f: {  	_ =	shalt  }
0x40: {  	_ =	shalt  }
0x41: {  	_ =	shalt  }
0x42: {  	_ =	shalt  }
0x43: {  	_ =	shalt  }
0x44: {  	_ =	shalt  }
0x45: {  	_ =	shalt  }
0x46: {  	_ =	shalt  }
0x47: {  	_ =	shalt  }
0x48: {  	_ =	shalt  }
0x49: {  	_ =	shalt  }
0x4a: {  	_ =	shalt  }
0x4b: {  	_ =	shalt  }
0x4c: {  	_ =	shalt  }
0x4d: {  	_ =	shalt  }
0x4e: {  	_ =	shalt  }
0x4f: {  	_ =	shalt  }
0x50: {  	_ =	shalt  }
0x51: {  	_ =	shalt  }
0x52: {  	_ =	shalt  }
0x53: {  	_ =	shalt  }
0x54: {  	_ =	shalt  }
0x55: {  	_ =	shalt  }
0x56: {  	_ =	shalt  }
0x57: {  	_ =	shalt  }
0x58: {  	_ =	shalt  }
0x59: {  	_ =	shalt  }
0x5a: {  	_ =	shalt  }
0x5b: {  	_ =	shalt  }
0x5c: {  	_ =	shalt  }
0x5d: {  	_ =	shalt  }
0x5e: {  	_ =	shalt  }
0x5f: {  	_ =	shalt  }
0x60: {  	_ =	shalt  }
0x61: {  	_ =	shalt  }
0x62: {  	_ =	shalt  }
0x63: {  	_ =	shalt  }
0x64: {  	_ =	shalt  }
0x65: {  	_ =	shalt  }
0x66: {  	_ =	shalt  }
0x67: {  	_ =	shalt  }
0x68: {  	_ =	shalt  }
0x69: {  	_ =	shalt  }
0x6a: {  	_ =	shalt  }
0x6b: {  	_ =	shalt  }
0x6c: {  	_ =	shalt  }
0x6d: {  	_ =	shalt  }
0x6e: {  	_ =	shalt  }
0x6f: {  	_ =	shalt  }
0x70: {  	_ =	shalt  }
0x71: {  	_ =	shalt  }
0x72: {  	_ =	shalt  }
0x73: {  	_ =	shalt  }
0x74: {  	_ =	shalt  }
0x75: {  	_ =	shalt  }
0x76: {  	_ =	shalt  }
0x77: {  	_ =	shalt  }
0x78: {  	_ =	shalt  }
0x79: {  	_ =	shalt  }
0x7a: {  	_ =	shalt  }
0x7b: {  	_ =	shalt  }
0x7c: {  	_ =	shalt  }
0x7d: {  	_ =	shalt  }
0x7e: {  	_ =	shalt  }
0x7f: {  	_ =	shalt  }
0x80: {  	_ =	shalt  }
0x81: {  	_ =	shalt  }
0x82: {  	_ =	shalt  }
0x83: {  	_ =	shalt  }
0x84: {  	_ =	shalt  }
0x85: {  	_ =	shalt  }
0x86: {  	_ =	shalt  }
0x87: {  	_ =	shalt  }
.Lfunc_end0:
.L_simem_size_0:
called_computation.5_lowered:
.L_overlay_start_0:
0x88: {  	s2 =	sld [smem:$0x3FD9]  }
0x89: {  	s3 =	sld [smem:$0x3FFE];
	_ =	sdelay $0x1  }
0x8a: {  	s1 =	srdreg.scid  }
0x8b: {  	s0 =	sand.u32 $0x1, s1  }
0x8c: {  	s16 =	sshll.u32 s0, $0xA;
	s2 =	sadd.s32 s3, s2  }
0x8d: {  	s2 =	sadd.s32 s2, s16  }
0x8e: {  	[smem:$0x3FBE] =	sst s2  }
0x8f: {  	_ = 	snop  }
0x90: {  	(tm) =	ssettm $0x1  }
0x91: {  	s17 =	sld [smem:$0x3FFB];
	_ =	sdelay $0x3  }
0x92: {  	_ =	strace s17  }
0x93: {  	s2 =	sld [smem:$0x3FFC];
	_ =	sdelay $0x3  }
0x94: {  	_ =	strace s2  }
0x95: {  	s2 =	sld [smem:$0x3FFD];
	_ =	sdelay $0x3  }
0x96: {  	_ =	strace s2  }
0x97: {  	_ =	strace $0x8FFFFFFF  }
0x98: {  	s18 =	sld [smem:$0x3FDB];
	_ =	sdelay $0x1  }
0x99: {  	s19 =	simm.s32 $_scs_section_size  }
0x9a: {  	s4 =	simm.s32 $_size__tile_overlayer_lowered;
	s5 =	simm.s32 $_tile_overlayer_lowered  }
0x9b: {  	s22 =	simm.s32 $0x1BFF;
	s21 =	sshll.u32 s5, $0x1;
	s2 =	sadd.s32 s19, s18  }
0x9c: {  	s6 =	simm.s32 $0x0;
	s20 =	sshll.u32 s4, $0x1;
	s4 =	sadd.s32 s21, s2  }
0x9d: {  	[timem:s6], [sflag:s22] =	dma.local [hbm:s4], s20  }
0x9e: {  	_ =	swait.ge [sflag:s22], s20  }
0x9f: {  	s3 =	ssub.s32 $0x0, s20;
	[sflag:s22] =	ssyncset.done $0x0  }
0xa0: {  	[sflag:s22] =	ssyncadd.s32 s3;
	_ =	sdelay $0x1  }
0xa1: {  	s23 =	simm.s32 $0x1B8B  }
0xa2: {  	_ =	swait.ge [sflag:s23], $0x1  }
0xa3: {  	[sflag:s23] =	ssyncset.done $0x0  }
0xa4: {  	s25 =	simm.s32 $0x1B8E;
	s24 =	sld [smem:$0x3FFE];
	[sflag:s23] =	ssyncadd.s32 $0xFFFFFFFF  }
0xa5: {  	s26 =	simm.s32 $execute0_lowered;
	[smem:$0x3FD2] =	sst s25  }
0xa6: {  	s4 =	sshll.u32 s26, $0x1;
	_ =	strace $0x80000055;
	[dreg:$0x1] =	wrdreg $0xFFFFFFFF  }
0xa7: {  	s28 =	simm.s32 $_size_execute0_lowered;
	s2 =	sadd.s32 s2, s4;
	[dreg:$0x0] =	wrdreg $0x0  }
0xa8: {  	s4 =	sshll.u32 s28, $0x1;
	[dreg:$0x2] =	wrdreg s2  }
0xa9: {  	[dreg:$0x3] =	wrdreg s4  }
0xaa: {  	[dreg:$0x4] =	wrdreg $0xC0  }
0xab: {  	_ =	task [dreg:s6], $0x5FFFF  }
0xac: {  	[dreg:$0x1] =	wrdreg $0xFFFFFFFF  }
0xad: {  	[dreg:$0x0] =	wrdreg $0x60  }
0xae: {  	[dreg:$0x2] =	wrdreg s24  }
0xaf: {  	[dreg:$0x3] =	wrdreg $0x41000  }
0xb0: {  	[dreg:$0x4] =	wrdreg $0x9  }
0xb1: {  	_ =	task.clear_ibuf [dreg:s6], $0x5FFFF;
	_ =	strace $0x90000055  }
0xb2: {  	s29 =	simm.s32 $0x9;
	_ =	strace $0x80000057  }
0xb3: {  	_ =	swait.ge [sflag:s29], $0x1  }
0xb4: {  	[sflag:s29] =	ssyncadd.s32 $0xFFFFFFFF  }
0xb5: {  	_ =	strace $0x90000057  }
0xb6: {  	_ =	sfence  }
0xb7: {  	s30 =	sld [smem:$0x0];
	_ =	sdelay $0x2  }
0xb8: {  	s31 =	sshll.u32 s1, $0xD;
	s1 =	sshrl.u32 s1, $0x2  }
0xb9: {  	s3 =	sand.u32 $0x4000, s31;
	s1 =	sadd.s32 s1, s30  }
0xba: {  	s0 =	sor.u32 s3, s0;
	s1 =	sshll.u32 s1, $0x11  }
0xbb: {  	s0 =	sor.u32 s1, s0  }
0xbc: {  	s0 =	sadd.s32 $0x8F2B, s0  }
0xbd: {  	[sflag:s0] =	ssyncadd.remote.s32 $0x1  }
0xbe: {  	_ =	sfence.sel $0xFFFF  }
0xbf: {  	[dreg:$0x0] =	wrdreg $0xFFFFFFFF;
	(pc) =	sbr.abs _section_cstart, $3  }
0xc0: {  	[dreg:$0x1] =	wrdreg $0xFFFFFFFF  }
0xc1: {  	_ =	task.clear_ibuf [dreg:s6], $0x2FFFF;
	_ =	strace $0x9FFFFFFF  }
0xc2: {  	(tm) =	ssettm $0x7FFFFFFF  }
0xc3: {  	_ =	shalt  }
tec
execute0_lowered:
.L_overlay_start_1:
0x0: {  	(tag) =	ssettag $0x1  }
0x1: {  	s6 =	rddreg [dreg:$0x0]  }
0x2: {  	s0 =	srdreg.scid;
	s2 =	rddreg [dreg:$0x1]  }
0x3: {  	s1 =	rddreg [dreg:$0x2];
	s5 =	sand.u32 $0x1, s0  }
0x4: {  	s3 =	simm.s32 $0x0;
	s0 =	stileid.u32;
	s4 =	smul.u32 $0x27800, s5  }
0x5: {  	s12 =	simm.s32 $0x2;
	s13 =	simm.s32 $0x80;
	s7 =	smul.u32 $0x2780, s0  }
0x6: {  	s14 =	simm.s32 $0x100;
	s15 =	simm.s32 $0x1;
	s26 =	smul.u32 $0x2800, s0  }
0x7: {  	s16 =	simm.s32 $0x0;
	[smem:$0x7FF] =	sst s3;
	s8 =	smul.u32 $0x28000, s5  }
0x8: {  	_ =	strace $0x80000056;
	s28 =	ssub.s32 $0x2, s5;
	s9 =	smul.u32 $0x50000, s0  }
0x9: {  	s5 =	sadd.s32 $0x36A00, s6;
	s31 =	sshll.u32 s0, $0x6;
	s29 =	sshrl.u32 s28, $0x1  }
0xa: {  	s4 =	sadd.s32 s7, s4;
	s7 =	sadd.s32 s26, s8;
	s8 =	ssub.s32 s28, s29  }
0xb: {  	s30 =	sshrl.u32 s9, $0x2;
	s4 =	sshrl.u32 s4, $0x3;
	s7 =	sadd.s32 s7, s6  }
0xc: {  	s11 =	sadd.s32 s30, s2;
	s8 =	smax.u32 s8, $0x1;
	s10 =	sadd.s32 s4, s6  }
0xd: {  	s4 =	sadd.s32 $0xEA00, s6;
	s6 =	sor.u32 $0x1C02, s31;
	s7 =	sadd.s32 $0x6B800, s7  }
0xe: {  	s11 =	sshrl.u32 s11, $0x3;
	s9 =	sadd.s32 $0x4C00, s10;
	s10 =	sadd.s32 $0x61A00, s10  }
.LBB2_1:
0xf: {  	[spmem:s11], [sflag:s6] =	dma.local [hbm:s5], $0x2800  }
0x10: {  	_ =	swait.ge [sflag:s12], $0x2800  }
0x11: {  	[sflag:s12] =	ssyncset.done $0x0  }
0x12: {  	[sflag:s12] =	ssyncadd.s32 $0xFFFFD800  }
0x13: {  	s17 =	sadd.s32 $0x0, s10;
	[bflag:$0x0] =	sbarrier.arrive $0xFFFF  }
0x14: {  	[tilespmem:s3], [sflag:$0x2] =	stream.linear.gather [hbm4b:s17+s3], $0x80, $0x38;
	[tilespmem:$0x18100] =	vst v63  }
0x15: {  	_ =	swait.ge [sflag:s12], $0x80  }
0x16: {  	[sflag:s12] =	ssyncset.done $0x0  }
0x17: {  	s31 =	sadd.s32 $0x0, s9;
	[sflag:s12] =	ssyncadd.s32 $0xFFFFFF80  }
0x18: {  	[tilespmem:s13], [sflag:$0x2] =	stream.linear.gather [hbm4b:s31+s3], $0x80, $0x38;
	[tilespmem:$0x18100] =	vst v63  }
0x19: {  	_ =	swait.ge [sflag:s12], $0x80  }
0x1a: {  	[sflag:s12] =	ssyncset.done $0x0  }
0x1b: {  	[sflag:s12] =	ssyncadd.s32 $0xFFFFFF80  }
0x1c: {  	[tilespmem:s14], [sflag:$0x1] =	stream.indirect.gather [hbm4b:s4+s13], $0x80, s3, s13, $0xb8;
	[tilespmem:$0x18100] =	vst v63  }
0x1d: {  	_ =	swait.ge [sflag:s15], $0x4000  }
0x1e: {  	[sflag:s15] =	ssyncset.done $0x0  }
0x1f: {  	[sflag:s15] =	ssyncadd.s32 $0xFFFFC000  }
0x20: {  	[spmem:s2] =	stream.indirect.scatter.add.f32 [tilespmem:s14], [sflag:$0x2], $0x80, s13, s13, $0xb8;
	[tilespmem:$0x18100] =	vst v63  }
0x21: {  	_ =	swait.ge [sflag:s12], $0x4000  }
0x22: {  	s18 =	simm.s32 $0x20;
	s17 =	simm.s32 $0x10;
	[sflag:s12] =	ssyncset.done $0x0  }
.LBB2_2:
0x23: {  	s19 =	sadd.s32 s17, s10  }
0x24: {  	[sflag:s12] =	ssyncadd.s32 $0xFFFFC000;
	s20 =	smov.u32 s18;
	s21 =	sadd.s32 $0x10, s18  }
0x25: {  	[tilespmem:s3], [sflag:$0x2] =	stream.linear.gather [hbm4b:s19+s3], $0x80, $0x38;
	[tilespmem:$0x18100] =	vst v63  }
0x26: {  	p0 =	sne.s32 s18, $0x4E0;
	_ =	swait.ge [sflag:s12], $0x80  }
0x27: {  	[sflag:s12] =	ssyncset.done $0x0  }
0x28: {  	s18 =	sadd.s32 s17, s9;
	s17 =	smov.u32 s20;
	[sflag:s12] =	ssyncadd.s32 $0xFFFFFF80  }
0x29: {  	[tilespmem:s13], [sflag:$0x2] =	stream.linear.gather [hbm4b:s18+s3], $0x80, $0x38;
	[tilespmem:$0x18100] =	vst v63  }
0x2a: {  	_ =	swait.ge [sflag:s12], $0x80  }
0x2b: {  	[sflag:s12] =	ssyncset.done $0x0  }
0x2c: {  	[sflag:s12] =	ssyncadd.s32 $0xFFFFFF80  }
0x2d: {  	[tilespmem:s14], [sflag:$0x1] =	stream.indirect.gather [hbm4b:s4+s13], $0x80, s3, s13, $0xb8;
	[tilespmem:$0x18100] =	vst v63  }
0x2e: {  	_ =	swait.ge [sflag:s15], $0x4000  }
.Ltmp0:
0x2f: {  	[sflag:s15] =	ssyncset.done $0x0;
	(pc) =	sbr.rel @p0 .LBB2_2-.Ltmp0, $4  }
0x30: {  	[sflag:s15] =	ssyncadd.s32 $0xFFFFC000  }
0x31: {  	[spmem:s2] =	stream.indirect.scatter.add.f32 [tilespmem:s14], [sflag:$0x2], $0x80, s13, s13, $0xb8;
	[tilespmem:$0x18100] =	vst v63  }
0x32: {  	_ =	swait.ge [sflag:s12], $0x4000  }
0x33: {  	s18 =	smov.u32 s21;
	[sflag:s12] =	ssyncset.done $0x0  }
0x34: {  	s18 =	sadd.s32 s17, s10;
	[sflag:s12] =	ssyncadd.s32 $0xFFFFC000  }
0x35: {  	[tilespmem:s3], [sflag:$0x2] =	stream.linear.gather [hbm4b:s18+s3], $0x80, $0x38;
	[tilespmem:$0x18100] =	vst v63  }
0x36: {  	_ =	swait.ge [sflag:s12], $0x80  }
0x37: {  	[sflag:s12] =	ssyncset.done $0x0  }
0x38: {  	s31 =	sadd.s32 s17, s9;
	[sflag:s12] =	ssyncadd.s32 $0xFFFFFF80  }
0x39: {  	[tilespmem:s13], [sflag:$0x2] =	stream.linear.gather [hbm4b:s31+s3], $0x80, $0x38;
	[tilespmem:$0x18100] =	vst v63  }
0x3a: {  	_ =	swait.ge [sflag:s12], $0x80  }
0x3b: {  	[sflag:s12] =	ssyncset.done $0x0  }
0x3c: {  	[sflag:s12] =	ssyncadd.s32 $0xFFFFFF80  }
0x3d: {  	[tilespmem:s14], [sflag:$0x1] =	stream.indirect.gather [hbm4b:s4+s13], $0x80, s3, s13, $0xb8;
	[tilespmem:$0x18100] =	vst v63  }
0x3e: {  	_ =	swait.ge [sflag:s15], $0x4000  }
0x3f: {  	[sflag:s15] =	ssyncset.done $0x0  }
0x40: {  	[sflag:s15] =	ssyncadd.s32 $0xFFFFC000  }
0x41: {  	[spmem:s2] =	stream.indirect.scatter.add.f32 [tilespmem:s14], [sflag:$0x2], $0x80, s13, s13, $0xb8;
	[tilespmem:$0x18100] =	vst v63  }
0x42: {  	_ =	swait.ge [sflag:s12], $0x4000  }
0x43: {  	[sflag:s12] =	ssyncset.done $0x0  }
0x44: {  	s16 =	sadd.s32 $0x1, s16;
	[sflag:s12] =	ssyncadd.s32 $0xFFFFC000  }
0x45: {  	p0 =	sne.s32 s16, s8;
	[bflag:$0x0] =	sbarrier.arrive $0xFFFF  }
0x46: {  	[hbm:s7], [sflag:s6] =	dma.local [spmem:s11], $0x2800  }
.Ltmp1:
0x47: {  	_ =	swait.ge [sflag:s12], $0x2800;
	(pc) =	sbr.rel @p0 .LBB2_1-.Ltmp1, $3  }
0x48: {  	[sflag:s12] =	ssyncset.done $0x0  }
0x49: {  	[sflag:s12] =	ssyncadd.s32 $0xFFFFD800  }
0x4a: {  	[bflag:$0x0] =	sbarrier.arrive $0xFFFF;
	_ =	sdelay $0x1  }
0x4b: {  	_ =	sfence.sel $0x180000  }
0x4c: {  	[bflag:$0x0] =	sbarrier.arrive $0xFFFF  }
0x4d: {  	p0 =	sne.s32 s0, $0x0;
	_ =	strace $0x90000056  }
0x4e: {  	s0 =	sadd.s32 @!p0 $0x100000, s1;
	[bflag:$0x2] =	sbarrier.arrive $0xFFFF  }
0x4f: {  	[sflag:s0] =	ssyncadd.tile.s32 @!p0 $0x1;
	_ =	shalt  }
.Lfunc_end2:
_tile_overlayer_lowered:
.L_overlay_start_2:
0x50: {  	(tag) =	ssettag $0x2  }
0x51: {  	s0 =	rddreg [dreg:$0x0];
	s2 =	stileid.u32  }
0x52: {  	s1 =	rddreg [dreg:$0x1];
	p0 =	sne.s32 s2, $0x0  }
0x53: {  	s3 =	rddreg [dreg:$0x2];
	[bflag:$0x3] =	sbarrier.arrive $0xFFFF;
	s2 =	simm.s32 @!p0 $0x1C02  }
0x54: {  	[timem:s3], [sflag:s2] =	dma.local @!p0 [hbm:s0], s1  }
0x55: {  	s0 =	simm.s32 @!p0 $0x2  }
0x56: {  	_ =	swait.ge @!p0 [sflag:s0], s1  }
0x57: {  	s1 =	ssub.s32 @!p0 $0x0, s1;
	[sflag:s0] =	ssyncset.done @!p0 $0x0  }
0x58: {  	[sflag:s0] =	ssyncadd.s32 @!p0 s1  }
0x59: {  	[bflag:$0x3] =	sbarrier.arrive $0xFFFF  }
0x5a: {  	_ =	shalt  }

// kernel: kernel.34.cloned.1.call-start
scs
__scs_entry_jumppad:
0x0: {  	(pc) =	sbr.rel $0x88, $3  }
0x1: {  	(tag) =	ssettag $0x0;
	lr =	simm.s32 $0x1  }
0x2: {  	[smem:$0x3F97] =	sst lr;
	_ =	strace $0xD0000000  }
0x3: {  	_ = 	snop  }
0x4: {  	_ = 	snop  }
0x5: {  	_ = 	snop  }
0x6: {  	_ = 	snop  }
0x7: {  	_ = 	snop  }
__scs_overlays_trampoline_lowered:
0x8: {  	[smem:$0x3FA6] =	sst s0  }
0x9: {  	[smem:$0x3FA7] =	sst s1  }
0xa: {  	[smem:$0x3FA8] =	sst s2  }
0xb: {  	[smem:$0x3FA9] =	sst s3  }
0xc: {  	[smem:$0x3FAA] =	sst s4  }
0xd: {  	[smem:$0x3FAB] =	sst s5  }
0xe: {  	[smem:$0x3FAC] =	sst s6  }
0xf: {  	[smem:$0x3FAD] =	sst s7  }
0x10: {  	[smem:$0x3FAE] =	sst s8  }
0x11: {  	[smem:$0x3FAF] =	sst s9;
	s0 =	simm.s32 @!p0 $0x0  }
0x12: {  	s1 =	sld [smem:$0x3F95];
	s0 =	simm.s32 @p0 $0x1  }
0x13: {  	[smem:$0x3FB0] =	sst s0;
	s0 =	simm.s32 @!p1 $0x0  }
0x14: {  	s2 =	sld [smem:$0x3F94];
	s0 =	simm.s32 @p1 $0x1  }
0x15: {  	[smem:$0x3FB1] =	sst s0;
	s0 =	simm.s32 @!p2 $0x0  }
0x16: {  	s3 =	sld [smem:$0x3FDB];
	s0 =	simm.s32 @p2 $0x1  }
0x17: {  	s4 =	simm.s32 $0x1BF5;
	[smem:$0x3FB3] =	sst s0  }
0x18: {  	s0 =	sld [smem:$0x3F96];
	_ =	swait.ge [sflag:s4], $0x0  }
0x19: {  	s7 =	sld [smem:$0x3F97]  }
0x1a: {  	s8 =	sadd.s32 $0xFFFFE003, lr  }
0x1b: {  	s9 =	sadd.s32 $0xFFFFFEF7, lr;
	s5 =	simm.s32 $0xFFFFFFFF;
	p2 =	slt.u32 s8, $0xFFFFF086  }
0x1c: {  	p1 =	slt.u32 s9, $0xF7A;
	s5 =	simm.s32 @!p2 $0x0  }
0x1d: {  	s5 =	simm.s32 @p1 $0x1;
	p0 =	seq.s32 s7, s2  }
0x1e: {  	s7 =	smul.u32 @!p0 $0xF7A, s2;
	p2 =	seq.s32 @!p0 s5, $0x0  }
0x1f: {  	s9 =	smul.u32 $0xF7A, s1;
	s8 =	simm.s32 @!p0 $0x1BF5;
	p2 =	por !p2, p0  }
0x20: {  	[sflag:s8] =	ssyncset.s32 @!p0 $0xFFFFF086;
	s6 =	sadd.s32 @!p0 s3, s7;
	s7 =	simm.s32 @!p0 $0x108  }
0x21: {  	s3 =	sadd.s32 s3, s9;
	s6 =	sadd.s32 @!p0 $0x88, s6;
	s7 =	simm.s32 @p2 $0x1082  }
0x22: {  	[simem:s7], [sflag:s8] =	dma.local @!p0 [hbm:s6], $0xF7A  }
0x23: {  	s9 =	sor.u32 $0xD0000000, s2;
	s6 =	simm.s32 $0x108;
	_ =	swait.ge @!p0 [sflag:s8], $0x0  }
0x24: {  	s3 =	sadd.s32 $0x88, s3;
	s6 =	simm.s32 @!p1 $0x1082;
	[sflag:s4] =	ssyncset.s32 $0xFFFFF086  }
0x25: {  	[simem:s6], [sflag:s4] =	dma.local [hbm:s3], $0xF7A  }
0x26: {  	[smem:$0x3F97] =	sst s1;
	(tag) =	ssettag s2;
	_ =	strace s9  }
0x27: {  	s1 =	sld [smem:$0x3FA7]  }
0x28: {  	s2 =	sld [smem:$0x3FA8]  }
0x29: {  	s4 =	sld [smem:$0x3FAA]  }
0x2a: {  	p0 =	seq.s32 s5, $0x0;
	s5 =	sld [smem:$0x3FAB]  }
0x2b: {  	s6 =	sld [smem:$0x3FAC]  }
0x2c: {  	s7 =	sld [smem:$0x3FAD]  }
0x2d: {  	s3 =	simm.s32 $0x108;
	s8 =	sld [smem:$0x3FAE]  }
0x2e: {  	s3 =	simm.s32 @!p0 $0x1082;
	s9 =	sld [smem:$0x3FAF]  }
0x2f: {  	lr =	sadd.s32 s0, s3;
	s0 =	sld [smem:$0x3FA6]  }
0x30: {  	s3 =	sld [smem:$0x3FA9]  }
0x31: {  	[smem:$0x3FB2] =	sst s10  }
0x32: {  	s10 =	sld [smem:$0x3FB0];
	_ =	sdelay $0x3  }
0x33: {  	p0 =	seq.s32 s10, $0x1;
	s10 =	sld [smem:$0x3FB2];
	_ =	sdelay $0x3  }
0x34: {  	[smem:$0x3FB2] =	sst s10  }
0x35: {  	s10 =	sld [smem:$0x3FB1];
	_ =	sdelay $0x3  }
0x36: {  	p1 =	seq.s32 s10, $0x1;
	s10 =	sld [smem:$0x3FB2];
	_ =	sdelay $0x3  }
0x37: {  	[smem:$0x3FB2] =	sst s10  }
0x38: {  	s10 =	sld [smem:$0x3FB3]  }
0x39: {  	_ = 	snop;
	(pc) =	sbr.ind lr, $3  }
0x3a: {  	_ = 	snop  }
0x3b: {  	_ = 	snop  }
0x3c: {  	p2 =	seq.s32 s10, $0x1;
	s10 =	sld [smem:$0x3FB2]  }
0x3d: {  	_ =	shalt  }
0x3e: {  	_ =	shalt  }
0x3f: {  	_ =	shalt  }
0x40: {  	_ =	shalt  }
0x41: {  	_ =	shalt  }
0x42: {  	_ =	shalt  }
0x43: {  	_ =	shalt  }
0x44: {  	_ =	shalt  }
0x45: {  	_ =	shalt  }
0x46: {  	_ =	shalt  }
0x47: {  	_ =	shalt  }
0x48: {  	_ =	shalt  }
0x49: {  	_ =	shalt  }
0x4a: {  	_ =	shalt  }
0x4b: {  	_ =	shalt  }
0x4c: {  	_ =	shalt  }
0x4d: {  	_ =	shalt  }
0x4e: {  	_ =	shalt  }
0x4f: {  	_ =	shalt  }
0x50: {  	_ =	shalt  }
0x51: {  	_ =	shalt  }
0x52: {  	_ =	shalt  }
0x53: {  	_ =	shalt  }
0x54: {  	_ =	shalt  }
0x55: {  	_ =	shalt  }
0x56: {  	_ =	shalt  }
0x57: {  	_ =	shalt  }
0x58: {  	_ =	shalt  }
0x59: {  	_ =	shalt  }
0x5a: {  	_ =	shalt  }
0x5b: {  	_ =	shalt  }
0x5c: {  	_ =	shalt  }
0x5d: {  	_ =	shalt  }
0x5e: {  	_ =	shalt  }
0x5f: {  	_ =	shalt  }
0x60: {  	_ =	shalt  }
0x61: {  	_ =	shalt  }
0x62: {  	_ =	shalt  }
0x63: {  	_ =	shalt  }
0x64: {  	_ =	shalt  }
0x65: {  	_ =	shalt  }
0x66: {  	_ =	shalt  }
0x67: {  	_ =	shalt  }
0x68: {  	_ =	shalt  }
0x69: {  	_ =	shalt  }
0x6a: {  	_ =	shalt  }
0x6b: {  	_ =	shalt  }
0x6c: {  	_ =	shalt  }
0x6d: {  	_ =	shalt  }
0x6e: {  	_ =	shalt  }
0x6f: {  	_ =	shalt  }
0x70: {  	_ =	shalt  }
0x71: {  	_ =	shalt  }
0x72: {  	_ =	shalt  }
0x73: {  	_ =	shalt  }
0x74: {  	_ =	shalt  }
0x75: {  	_ =	shalt  }
0x76: {  	_ =	shalt  }
0x77: {  	_ =	shalt  }
0x78: {  	_ =	shalt  }
0x79: {  	_ =	shalt  }
0x7a: {  	_ =	shalt  }
0x7b: {  	_ =	shalt  }
0x7c: {  	_ =	shalt  }
0x7d: {  	_ =	shalt  }
0x7e: {  	_ =	shalt  }
0x7f: {  	_ =	shalt  }
0x80: {  	_ =	shalt  }
0x81: {  	_ =	shalt  }
0x82: {  	_ =	shalt  }
0x83: {  	_ =	shalt  }
0x84: {  	_ =	shalt  }
0x85: {  	_ =	shalt  }
0x86: {  	_ =	shalt  }
0x87: {  	_ =	shalt  }
.Lfunc_end0:
.L_simem_size_0:
called_computation.6_lowered:
.L_overlay_start_0:
0x88: {  	s2 =	sld [smem:$0x3FD9]  }
0x89: {  	s3 =	sld [smem:$0x3FFE];
	_ =	sdelay $0x1  }
0x8a: {  	s1 =	srdreg.scid  }
0x8b: {  	s0 =	sand.u32 $0x1, s1  }
0x8c: {  	s16 =	sshll.u32 s0, $0xA;
	s2 =	sadd.s32 s3, s2  }
0x8d: {  	s2 =	sadd.s32 s2, s16  }
0x8e: {  	[smem:$0x3FBE] =	sst s2  }
0x8f: {  	_ = 	snop  }
0x90: {  	(tm) =	ssettm $0x1  }
0x91: {  	s17 =	sld [smem:$0x3FFB];
	_ =	sdelay $0x3  }
0x92: {  	_ =	strace s17  }
0x93: {  	s2 =	sld [smem:$0x3FFC];
	_ =	sdelay $0x3  }
0x94: {  	_ =	strace s2  }
0x95: {  	s2 =	sld [smem:$0x3FFD];
	_ =	sdelay $0x3  }
0x96: {  	_ =	strace s2  }
0x97: {  	_ =	strace $0x8FFFFFFF  }
0x98: {  	s18 =	sld [smem:$0x3FDB];
	_ =	sdelay $0x1  }
0x99: {  	s19 =	simm.s32 $_scs_section_size  }
0x9a: {  	s4 =	simm.s32 $_size__tile_overlayer_lowered;
	s5 =	simm.s32 $_tile_overlayer_lowered  }
0x9b: {  	s22 =	simm.s32 $0x1BFF;
	s21 =	sshll.u32 s5, $0x1;
	s2 =	sadd.s32 s19, s18  }
0x9c: {  	s6 =	simm.s32 $0x0;
	s20 =	sshll.u32 s4, $0x1;
	s4 =	sadd.s32 s21, s2  }
0x9d: {  	[timem:s6], [sflag:s22] =	dma.local [hbm:s4], s20  }
0x9e: {  	_ =	swait.ge [sflag:s22], s20  }
0x9f: {  	s3 =	ssub.s32 $0x0, s20;
	[sflag:s22] =	ssyncset.done $0x0  }
0xa0: {  	[sflag:s22] =	ssyncadd.s32 s3;
	_ =	sdelay $0x1  }
0xa1: {  	s23 =	simm.s32 $0x1B8B  }
0xa2: {  	_ =	swait.ge [sflag:s23], $0x1  }
0xa3: {  	[sflag:s23] =	ssyncset.done $0x0  }
0xa4: {  	s25 =	simm.s32 $0x1B8E;
	s24 =	sld [smem:$0x3FFE];
	[sflag:s23] =	ssyncadd.s32 $0xFFFFFFFF  }
0xa5: {  	s26 =	simm.s32 $execute0_lowered;
	[smem:$0x3FD2] =	sst s25  }
0xa6: {  	s4 =	sshll.u32 s26, $0x1;
	_ =	strace $0x80000058;
	[dreg:$0x1] =	wrdreg $0xFFFFFFFF  }
0xa7: {  	s28 =	simm.s32 $_size_execute0_lowered;
	s2 =	sadd.s32 s2, s4;
	[dreg:$0x0] =	wrdreg $0x0  }
0xa8: {  	s4 =	sshll.u32 s28, $0x1;
	[dreg:$0x2] =	wrdreg s2  }
0xa9: {  	[dreg:$0x3] =	wrdreg s4  }
0xaa: {  	[dreg:$0x4] =	wrdreg $0xC0  }
0xab: {  	_ =	task [dreg:s6], $0x5FFFF  }
0xac: {  	[dreg:$0x1] =	wrdreg $0xFFFFFFFF  }
0xad: {  	[dreg:$0x0] =	wrdreg $0x60  }
0xae: {  	[dreg:$0x2] =	wrdreg s24  }
0xaf: {  	[dreg:$0x3] =	wrdreg $0x41000  }
0xb0: {  	[dreg:$0x4] =	wrdreg $0x9  }
0xb1: {  	_ =	task.clear_ibuf [dreg:s6], $0x5FFFF;
	_ =	strace $0x90000058  }
0xb2: {  	s29 =	simm.s32 $0x9;
	_ =	strace $0x8000005A  }
0xb3: {  	_ =	swait.ge [sflag:s29], $0x1  }
0xb4: {  	[sflag:s29] =	ssyncadd.s32 $0xFFFFFFFF  }
0xb5: {  	_ =	strace $0x9000005A  }
0xb6: {  	_ =	sfence  }
0xb7: {  	s30 =	sld [smem:$0x0];
	_ =	sdelay $0x2  }
0xb8: {  	s31 =	sshll.u32 s1, $0xD;
	s1 =	sshrl.u32 s1, $0x2  }
0xb9: {  	s3 =	sand.u32 $0x4000, s31;
	s1 =	sadd.s32 s1, s30  }
0xba: {  	s0 =	sor.u32 s3, s0;
	s1 =	sshll.u32 s1, $0x11  }
0xbb: {  	s0 =	sor.u32 s1, s0  }
0xbc: {  	s0 =	sadd.s32 $0x8F2B, s0  }
0xbd: {  	[sflag:s0] =	ssyncadd.remote.s32 $0x1  }
0xbe: {  	_ =	sfence.sel $0xFFFF  }
0xbf: {  	[dreg:$0x0] =	wrdreg $0xFFFFFFFF;
	(pc) =	sbr.abs _section_cstart, $3  }
0xc0: {  	[dreg:$0x1] =	wrdreg $0xFFFFFFFF  }
0xc1: {  	_ =	task.clear_ibuf [dreg:s6], $0x2FFFF;
	_ =	strace $0x9FFFFFFF  }
0xc2: {  	(tm) =	ssettm $0x7FFFFFFF  }
0xc3: {  	_ =	shalt  }
tec
execute0_lowered:
.L_overlay_start_1:
0x0: {  	(tag) =	ssettag $0x1  }
0x1: {  	s6 =	rddreg [dreg:$0x0]  }
0x2: {  	s0 =	srdreg.scid;
	s2 =	rddreg [dreg:$0x1]  }
0x3: {  	s1 =	rddreg [dreg:$0x2];
	s5 =	sand.u32 $0x1, s0  }
0x4: {  	s3 =	simm.s32 $0x0;
	s0 =	stileid.u32;
	s4 =	smul.u32 $0x27800, s5  }
0x5: {  	s12 =	simm.s32 $0x2;
	s13 =	simm.s32 $0x80;
	s7 =	smul.u32 $0x2780, s0  }
0x6: {  	s14 =	simm.s32 $0x100;
	s15 =	simm.s32 $0x1;
	s26 =	smul.u32 $0x2800, s0  }
0x7: {  	s16 =	simm.s32 $0x0;
	[smem:$0x7FF] =	sst s3;
	s8 =	smul.u32 $0x28000, s5  }
0x8: {  	_ =	strace $0x80000059;
	s28 =	ssub.s32 $0x2, s5;
	s9 =	smul.u32 $0x50000, s0  }
0x9: {  	s5 =	sadd.s32 $0x36A00, s6;
	s31 =	sshll.u32 s0, $0x6;
	s29 =	sshrl.u32 s28, $0x1  }
0xa: {  	s4 =	sadd.s32 s7, s4;
	s7 =	sadd.s32 s26, s8;
	s8 =	ssub.s32 s28, s29  }
0xb: {  	s30 =	sshrl.u32 s9, $0x2;
	s4 =	sshrl.u32 s4, $0x3;
	s7 =	sadd.s32 s7, s6  }
0xc: {  	s11 =	sadd.s32 s30, s2;
	s8 =	smax.u32 s8, $0x1;
	s10 =	sadd.s32 s4, s6  }
0xd: {  	s4 =	sadd.s32 $0xEA00, s6;
	s6 =	sor.u32 $0x1C02, s31;
	s7 =	sadd.s32 $0x6B800, s7  }
0xe: {  	s11 =	sshrl.u32 s11, $0x3;
	s9 =	sadd.s32 $0x4C00, s10;
	s10 =	sadd.s32 $0x61A00, s10  }
.LBB2_1:
0xf: {  	[spmem:s11], [sflag:s6] =	dma.local [hbm:s5], $0x2800  }
0x10: {  	_ =	swait.ge [sflag:s12], $0x2800  }
0x11: {  	[sflag:s12] =	ssyncset.done $0x0  }
0x12: {  	[sflag:s12] =	ssyncadd.s32 $0xFFFFD800  }
0x13: {  	s17 =	sadd.s32 $0x0, s10;
	[bflag:$0x0] =	sbarrier.arrive $0xFFFF  }
0x14: {  	[tilespmem:s3], [sflag:$0x2] =	stream.linear.gather [hbm4b:s17+s3], $0x80, $0x38;
	[tilespmem:$0x18100] =	vst v63  }
0x15: {  	_ =	swait.ge [sflag:s12], $0x80  }
0x16: {  	[sflag:s12] =	ssyncset.done $0x0  }
0x17: {  	s31 =	sadd.s32 $0x0, s9;
	[sflag:s12] =	ssyncadd.s32 $0xFFFFFF80  }
0x18: {  	[tilespmem:s13], [sflag:$0x2] =	stream.linear.gather [hbm4b:s31+s3], $0x80, $0x38;
	[tilespmem:$0x18100] =	vst v63  }
0x19: {  	_ =	swait.ge [sflag:s12], $0x80  }
0x1a: {  	[sflag:s12] =	ssyncset.done $0x0  }
0x1b: {  	[sflag:s12] =	ssyncadd.s32 $0xFFFFFF80  }
0x1c: {  	[tilespmem:s14], [sflag:$0x1] =	stream.indirect.gather [hbm4b:s4+s13], $0x80, s3, s13, $0xb8;
	[tilespmem:$0x18100] =	vst v63  }
0x1d: {  	_ =	swait.ge [sflag:s15], $0x4000  }
0x1e: {  	[sflag:s15] =	ssyncset.done $0x0  }
0x1f: {  	[sflag:s15] =	ssyncadd.s32 $0xFFFFC000  }
0x20: {  	[spmem:s2] =	stream.indirect.scatter.add.f32 [tilespmem:s14], [sflag:$0x2], $0x80, s13, s13, $0xb8;
	[tilespmem:$0x18100] =	vst v63  }
0x21: {  	_ =	swait.ge [sflag:s12], $0x4000  }
0x22: {  	s18 =	simm.s32 $0x20;
	s17 =	simm.s32 $0x10;
	[sflag:s12] =	ssyncset.done $0x0  }
.LBB2_2:
0x23: {  	s19 =	sadd.s32 s17, s10  }
0x24: {  	[sflag:s12] =	ssyncadd.s32 $0xFFFFC000;
	s20 =	smov.u32 s18;
	s21 =	sadd.s32 $0x10, s18  }
0x25: {  	[tilespmem:s3], [sflag:$0x2] =	stream.linear.gather [hbm4b:s19+s3], $0x80, $0x38;
	[tilespmem:$0x18100] =	vst v63  }
0x26: {  	p0 =	sne.s32 s18, $0x4E0;
	_ =	swait.ge [sflag:s12], $0x80  }
0x27: {  	[sflag:s12] =	ssyncset.done $0x0  }
0x28: {  	s18 =	sadd.s32 s17, s9;
	s17 =	smov.u32 s20;
	[sflag:s12] =	ssyncadd.s32 $0xFFFFFF80  }
0x29: {  	[tilespmem:s13], [sflag:$0x2] =	stream.linear.gather [hbm4b:s18+s3], $0x80, $0x38;
	[tilespmem:$0x18100] =	vst v63  }
0x2a: {  	_ =	swait.ge [sflag:s12], $0x80  }
0x2b: {  	[sflag:s12] =	ssyncset.done $0x0  }
0x2c: {  	[sflag:s12] =	ssyncadd.s32 $0xFFFFFF80  }
0x2d: {  	[tilespmem:s14], [sflag:$0x1] =	stream.indirect.gather [hbm4b:s4+s13], $0x80, s3, s13, $0xb8;
	[tilespmem:$0x18100] =	vst v63  }
0x2e: {  	_ =	swait.ge [sflag:s15], $0x4000  }
.Ltmp0:
0x2f: {  	[sflag:s15] =	ssyncset.done $0x0;
	(pc) =	sbr.rel @p0 .LBB2_2-.Ltmp0, $4  }
0x30: {  	[sflag:s15] =	ssyncadd.s32 $0xFFFFC000  }
0x31: {  	[spmem:s2] =	stream.indirect.scatter.add.f32 [tilespmem:s14], [sflag:$0x2], $0x80, s13, s13, $0xb8;
	[tilespmem:$0x18100] =	vst v63  }
0x32: {  	_ =	swait.ge [sflag:s12], $0x4000  }
0x33: {  	s18 =	smov.u32 s21;
	[sflag:s12] =	ssyncset.done $0x0  }
0x34: {  	s18 =	sadd.s32 s17, s10;
	[sflag:s12] =	ssyncadd.s32 $0xFFFFC000  }
0x35: {  	[tilespmem:s3], [sflag:$0x2] =	stream.linear.gather [hbm4b:s18+s3], $0x80, $0x38;
	[tilespmem:$0x18100] =	vst v63  }
0x36: {  	_ =	swait.ge [sflag:s12], $0x80  }
0x37: {  	[sflag:s12] =	ssyncset.done $0x0  }
0x38: {  	s31 =	sadd.s32 s17, s9;
	[sflag:s12] =	ssyncadd.s32 $0xFFFFFF80  }
0x39: {  	[tilespmem:s13], [sflag:$0x2] =	stream.linear.gather [hbm4b:s31+s3], $0x80, $0x38;
	[tilespmem:$0x18100] =	vst v63  }
0x3a: {  	_ =	swait.ge [sflag:s12], $0x80  }
0x3b: {  	[sflag:s12] =	ssyncset.done $0x0  }
0x3c: {  	[sflag:s12] =	ssyncadd.s32 $0xFFFFFF80  }
0x3d: {  	[tilespmem:s14], [sflag:$0x1] =	stream.indirect.gather [hbm4b:s4+s13], $0x80, s3, s13, $0xb8;
	[tilespmem:$0x18100] =	vst v63  }
0x3e: {  	_ =	swait.ge [sflag:s15], $0x4000  }
0x3f: {  	[sflag:s15] =	ssyncset.done $0x0  }
0x40: {  	[sflag:s15] =	ssyncadd.s32 $0xFFFFC000  }
0x41: {  	[spmem:s2] =	stream.indirect.scatter.add.f32 [tilespmem:s14], [sflag:$0x2], $0x80, s13, s13, $0xb8;
	[tilespmem:$0x18100] =	vst v63  }
0x42: {  	_ =	swait.ge [sflag:s12], $0x4000  }
0x43: {  	[sflag:s12] =	ssyncset.done $0x0  }
0x44: {  	s16 =	sadd.s32 $0x1, s16;
	[sflag:s12] =	ssyncadd.s32 $0xFFFFC000  }
0x45: {  	p0 =	sne.s32 s16, s8;
	[bflag:$0x0] =	sbarrier.arrive $0xFFFF  }
0x46: {  	[hbm:s7], [sflag:s6] =	dma.local [spmem:s11], $0x2800  }
.Ltmp1:
0x47: {  	_ =	swait.ge [sflag:s12], $0x2800;
	(pc) =	sbr.rel @p0 .LBB2_1-.Ltmp1, $3  }
0x48: {  	[sflag:s12] =	ssyncset.done $0x0  }
0x49: {  	[sflag:s12] =	ssyncadd.s32 $0xFFFFD800  }
0x4a: {  	[bflag:$0x0] =	sbarrier.arrive $0xFFFF;
	_ =	sdelay $0x1  }
0x4b: {  	_ =	sfence.sel $0x180000  }
0x4c: {  	[bflag:$0x0] =	sbarrier.arrive $0xFFFF  }
0x4d: {  	p0 =	sne.s32 s0, $0x0;
	_ =	strace $0x90000059  }
0x4e: {  	s0 =	sadd.s32 @!p0 $0x100000, s1;
	[bflag:$0x2] =	sbarrier.arrive $0xFFFF  }
0x4f: {  	[sflag:s0] =	ssyncadd.tile.s32 @!p0 $0x1;
	_ =	shalt  }
.Lfunc_end2:
_tile_overlayer_lowered:
.L_overlay_start_2:
0x50: {  	(tag) =	ssettag $0x2  }
0x51: {  	s0 =	rddreg [dreg:$0x0];
	s2 =	stileid.u32  }
0x52: {  	s1 =	rddreg [dreg:$0x1];
	p0 =	sne.s32 s2, $0x0  }
0x53: {  	s3 =	rddreg [dreg:$0x2];
	[bflag:$0x3] =	sbarrier.arrive $0xFFFF;
	s2 =	simm.s32 @!p0 $0x1C02  }
0x54: {  	[timem:s3], [sflag:s2] =	dma.local @!p0 [hbm:s0], s1  }
0x55: {  	s0 =	simm.s32 @!p0 $0x2  }
0x56: {  	_ =	swait.ge @!p0 [sflag:s0], s1  }
0x57: {  	s1 =	ssub.s32 @!p0 $0x0, s1;
	[sflag:s0] =	ssyncset.done @!p0 $0x0  }
0x58: {  	[sflag:s0] =	ssyncadd.s32 @!p0 s1  }
0x59: {  	[bflag:$0x3] =	sbarrier.arrive $0xFFFF  }
0x5a: {  	_ =	shalt  }

</sc_bundles>
